<compile_context>
chip_gen: v7x
topology: tpu7x:2x2x1
jax: 0.10.2.dev20260603
libtpu: 0.0.44.dev20260713+nightly
codegen_flags: <defaults>
</compile_context>

<pallas_src>
import functools

import jax
import jax.numpy as jnp
from jax import lax
from jax.experimental import pallas as pl
from jax.experimental.pallas import tpu as pltpu
from jax.experimental.pallas import tpu_sc as plsc

ALPHA, BETA = 0.2, 0.8
NC, NS = 2, 16
CHUNK = 125
DEPTH = 5
LA = 3
DEGW = 8

_F32 = jnp.float32


def _mesh():
    return plsc.VectorSubcoreMesh(core_axis_name="c", subcore_axis_name="s",
                                  num_cores=NC, num_subcores=NS)


_SC_PARAMS = pltpu.CompilerParams(use_tc_tiling_on_sc=False)


def _row_split(n):
    rps = (n // 8 // NS) * 8
    return rps, rps * NS, n - rps * NS


def _zero_acc(zeros_hbm, acc, s, rps, tail_base, tail):
    pltpu.sync_copy(zeros_hbm.at[pl.ds(s * rps, rps)],
                    acc.at[pl.ds(s * rps, rps)])
    if tail:
        @pl.when(s == NS - 1)
        def _():
            pltpu.sync_copy(zeros_hbm.at[pl.ds(tail_base, tail)],
                            acc.at[pl.ds(tail_base, tail)])


def _copy_out(acc, out_c, s, rps, tail_base, tail):
    pltpu.sync_copy(acc.at[pl.ds(s * rps, rps)],
                    out_c.at[pl.ds(s * rps, rps)])
    if tail:
        @pl.when(s == NS - 1)
        def _():
            pltpu.sync_copy(acc.at[pl.ds(tail_base, tail)],
                            out_c.at[pl.ds(tail_base, tail)])


def _make_deg_kernel(n, e):
    rows_per_sub = e // CHUNK // NS
    ngroups = rows_per_sub // DEPTH
    rps, tail_base, tail = _row_split(n)

    @functools.partial(
        pl.kernel,
        out_type=jax.ShapeDtypeStruct((NC, n, DEGW), _F32),
        mesh=_mesh(),
        compiler_params=_SC_PARAMS,
        scratch_types=[
            pltpu.VMEM((rows_per_sub, CHUNK), jnp.int32),
            pltpu.VMEM((CHUNK, DEGW), _F32),
            pltpu.VMEM_SHARED((n, DEGW), _F32),
        ] + [pltpu.SemaphoreType.DMA] * DEPTH,
    )
    def deg_kernel(ei3d, zeros_hbm, ones_hbm, out, slab, ones_v, acc,
                   *ssems):
        c = lax.axis_index("c")
        s = lax.axis_index("s")
        _zero_acc(zeros_hbm, acc, s, rps, tail_base, tail)
        pltpu.sync_copy(ones_hbm, ones_v)
        row0 = s * rows_per_sub
        pltpu.sync_copy(ei3d.at[c, pl.ds(row0, rows_per_sub)], slab)

        plsc.subcore_barrier()

        def group(i, carry):
            for k in range(DEPTH):
                j = i * DEPTH + k

                @pl.when(j >= DEPTH)
                def _():
                    pltpu.make_async_copy(
                        ones_v, acc.at[pl.ds(0, CHUNK)], ssems[k]).wait()
                pltpu.async_copy(ones_v, acc.at[slab.at[j]], ssems[k],
                                 add=True)
            return carry
        lax.fori_loop(0, ngroups, group, 0)
        for k in range(DEPTH):
            pltpu.make_async_copy(
                ones_v, acc.at[pl.ds(0, CHUNK)], ssems[k]).wait()

        plsc.subcore_barrier()
        _copy_out(acc, out.at[c], s, rps, tail_base, tail)

    return deg_kernel


def _make_prop_half_kernel(n, e, f, sdim):
    rows_per_sub = e // CHUNK // NC // NS
    nch = rows_per_sub
    assert nch % DEPTH == 0
    ngroups = nch // DEPTH
    rps, tail_base, tail = _row_split(n)

    @functools.partial(
        pl.kernel,
        out_type=jax.ShapeDtypeStruct((NC, n, f), _F32),
        mesh=_mesh(),
        compiler_params=_SC_PARAMS,
        scratch_types=[
            pltpu.VMEM((nch, CHUNK), jnp.int32),
            pltpu.VMEM((nch, CHUNK), jnp.int32),
        ] + [pltpu.VMEM((CHUNK, f), _F32)] * DEPTH + [
            pltpu.VMEM_SHARED((n, f), _F32),
        ] + [pltpu.SemaphoreType.DMA] * (2 * DEPTH),
    )
    def prop_half(tab, ei3d, zeros_hbm, out, idxs, idxd,
                  b0, b1, b2, b3, b4, acc, *sems):
        bufs = (b0, b1, b2, b3, b4)
        gsems = sems[:DEPTH]
        ssems = sems[DEPTH:]
        c = lax.axis_index("c")
        s = lax.axis_index("s")
        _zero_acc(zeros_hbm, acc, s, rps, tail_base, tail)
        row0 = (c * NS + s) * nch
        pltpu.sync_copy(ei3d.at[sdim, pl.ds(row0, nch)], idxs)
        pltpu.sync_copy(ei3d.at[1 - sdim, pl.ds(row0, nch)], idxd)
        plsc.subcore_barrier()

        for k in range(LA):
            pltpu.async_copy(tab.at[idxs.at[k]], bufs[k], gsems[k])

        def group(i, carry):
            for k in range(DEPTH):
                j = i * DEPTH + k
                k2 = (k + LA) % DEPTH
                pltpu.make_async_copy(
                    zeros_hbm.at[pl.ds(0, CHUNK)], bufs[k], gsems[k]).wait()
                pltpu.async_copy(bufs[k], acc.at[idxd.at[j]], ssems[k],
                                 add=True)
                @pl.when(j + LA < nch)
                def _():
                    @pl.when(j >= DEPTH - LA)
                    def _():
                        pltpu.make_async_copy(
                            bufs[k2], acc.at[pl.ds(0, CHUNK)],
                            ssems[k2]).wait()
                    pltpu.async_copy(tab.at[idxs.at[j + LA]], bufs[k2],
                                     gsems[k2])
            return carry
        lax.fori_loop(0, ngroups, group, 0)
        for k in range(DEPTH):
            pltpu.make_async_copy(
                bufs[k], acc.at[pl.ds(0, CHUNK)], ssems[k]).wait()

        plsc.subcore_barrier()
        _copy_out(acc, out.at[c], s, rps, tail_base, tail)

    return prop_half


def _ipow(deg, p):
    return jnp.exp(p * jnp.log(deg))


def _tc1a_body(x_ref, wi_ref, bi_ref, wt1_ref, bt1_ref, htr_ref):
    u = jnp.dot(x_ref[...], wi_ref[...], preferred_element_type=_F32) + bi_ref[...]
    htr_ref[...] = jnp.dot(u, wt1_ref[...], preferred_element_type=_F32) + bt1_ref[...]


def _tc1b_body(htr_ref, deg_ref, htt_ref, sc_ref):
    din = deg_ref[1][:, 0:1] + 1.0
    dout = deg_ref[0][:, 0:1] + 1.0
    n = htr_ref.shape[0]
    da, db = _ipow(din, -ALPHA), _ipow(din, -BETA)
    oa, ob = _ipow(dout, -ALPHA), _ipow(dout, -BETA)
    sc_ref[...] = jnp.concatenate(
        [jnp.broadcast_to(v, (n, 32)) for v in (da, db, oa, ob)], axis=1)
    htt_ref[...] = db * htr_ref[...]


def _tc2_body(q_ref, htt_ref, sc_ref, ws2_ref, bs2_ref, h2s_ref):
    oa, ob = sc_ref[:, 64:65], sc_ref[:, 96:97]
    t1 = jnp.maximum(oa * (q_ref[0] + q_ref[1] + htt_ref[...]), 0.0)
    h2s = jnp.dot(t1, ws2_ref[...], preferred_element_type=_F32) + bs2_ref[...]
    h2s_ref[...] = ob * h2s


def _tc3_body(p_ref, h2s_ref, sc_ref, wt2_ref, bt2_ref,
              s2_ref, h2t_ref):
    da, db = sc_ref[:, 0:1], sc_ref[:, 32:33]
    s2 = da * (p_ref[0] + p_ref[1] + h2s_ref[...])
    s2_ref[...] = s2
    h2t = jnp.dot(s2, wt2_ref[...], preferred_element_type=_F32) + bt2_ref[...]
    h2t_ref[...] = db * h2t


def _tc4_body(q_ref, h2t_ref, sc_ref, s2_ref, out_ref):
    oa = sc_ref[:, 64:65]
    t2 = oa * (q_ref[0] + q_ref[1] + h2t_ref[...])
    out_ref[...] = jnp.concatenate([s2_ref[...], t2], axis=1)


def kernel(x, edge_index, W_init, b_init, W_s1, b_s1, W_t1, b_t1,
           W_s2, b_s2, W_t2, b_t2):
    n, d = x.shape
    e = edge_index.shape[1]
    h = W_s1.shape[1]
    o = W_s2.shape[1]

    ei3d = edge_index.reshape(2, -1, CHUNK)
    zeros_deg = jnp.zeros((n, DEGW), _F32)
    ones_chunk = jnp.ones((CHUNK, DEGW), _F32)
    zeros_f = jnp.zeros((n, h), _F32)

    bi = b_init.reshape(1, d)
    bt1 = b_t1.reshape(1, h)
    bs2 = b_s2.reshape(1, o)
    bt2 = b_t2.reshape(1, o)

    deg = _make_deg_kernel(n, e)(ei3d, zeros_deg, ones_chunk)

    htr = pl.pallas_call(
        _tc1a_body,
        out_shape=jax.ShapeDtypeStruct((n, h), _F32),
    )(x, W_init, bi, W_t1, bt1)

    htt, scales = pl.pallas_call(
        _tc1b_body,
        out_shape=(jax.ShapeDtypeStruct((n, h), _F32),
                   jax.ShapeDtypeStruct((n, 128), _F32)),
    )(htr, deg)

    prop_rev = _make_prop_half_kernel(n, e, h, 1)
    prop_fwd = _make_prop_half_kernel(n, e, h, 0)

    parts_t1 = prop_rev(htt, ei3d, zeros_f)

    h2s = pl.pallas_call(
        _tc2_body,
        out_shape=jax.ShapeDtypeStruct((n, o), _F32),
    )(parts_t1, htt, scales, W_s2, bs2)

    parts_s = prop_fwd(h2s, ei3d, zeros_f)

    s2, h2t = pl.pallas_call(
        _tc3_body,
        out_shape=(jax.ShapeDtypeStruct((n, o), _F32),
                   jax.ShapeDtypeStruct((n, o), _F32)),
    )(parts_s, h2s, scales, W_t2, bt2)

    parts_t2 = prop_rev(h2t, ei3d, zeros_f)

    return pl.pallas_call(
        _tc4_body,
        out_shape=jax.ShapeDtypeStruct((n, 2 * o), _F32),
    )(parts_t2, h2t, scales, s2)

# --- scband reference (transcript-rebuilt; emitter-appended) ---
"""Pipeline reference for scband-digae-se-77403900609212 (READ-ONLY COPY).

The authoritative reference and input builder live on the scoring server;
editing this copy changes nothing except your own understanding.
"""

import jax, jax.numpy as jnp
import numpy as np

N, D, H, O = 10000, 128, 64, 64
E = 320000
ALPHA, BETA = 0.2, 0.8

def _glorot(key, shape):
    lim = float(np.sqrt(6.0 / (shape[0] + shape[1])))
    return jax.random.uniform(key, shape, jnp.float32, -lim, lim)

def setup_inputs(seed: int = 0):
    key = jax.random.key(seed)
    ks = jax.random.split(key, 12)
    inp = {}
    inp["x"] = jax.random.normal(ks[0], (N, D), dtype=jnp.float32)
    inp["edge_index"] = jax.random.randint(ks[1], (2, E), 0, N, dtype=jnp.int32)
    inp["W_init"] = _glorot(ks[2], (D, D))
    inp["b_init"] = jnp.zeros((D,), jnp.float32)
    inp["W_s1"] = _glorot(ks[3], (D, H))
    inp["b_s1"] = jnp.zeros((H,), jnp.float32)
    inp["W_t1"] = _glorot(ks[4], (D, H))
    inp["b_t1"] = jnp.zeros((H,), jnp.float32)
    inp["W_s2"] = _glorot(ks[5], (H, O))
    inp["b_s2"] = jnp.zeros((O,), jnp.float32)
    inp["W_t2"] = _glorot(ks[6], (H, O))
    inp["b_t2"] = jnp.zeros((O,), jnp.float32)
    return inp

def _dgcn_conv(x, edge_index, W, b):
    # DirectedGCNConv: add self-loops, linear transform, D_in^-alpha / D_out^-beta
    # normalized message passing with sum aggregation (PyG aggr='add').
    n = x.shape[0]
    loop = jnp.arange(n, dtype=edge_index.dtype)
    ei = jnp.concatenate([edge_index, jnp.stack([loop, loop])], axis=1)
    h = x @ W + b
    row, col = ei[0], ei[1]
    ones = jnp.ones(ei.shape[1], h.dtype)
    in_deg = jnp.zeros(n, h.dtype).at[col].add(ones)
    out_deg = jnp.zeros(n, h.dtype).at[row].add(ones)
    norm = jnp.power(in_deg[col], -ALPHA) * jnp.power(out_deg[row], -BETA)
    msg = norm[:, None] * h[row]
    return jnp.zeros((n, h.shape[1]), h.dtype).at[col].add(msg)

def reference(x, edge_index, W_init, b_init, W_s1, b_s1, W_t1, b_t1, W_s2, b_s2, W_t2, b_t2):
    # initial_encoder applied to both streams (shared Linear)
    u = x @ W_init + b_init
    v = x @ W_init + b_init
    ei_f = jnp.flip(edge_index, axis=0)
    # DirectedGCNConvEncoder (DiGAE): source stream aggregates from target
    # stream over forward edges; target stream over reversed edges.
    s = jax.nn.relu(_dgcn_conv(v, edge_index, W_s1, b_s1))
    t = jax.nn.relu(_dgcn_conv(u, ei_f, W_t1, b_t1))
    s = _dgcn_conv(t, edge_index, W_s2, b_s2)
    t = _dgcn_conv(s, ei_f, W_t2, b_t2)
    return jnp.concatenate([s, t], axis=1)

if __name__ == "__main__":
    import jax
    _d = setup_inputs()
    print(jax.jit(kernel)(*tuple(_d.values())))

</pallas_src>

<mosaic_0001>
#map = affine_map<(d0, d1) -> (0, 0, 0)>
#map1 = affine_map<(d0, d1) -> (0, 0)>
module attributes {stable_mosaic.version = 14 : i64} {
  func.func @deg_kernel(%arg0: i32, %arg1: i32, %arg2: memref<2x2560x125xi32, #tpu.memory_space<hbm>>, %arg3: memref<10000x8xf32, #tpu.memory_space<hbm>>, %arg4: memref<125x8xf32, #tpu.memory_space<hbm>>, %arg5: memref<2x10000x8xf32, #tpu.memory_space<hbm>>, %arg6: memref<160x125xi32, #tpu.memory_space<vmem>>, %arg7: memref<125x8xf32, #tpu.memory_space<vmem>>, %arg8: memref<10000x8xf32, #tpu.memory_space<vmem_shared>>, %arg9: memref<!tpu.dma_semaphore, #tpu.memory_space<semaphore_mem>>, %arg10: memref<!tpu.dma_semaphore, #tpu.memory_space<semaphore_mem>>, %arg11: memref<!tpu.dma_semaphore, #tpu.memory_space<semaphore_mem>>, %arg12: memref<!tpu.dma_semaphore, #tpu.memory_space<semaphore_mem>>, %arg13: memref<!tpu.dma_semaphore, #tpu.memory_space<semaphore_mem>>) attributes {dimension_semantics = [#tpu.dimension_semantics<core_parallel>, #tpu.dimension_semantics<subcore_parallel>], iteration_bounds = array<i64: 2, 16>, scalar_prefetch = 0 : i64, scratch_operands = 8 : i64, tpu.core_type = #tpu.core_type<sc_vector_subcore>, window_params = [{transform_indices = #map}, {transform_indices = #map1}, {transform_indices = #map1}, {transform_indices = #map}]} {
    %mul3A = arith.constant 624 : i32
    %mul3A_0 = arith.muli %arg1, %mul3A : i32
    %mul3A_1 = arith.constant 624 : i32
    %mul3A_2 = arith.muli %arg1, %mul3A_1 : i32
    "tpu.region"() ({
      %run_scoped3A = tpu.sem_alloc : memref<!tpu.dma_semaphore, #tpu.memory_space<semaphore_mem>>
      %dma_start3A = arith.constant 0 : i32
      %dma_start3A_51 = tpu.memref_slice %arg8[%mul3A_2, %dma_start3A] : memref<10000x8xf32, #tpu.memory_space<vmem_shared>> -> memref<624x8xf32, #tpu.memory_space<vmem_shared>>
      %dma_start3A_52 = arith.constant 0 : i32
      %dma_start3A_53 = tpu.memref_slice %arg3[%mul3A_0, %dma_start3A_52] : memref<10000x8xf32, #tpu.memory_space<hbm>> -> memref<624x8xf32, #tpu.memory_space<hbm>>
      tpu.enqueue_dma source(%dma_start3A_53 : memref<624x8xf32, #tpu.memory_space<hbm>>) target(%dma_start3A_51 : memref<624x8xf32, #tpu.memory_space<vmem_shared>>) target_semaphore(%run_scoped3A : memref<!tpu.dma_semaphore, #tpu.memory_space<semaphore_mem>>)
      %dma_wait3A_54 = arith.constant 0 : i32
      %dma_wait3A_55 = tpu.memref_slice %arg8[%mul3A_2, %dma_wait3A_54] : memref<10000x8xf32, #tpu.memory_space<vmem_shared>> -> memref<624x8xf32, #tpu.memory_space<vmem_shared>>
      %dma_wait3A_56 = arith.constant 0 : i32
      %dma_wait3A_57 = tpu.memref_slice %arg3[%mul3A_0, %dma_wait3A_56] : memref<10000x8xf32, #tpu.memory_space<hbm>> -> memref<624x8xf32, #tpu.memory_space<hbm>>
      tpu.wait_dma2 semaphore(%run_scoped3A : memref<!tpu.dma_semaphore, #tpu.memory_space<semaphore_mem>>) src(%dma_wait3A_57 : memref<624x8xf32, #tpu.memory_space<hbm>>) dst(%dma_wait3A_55 : memref<624x8xf32, #tpu.memory_space<vmem_shared>>)
      tpu.yield
    }) : () -> ()
    %eq3A = arith.constant 15 : i32
    %eq3A_3 = arith.cmpi eq, %arg1, %eq3A : i32
    %convert_element_type3A = arith.extui %eq3A_3 : i1 to i32
    %cond3A = arith.constant 0 : i32
    %cond3A_4 = arith.cmpi ne, %convert_element_type3A, %cond3A : i32
    scf.if %cond3A_4 {
      "tpu.region"() ({
        %run_scoped3A = tpu.sem_alloc : memref<!tpu.dma_semaphore, #tpu.memory_space<semaphore_mem>>
        %dma_start3A = arith.constant 9984 : i32
        %dma_start3A_51 = arith.constant 0 : i32
        %dma_start3A_52 = tpu.memref_slice %arg8[%dma_start3A, %dma_start3A_51] : memref<10000x8xf32, #tpu.memory_space<vmem_shared>> -> memref<16x8xf32, #tpu.memory_space<vmem_shared>>
        %dma_start3A_53 = arith.constant 9984 : i32
        %dma_start3A_54 = arith.constant 0 : i32
        %dma_start3A_55 = tpu.memref_slice %arg3[%dma_start3A_53, %dma_start3A_54] : memref<10000x8xf32, #tpu.memory_space<hbm>> -> memref<16x8xf32, #tpu.memory_space<hbm>>
        tpu.enqueue_dma source(%dma_start3A_55 : memref<16x8xf32, #tpu.memory_space<hbm>>) target(%dma_start3A_52 : memref<16x8xf32, #tpu.memory_space<vmem_shared>>) target_semaphore(%run_scoped3A : memref<!tpu.dma_semaphore, #tpu.memory_space<semaphore_mem>>)
        %dma_wait3A_56 = arith.constant 9984 : i32
        %dma_wait3A_57 = arith.constant 0 : i32
        %dma_wait3A_58 = tpu.memref_slice %arg8[%dma_wait3A_56, %dma_wait3A_57] : memref<10000x8xf32, #tpu.memory_space<vmem_shared>> -> memref<16x8xf32, #tpu.memory_space<vmem_shared>>
        %dma_wait3A_59 = arith.constant 9984 : i32
        %dma_wait3A_60 = arith.constant 0 : i32
        %dma_wait3A_61 = tpu.memref_slice %arg3[%dma_wait3A_59, %dma_wait3A_60] : memref<10000x8xf32, #tpu.memory_space<hbm>> -> memref<16x8xf32, #tpu.memory_space<hbm>>
        tpu.wait_dma2 semaphore(%run_scoped3A : memref<!tpu.dma_semaphore, #tpu.memory_space<semaphore_mem>>) src(%dma_wait3A_61 : memref<16x8xf32, #tpu.memory_space<hbm>>) dst(%dma_wait3A_58 : memref<16x8xf32, #tpu.memory_space<vmem_shared>>)
        tpu.yield
      }) : () -> ()
    } else {
    }
    "tpu.region"() ({
      %run_scoped3A = tpu.sem_alloc : memref<!tpu.dma_semaphore, #tpu.memory_space<semaphore_mem>>
      tpu.enqueue_dma source(%arg4 : memref<125x8xf32, #tpu.memory_space<hbm>>) target(%arg7 : memref<125x8xf32, #tpu.memory_space<vmem>>) target_semaphore(%run_scoped3A : memref<!tpu.dma_semaphore, #tpu.memory_space<semaphore_mem>>)
      tpu.wait_dma2 semaphore(%run_scoped3A : memref<!tpu.dma_semaphore, #tpu.memory_space<semaphore_mem>>) src(%arg4 : memref<125x8xf32, #tpu.memory_space<hbm>>) dst(%arg7 : memref<125x8xf32, #tpu.memory_space<vmem>>)
      tpu.yield
    }) : () -> ()
    %mul3A_5 = arith.constant 160 : i32
    %mul3A_6 = arith.muli %arg1, %mul3A_5 : i32
    "tpu.region"() ({
      %run_scoped3A = tpu.sem_alloc : memref<!tpu.dma_semaphore, #tpu.memory_space<semaphore_mem>>
      %dma_start3A = arith.constant 0 : i32
      %dma_start3A_51 = tpu.memref_slice %arg2[%arg0, %mul3A_6, %dma_start3A] : memref<2x2560x125xi32, #tpu.memory_space<hbm>> -> memref<1x160x125xi32, #tpu.memory_space<hbm>>
      %dma_start3A_52 = tpu.memref_squeeze %dma_start3A_51 : memref<1x160x125xi32, #tpu.memory_space<hbm>> -> memref<160x125xi32, #tpu.memory_space<hbm>>
      %dma_start3A_53 = arith.constant 0 : i32
      %dma_start3A_54 = tpu.memref_slice %arg2[%arg0, %mul3A_6, %dma_start3A_53] : memref<2x2560x125xi32, #tpu.memory_space<hbm>> -> memref<1x160x125xi32, #tpu.memory_space<hbm>>
      %dma_start3A_55 = tpu.memref_squeeze %dma_start3A_54 : memref<1x160x125xi32, #tpu.memory_space<hbm>> -> memref<160x125xi32, #tpu.memory_space<hbm>>
      tpu.enqueue_dma source(%dma_start3A_55 : memref<160x125xi32, #tpu.memory_space<hbm>>) target(%arg6 : memref<160x125xi32, #tpu.memory_space<vmem>>) target_semaphore(%run_scoped3A : memref<!tpu.dma_semaphore, #tpu.memory_space<semaphore_mem>>)
      %dma_wait3A_56 = arith.constant 0 : i32
      %dma_wait3A_57 = tpu.memref_slice %arg2[%arg0, %mul3A_6, %dma_wait3A_56] : memref<2x2560x125xi32, #tpu.memory_space<hbm>> -> memref<1x160x125xi32, #tpu.memory_space<hbm>>
      %dma_wait3A_58 = tpu.memref_squeeze %dma_wait3A_57 : memref<1x160x125xi32, #tpu.memory_space<hbm>> -> memref<160x125xi32, #tpu.memory_space<hbm>>
      %dma_wait3A_59 = arith.constant 0 : i32
      %dma_wait3A_60 = tpu.memref_slice %arg2[%arg0, %mul3A_6, %dma_wait3A_59] : memref<2x2560x125xi32, #tpu.memory_space<hbm>> -> memref<1x160x125xi32, #tpu.memory_space<hbm>>
      %dma_wait3A_61 = tpu.memref_squeeze %dma_wait3A_60 : memref<1x160x125xi32, #tpu.memory_space<hbm>> -> memref<160x125xi32, #tpu.memory_space<hbm>>
      tpu.wait_dma2 semaphore(%run_scoped3A : memref<!tpu.dma_semaphore, #tpu.memory_space<semaphore_mem>>) src(%dma_wait3A_61 : memref<160x125xi32, #tpu.memory_space<hbm>>) dst(%arg6 : memref<160x125xi32, #tpu.memory_space<vmem>>)
      tpu.yield
    }) : () -> ()
    %barrier3A = arith.constant 0 : index
    tpu.barrier barrier_id(%barrier3A)
    %scan3A = arith.constant 0 : i32
    %scan3A_7 = arith.constant 0 : i32
    %scan3A_8 = arith.constant 32 : i32
    %scan3A_9 = arith.addi %scan3A_7, %scan3A_8 : i32
    %scan3A_10 = arith.constant 1 : i32
    scf.for %scan3A_51 = %scan3A_7 to %scan3A_9 step %scan3A_10  : i32 {
      %mul3A_52 = arith.constant 5 : i32
      %mul3A_53 = arith.muli %scan3A_51, %mul3A_52 : i32
      %add3A = arith.constant 0 : i32
      %add3A_54 = arith.addi %mul3A_53, %add3A : i32
      %ge3A = arith.constant 5 : i32
      %ge3A_55 = arith.cmpi sge, %add3A_54, %ge3A : i32
      %convert_element_type3A_56 = arith.extui %ge3A_55 : i1 to i32
      %cond3A_57 = arith.constant 0 : i32
      %cond3A_58 = arith.cmpi ne, %convert_element_type3A_56, %cond3A_57 : i32
      scf.if %cond3A_58 {
        %dma_wait3A_124 = arith.constant 0 : i32
        %dma_wait3A_125 = arith.constant 0 : i32
        %dma_wait3A_126 = tpu.memref_slice %arg8[%dma_wait3A_124, %dma_wait3A_125] : memref<10000x8xf32, #tpu.memory_space<vmem_shared>> -> memref<125x8xf32, #tpu.memory_space<vmem_shared>>
        %dma_wait3A_127 = arith.constant 0 : i32
        %dma_wait3A_128 = arith.constant 0 : i32
        %dma_wait3A_129 = tpu.memref_slice %arg8[%dma_wait3A_127, %dma_wait3A_128] : memref<10000x8xf32, #tpu.memory_space<vmem_shared>> -> memref<125x8xf32, #tpu.memory_space<vmem_shared>>
        tpu.wait_dma2 semaphore(%arg9 : memref<!tpu.dma_semaphore, #tpu.memory_space<semaphore_mem>>) src(%arg7 : memref<125x8xf32, #tpu.memory_space<vmem>>) dst(%dma_wait3A_129 : memref<125x8xf32, #tpu.memory_space<vmem_shared>>)
      } else {
      }
      %dma_start3A = arith.constant 0 : i32
      %dma_start3A_59 = tpu.memref_slice %arg6[%add3A_54, %dma_start3A] : memref<160x125xi32, #tpu.memory_space<vmem>> -> memref<1x125xi32, #tpu.memory_space<vmem>>
      %dma_start3A_60 = tpu.memref_squeeze %dma_start3A_59 : memref<1x125xi32, #tpu.memory_space<vmem>> -> memref<125xi32, #tpu.memory_space<vmem>>
      %dma_start3A_61 = arith.constant 0 : i32
      %dma_start3A_62 = arith.constant 0 : i32
      %dma_start3A_63 = tpu.memref_slice %arg8[%dma_start3A_61, %dma_start3A_62] : memref<10000x8xf32, #tpu.memory_space<vmem_shared>> -> memref<10000x8xf32, #tpu.memory_space<vmem_shared>>
      tpu.enqueue_indirect_dma source(%arg7 : memref<125x8xf32, #tpu.memory_space<vmem>>) target(%dma_start3A_63 : memref<10000x8xf32, #tpu.memory_space<vmem_shared>>) offsets(%dma_start3A_60 : memref<125xi32, #tpu.memory_space<vmem>>) semaphore(%arg9 : memref<!tpu.dma_semaphore, #tpu.memory_space<semaphore_mem>>) {add = true}
      %mul3A_64 = arith.constant 5 : i32
      %mul3A_65 = arith.muli %scan3A_51, %mul3A_64 : i32
      %add3A_66 = arith.constant 1 : i32
      %add3A_67 = arith.addi %mul3A_65, %add3A_66 : i32
      %ge3A_68 = arith.constant 5 : i32
      %ge3A_69 = arith.cmpi sge, %add3A_67, %ge3A_68 : i32
      %convert_element_type3A_70 = arith.extui %ge3A_69 : i1 to i32
      %cond3A_71 = arith.constant 0 : i32
      %cond3A_72 = arith.cmpi ne, %convert_element_type3A_70, %cond3A_71 : i32
      scf.if %cond3A_72 {
        %dma_wait3A_124 = arith.constant 0 : i32
        %dma_wait3A_125 = arith.constant 0 : i32
        %dma_wait3A_126 = tpu.memref_slice %arg8[%dma_wait3A_124, %dma_wait3A_125] : memref<10000x8xf32, #tpu.memory_space<vmem_shared>> -> memref<125x8xf32, #tpu.memory_space<vmem_shared>>
        %dma_wait3A_127 = arith.constant 0 : i32
        %dma_wait3A_128 = arith.constant 0 : i32
        %dma_wait3A_129 = tpu.memref_slice %arg8[%dma_wait3A_127, %dma_wait3A_128] : memref<10000x8xf32, #tpu.memory_space<vmem_shared>> -> memref<125x8xf32, #tpu.memory_space<vmem_shared>>
        tpu.wait_dma2 semaphore(%arg10 : memref<!tpu.dma_semaphore, #tpu.memory_space<semaphore_mem>>) src(%arg7 : memref<125x8xf32, #tpu.memory_space<vmem>>) dst(%dma_wait3A_129 : memref<125x8xf32, #tpu.memory_space<vmem_shared>>)
      } else {
      }
      %dma_start3A_73 = arith.constant 0 : i32
      %dma_start3A_74 = tpu.memref_slice %arg6[%add3A_67, %dma_start3A_73] : memref<160x125xi32, #tpu.memory_space<vmem>> -> memref<1x125xi32, #tpu.memory_space<vmem>>
      %dma_start3A_75 = tpu.memref_squeeze %dma_start3A_74 : memref<1x125xi32, #tpu.memory_space<vmem>> -> memref<125xi32, #tpu.memory_space<vmem>>
      %dma_start3A_76 = arith.constant 0 : i32
      %dma_start3A_77 = arith.constant 0 : i32
      %dma_start3A_78 = tpu.memref_slice %arg8[%dma_start3A_76, %dma_start3A_77] : memref<10000x8xf32, #tpu.memory_space<vmem_shared>> -> memref<10000x8xf32, #tpu.memory_space<vmem_shared>>
      tpu.enqueue_indirect_dma source(%arg7 : memref<125x8xf32, #tpu.memory_space<vmem>>) target(%dma_start3A_78 : memref<10000x8xf32, #tpu.memory_space<vmem_shared>>) offsets(%dma_start3A_75 : memref<125xi32, #tpu.memory_space<vmem>>) semaphore(%arg10 : memref<!tpu.dma_semaphore, #tpu.memory_space<semaphore_mem>>) {add = true}
      %mul3A_79 = arith.constant 5 : i32
      %mul3A_80 = arith.muli %scan3A_51, %mul3A_79 : i32
      %add3A_81 = arith.constant 2 : i32
      %add3A_82 = arith.addi %mul3A_80, %add3A_81 : i32
      %ge3A_83 = arith.constant 5 : i32
      %ge3A_84 = arith.cmpi sge, %add3A_82, %ge3A_83 : i32
      %convert_element_type3A_85 = arith.extui %ge3A_84 : i1 to i32
      %cond3A_86 = arith.constant 0 : i32
      %cond3A_87 = arith.cmpi ne, %convert_element_type3A_85, %cond3A_86 : i32
      scf.if %cond3A_87 {
        %dma_wait3A_124 = arith.constant 0 : i32
        %dma_wait3A_125 = arith.constant 0 : i32
        %dma_wait3A_126 = tpu.memref_slice %arg8[%dma_wait3A_124, %dma_wait3A_125] : memref<10000x8xf32, #tpu.memory_space<vmem_shared>> -> memref<125x8xf32, #tpu.memory_space<vmem_shared>>
        %dma_wait3A_127 = arith.constant 0 : i32
        %dma_wait3A_128 = arith.constant 0 : i32
        %dma_wait3A_129 = tpu.memref_slice %arg8[%dma_wait3A_127, %dma_wait3A_128] : memref<10000x8xf32, #tpu.memory_space<vmem_shared>> -> memref<125x8xf32, #tpu.memory_space<vmem_shared>>
        tpu.wait_dma2 semaphore(%arg11 : memref<!tpu.dma_semaphore, #tpu.memory_space<semaphore_mem>>) src(%arg7 : memref<125x8xf32, #tpu.memory_space<vmem>>) dst(%dma_wait3A_129 : memref<125x8xf32, #tpu.memory_space<vmem_shared>>)
      } else {
      }
      %dma_start3A_88 = arith.constant 0 : i32
      %dma_start3A_89 = tpu.memref_slice %arg6[%add3A_82, %dma_start3A_88] : memref<160x125xi32, #tpu.memory_space<vmem>> -> memref<1x125xi32, #tpu.memory_space<vmem>>
      %dma_start3A_90 = tpu.memref_squeeze %dma_start3A_89 : memref<1x125xi32, #tpu.memory_space<vmem>> -> memref<125xi32, #tpu.memory_space<vmem>>
      %dma_start3A_91 = arith.constant 0 : i32
      %dma_start3A_92 = arith.constant 0 : i32
      %dma_start3A_93 = tpu.memref_slice %arg8[%dma_start3A_91, %dma_start3A_92] : memref<10000x8xf32, #tpu.memory_space<vmem_shared>> -> memref<10000x8xf32, #tpu.memory_space<vmem_shared>>
      tpu.enqueue_indirect_dma source(%arg7 : memref<125x8xf32, #tpu.memory_space<vmem>>) target(%dma_start3A_93 : memref<10000x8xf32, #tpu.memory_space<vmem_shared>>) offsets(%dma_start3A_90 : memref<125xi32, #tpu.memory_space<vmem>>) semaphore(%arg11 : memref<!tpu.dma_semaphore, #tpu.memory_space<semaphore_mem>>) {add = true}
      %mul3A_94 = arith.constant 5 : i32
      %mul3A_95 = arith.muli %scan3A_51, %mul3A_94 : i32
      %add3A_96 = arith.constant 3 : i32
      %add3A_97 = arith.addi %mul3A_95, %add3A_96 : i32
      %ge3A_98 = arith.constant 5 : i32
      %ge3A_99 = arith.cmpi sge, %add3A_97, %ge3A_98 : i32
      %convert_element_type3A_100 = arith.extui %ge3A_99 : i1 to i32
      %cond3A_101 = arith.constant 0 : i32
      %cond3A_102 = arith.cmpi ne, %convert_element_type3A_100, %cond3A_101 : i32
      scf.if %cond3A_102 {
        %dma_wait3A_124 = arith.constant 0 : i32
        %dma_wait3A_125 = arith.constant 0 : i32
        %dma_wait3A_126 = tpu.memref_slice %arg8[%dma_wait3A_124, %dma_wait3A_125] : memref<10000x8xf32, #tpu.memory_space<vmem_shared>> -> memref<125x8xf32, #tpu.memory_space<vmem_shared>>
        %dma_wait3A_127 = arith.constant 0 : i32
        %dma_wait3A_128 = arith.constant 0 : i32
        %dma_wait3A_129 = tpu.memref_slice %arg8[%dma_wait3A_127, %dma_wait3A_128] : memref<10000x8xf32, #tpu.memory_space<vmem_shared>> -> memref<125x8xf32, #tpu.memory_space<vmem_shared>>
        tpu.wait_dma2 semaphore(%arg12 : memref<!tpu.dma_semaphore, #tpu.memory_space<semaphore_mem>>) src(%arg7 : memref<125x8xf32, #tpu.memory_space<vmem>>) dst(%dma_wait3A_129 : memref<125x8xf32, #tpu.memory_space<vmem_shared>>)
      } else {
      }
      %dma_start3A_103 = arith.constant 0 : i32
      %dma_start3A_104 = tpu.memref_slice %arg6[%add3A_97, %dma_start3A_103] : memref<160x125xi32, #tpu.memory_space<vmem>> -> memref<1x125xi32, #tpu.memory_space<vmem>>
      %dma_start3A_105 = tpu.memref_squeeze %dma_start3A_104 : memref<1x125xi32, #tpu.memory_space<vmem>> -> memref<125xi32, #tpu.memory_space<vmem>>
      %dma_start3A_106 = arith.constant 0 : i32
      %dma_start3A_107 = arith.constant 0 : i32
      %dma_start3A_108 = tpu.memref_slice %arg8[%dma_start3A_106, %dma_start3A_107] : memref<10000x8xf32, #tpu.memory_space<vmem_shared>> -> memref<10000x8xf32, #tpu.memory_space<vmem_shared>>
      tpu.enqueue_indirect_dma source(%arg7 : memref<125x8xf32, #tpu.memory_space<vmem>>) target(%dma_start3A_108 : memref<10000x8xf32, #tpu.memory_space<vmem_shared>>) offsets(%dma_start3A_105 : memref<125xi32, #tpu.memory_space<vmem>>) semaphore(%arg12 : memref<!tpu.dma_semaphore, #tpu.memory_space<semaphore_mem>>) {add = true}
      %mul3A_109 = arith.constant 5 : i32
      %mul3A_110 = arith.muli %scan3A_51, %mul3A_109 : i32
      %add3A_111 = arith.constant 4 : i32
      %add3A_112 = arith.addi %mul3A_110, %add3A_111 : i32
      %ge3A_113 = arith.constant 5 : i32
      %ge3A_114 = arith.cmpi sge, %add3A_112, %ge3A_113 : i32
      %convert_element_type3A_115 = arith.extui %ge3A_114 : i1 to i32
      %cond3A_116 = arith.constant 0 : i32
      %cond3A_117 = arith.cmpi ne, %convert_element_type3A_115, %cond3A_116 : i32
      scf.if %cond3A_117 {
        %dma_wait3A_124 = arith.constant 0 : i32
        %dma_wait3A_125 = arith.constant 0 : i32
        %dma_wait3A_126 = tpu.memref_slice %arg8[%dma_wait3A_124, %dma_wait3A_125] : memref<10000x8xf32, #tpu.memory_space<vmem_shared>> -> memref<125x8xf32, #tpu.memory_space<vmem_shared>>
        %dma_wait3A_127 = arith.constant 0 : i32
        %dma_wait3A_128 = arith.constant 0 : i32
        %dma_wait3A_129 = tpu.memref_slice %arg8[%dma_wait3A_127, %dma_wait3A_128] : memref<10000x8xf32, #tpu.memory_space<vmem_shared>> -> memref<125x8xf32, #tpu.memory_space<vmem_shared>>
        tpu.wait_dma2 semaphore(%arg13 : memref<!tpu.dma_semaphore, #tpu.memory_space<semaphore_mem>>) src(%arg7 : memref<125x8xf32, #tpu.memory_space<vmem>>) dst(%dma_wait3A_129 : memref<125x8xf32, #tpu.memory_space<vmem_shared>>)
      } else {
      }
      %dma_start3A_118 = arith.constant 0 : i32
      %dma_start3A_119 = tpu.memref_slice %arg6[%add3A_112, %dma_start3A_118] : memref<160x125xi32, #tpu.memory_space<vmem>> -> memref<1x125xi32, #tpu.memory_space<vmem>>
      %dma_start3A_120 = tpu.memref_squeeze %dma_start3A_119 : memref<1x125xi32, #tpu.memory_space<vmem>> -> memref<125xi32, #tpu.memory_space<vmem>>
      %dma_start3A_121 = arith.constant 0 : i32
      %dma_start3A_122 = arith.constant 0 : i32
      %dma_start3A_123 = tpu.memref_slice %arg8[%dma_start3A_121, %dma_start3A_122] : memref<10000x8xf32, #tpu.memory_space<vmem_shared>> -> memref<10000x8xf32, #tpu.memory_space<vmem_shared>>
      tpu.enqueue_indirect_dma source(%arg7 : memref<125x8xf32, #tpu.memory_space<vmem>>) target(%dma_start3A_123 : memref<10000x8xf32, #tpu.memory_space<vmem_shared>>) offsets(%dma_start3A_120 : memref<125xi32, #tpu.memory_space<vmem>>) semaphore(%arg13 : memref<!tpu.dma_semaphore, #tpu.memory_space<semaphore_mem>>) {add = true}
    }
    %scan3A_11 = arith.constant 32 : i32
    %dma_wait3A = arith.constant 0 : i32
    %dma_wait3A_12 = arith.constant 0 : i32
    %dma_wait3A_13 = tpu.memref_slice %arg8[%dma_wait3A, %dma_wait3A_12] : memref<10000x8xf32, #tpu.memory_space<vmem_shared>> -> memref<125x8xf32, #tpu.memory_space<vmem_shared>>
    %dma_wait3A_14 = arith.constant 0 : i32
    %dma_wait3A_15 = arith.constant 0 : i32
    %dma_wait3A_16 = tpu.memref_slice %arg8[%dma_wait3A_14, %dma_wait3A_15] : memref<10000x8xf32, #tpu.memory_space<vmem_shared>> -> memref<125x8xf32, #tpu.memory_space<vmem_shared>>
    tpu.wait_dma2 semaphore(%arg9 : memref<!tpu.dma_semaphore, #tpu.memory_space<semaphore_mem>>) src(%arg7 : memref<125x8xf32, #tpu.memory_space<vmem>>) dst(%dma_wait3A_16 : memref<125x8xf32, #tpu.memory_space<vmem_shared>>)
    %dma_wait3A_17 = arith.constant 0 : i32
    %dma_wait3A_18 = arith.constant 0 : i32
    %dma_wait3A_19 = tpu.memref_slice %arg8[%dma_wait3A_17, %dma_wait3A_18] : memref<10000x8xf32, #tpu.memory_space<vmem_shared>> -> memref<125x8xf32, #tpu.memory_space<vmem_shared>>
    %dma_wait3A_20 = arith.constant 0 : i32
    %dma_wait3A_21 = arith.constant 0 : i32
    %dma_wait3A_22 = tpu.memref_slice %arg8[%dma_wait3A_20, %dma_wait3A_21] : memref<10000x8xf32, #tpu.memory_space<vmem_shared>> -> memref<125x8xf32, #tpu.memory_space<vmem_shared>>
    tpu.wait_dma2 semaphore(%arg10 : memref<!tpu.dma_semaphore, #tpu.memory_space<semaphore_mem>>) src(%arg7 : memref<125x8xf32, #tpu.memory_space<vmem>>) dst(%dma_wait3A_22 : memref<125x8xf32, #tpu.memory_space<vmem_shared>>)
    %dma_wait3A_23 = arith.constant 0 : i32
    %dma_wait3A_24 = arith.constant 0 : i32
    %dma_wait3A_25 = tpu.memref_slice %arg8[%dma_wait3A_23, %dma_wait3A_24] : memref<10000x8xf32, #tpu.memory_space<vmem_shared>> -> memref<125x8xf32, #tpu.memory_space<vmem_shared>>
    %dma_wait3A_26 = arith.constant 0 : i32
    %dma_wait3A_27 = arith.constant 0 : i32
    %dma_wait3A_28 = tpu.memref_slice %arg8[%dma_wait3A_26, %dma_wait3A_27] : memref<10000x8xf32, #tpu.memory_space<vmem_shared>> -> memref<125x8xf32, #tpu.memory_space<vmem_shared>>
    tpu.wait_dma2 semaphore(%arg11 : memref<!tpu.dma_semaphore, #tpu.memory_space<semaphore_mem>>) src(%arg7 : memref<125x8xf32, #tpu.memory_space<vmem>>) dst(%dma_wait3A_28 : memref<125x8xf32, #tpu.memory_space<vmem_shared>>)
    %dma_wait3A_29 = arith.constant 0 : i32
    %dma_wait3A_30 = arith.constant 0 : i32
    %dma_wait3A_31 = tpu.memref_slice %arg8[%dma_wait3A_29, %dma_wait3A_30] : memref<10000x8xf32, #tpu.memory_space<vmem_shared>> -> memref<125x8xf32, #tpu.memory_space<vmem_shared>>
    %dma_wait3A_32 = arith.constant 0 : i32
    %dma_wait3A_33 = arith.constant 0 : i32
    %dma_wait3A_34 = tpu.memref_slice %arg8[%dma_wait3A_32, %dma_wait3A_33] : memref<10000x8xf32, #tpu.memory_space<vmem_shared>> -> memref<125x8xf32, #tpu.memory_space<vmem_shared>>
    tpu.wait_dma2 semaphore(%arg12 : memref<!tpu.dma_semaphore, #tpu.memory_space<semaphore_mem>>) src(%arg7 : memref<125x8xf32, #tpu.memory_space<vmem>>) dst(%dma_wait3A_34 : memref<125x8xf32, #tpu.memory_space<vmem_shared>>)
    %dma_wait3A_35 = arith.constant 0 : i32
    %dma_wait3A_36 = arith.constant 0 : i32
    %dma_wait3A_37 = tpu.memref_slice %arg8[%dma_wait3A_35, %dma_wait3A_36] : memref<10000x8xf32, #tpu.memory_space<vmem_shared>> -> memref<125x8xf32, #tpu.memory_space<vmem_shared>>
    %dma_wait3A_38 = arith.constant 0 : i32
    %dma_wait3A_39 = arith.constant 0 : i32
    %dma_wait3A_40 = tpu.memref_slice %arg8[%dma_wait3A_38, %dma_wait3A_39] : memref<10000x8xf32, #tpu.memory_space<vmem_shared>> -> memref<125x8xf32, #tpu.memory_space<vmem_shared>>
    tpu.wait_dma2 semaphore(%arg13 : memref<!tpu.dma_semaphore, #tpu.memory_space<semaphore_mem>>) src(%arg7 : memref<125x8xf32, #tpu.memory_space<vmem>>) dst(%dma_wait3A_40 : memref<125x8xf32, #tpu.memory_space<vmem_shared>>)
    %barrier3A_41 = arith.constant 0 : index
    tpu.barrier barrier_id(%barrier3A_41)
    %mul3A_42 = arith.constant 624 : i32
    %mul3A_43 = arith.muli %arg1, %mul3A_42 : i32
    %mul3A_44 = arith.constant 624 : i32
    %mul3A_45 = arith.muli %arg1, %mul3A_44 : i32
    "tpu.region"() ({
      %run_scoped3A = tpu.sem_alloc : memref<!tpu.dma_semaphore, #tpu.memory_space<semaphore_mem>>
      %dma_start3A = arith.constant 0 : i32
      %dma_start3A_51 = arith.constant 0 : i32
      %dma_start3A_52 = tpu.memref_slice %arg5[%arg0, %dma_start3A, %dma_start3A_51] : memref<2x10000x8xf32, #tpu.memory_space<hbm>> -> memref<1x10000x8xf32, #tpu.memory_space<hbm>>
      %dma_start3A_53 = tpu.memref_squeeze %dma_start3A_52 : memref<1x10000x8xf32, #tpu.memory_space<hbm>> -> memref<10000x8xf32, #tpu.memory_space<hbm>>
      %dma_start3A_54 = arith.constant 0 : i32
      %dma_start3A_55 = tpu.memref_slice %dma_start3A_53[%mul3A_45, %dma_start3A_54] : memref<10000x8xf32, #tpu.memory_space<hbm>> -> memref<624x8xf32, #tpu.memory_space<hbm>>
      %dma_start3A_56 = arith.constant 0 : i32
      %dma_start3A_57 = tpu.memref_slice %arg8[%mul3A_43, %dma_start3A_56] : memref<10000x8xf32, #tpu.memory_space<vmem_shared>> -> memref<624x8xf32, #tpu.memory_space<vmem_shared>>
      tpu.enqueue_dma source(%dma_start3A_57 : memref<624x8xf32, #tpu.memory_space<vmem_shared>>) target(%dma_start3A_55 : memref<624x8xf32, #tpu.memory_space<hbm>>) target_semaphore(%run_scoped3A : memref<!tpu.dma_semaphore, #tpu.memory_space<semaphore_mem>>)
      %dma_wait3A_58 = arith.constant 0 : i32
      %dma_wait3A_59 = arith.constant 0 : i32
      %dma_wait3A_60 = tpu.memref_slice %arg5[%arg0, %dma_wait3A_58, %dma_wait3A_59] : memref<2x10000x8xf32, #tpu.memory_space<hbm>> -> memref<1x10000x8xf32, #tpu.memory_space<hbm>>
      %dma_wait3A_61 = tpu.memref_squeeze %dma_wait3A_60 : memref<1x10000x8xf32, #tpu.memory_space<hbm>> -> memref<10000x8xf32, #tpu.memory_space<hbm>>
      %dma_wait3A_62 = arith.constant 0 : i32
      %dma_wait3A_63 = tpu.memref_slice %dma_wait3A_61[%mul3A_45, %dma_wait3A_62] : memref<10000x8xf32, #tpu.memory_space<hbm>> -> memref<624x8xf32, #tpu.memory_space<hbm>>
      %dma_wait3A_64 = arith.constant 0 : i32
      %dma_wait3A_65 = tpu.memref_slice %arg8[%mul3A_43, %dma_wait3A_64] : memref<10000x8xf32, #tpu.memory_space<vmem_shared>> -> memref<624x8xf32, #tpu.memory_space<vmem_shared>>
      tpu.wait_dma2 semaphore(%run_scoped3A : memref<!tpu.dma_semaphore, #tpu.memory_space<semaphore_mem>>) src(%dma_wait3A_65 : memref<624x8xf32, #tpu.memory_space<vmem_shared>>) dst(%dma_wait3A_63 : memref<624x8xf32, #tpu.memory_space<hbm>>)
      tpu.yield
    }) : () -> ()
    %eq3A_46 = arith.constant 15 : i32
    %eq3A_47 = arith.cmpi eq, %arg1, %eq3A_46 : i32
    %convert_element_type3A_48 = arith.extui %eq3A_47 : i1 to i32
    %cond3A_49 = arith.constant 0 : i32
    %cond3A_50 = arith.cmpi ne, %convert_element_type3A_48, %cond3A_49 : i32
    scf.if %cond3A_50 {
      "tpu.region"() ({
        %run_scoped3A = tpu.sem_alloc : memref<!tpu.dma_semaphore, #tpu.memory_space<semaphore_mem>>
        %dma_start3A = arith.constant 0 : i32
        %dma_start3A_51 = arith.constant 0 : i32
        %dma_start3A_52 = tpu.memref_slice %arg5[%arg0, %dma_start3A, %dma_start3A_51] : memref<2x10000x8xf32, #tpu.memory_space<hbm>> -> memref<1x10000x8xf32, #tpu.memory_space<hbm>>
        %dma_start3A_53 = tpu.memref_squeeze %dma_start3A_52 : memref<1x10000x8xf32, #tpu.memory_space<hbm>> -> memref<10000x8xf32, #tpu.memory_space<hbm>>
        %dma_start3A_54 = arith.constant 9984 : i32
        %dma_start3A_55 = arith.constant 0 : i32
        %dma_start3A_56 = tpu.memref_slice %dma_start3A_53[%dma_start3A_54, %dma_start3A_55] : memref<10000x8xf32, #tpu.memory_space<hbm>> -> memref<16x8xf32, #tpu.memory_space<hbm>>
        %dma_start3A_57 = arith.constant 9984 : i32
        %dma_start3A_58 = arith.constant 0 : i32
        %dma_start3A_59 = tpu.memref_slice %arg8[%dma_start3A_57, %dma_start3A_58] : memref<10000x8xf32, #tpu.memory_space<vmem_shared>> -> memref<16x8xf32, #tpu.memory_space<vmem_shared>>
        tpu.enqueue_dma source(%dma_start3A_59 : memref<16x8xf32, #tpu.memory_space<vmem_shared>>) target(%dma_start3A_56 : memref<16x8xf32, #tpu.memory_space<hbm>>) target_semaphore(%run_scoped3A : memref<!tpu.dma_semaphore, #tpu.memory_space<semaphore_mem>>)
        %dma_wait3A_60 = arith.constant 0 : i32
        %dma_wait3A_61 = arith.constant 0 : i32
        %dma_wait3A_62 = tpu.memref_slice %arg5[%arg0, %dma_wait3A_60, %dma_wait3A_61] : memref<2x10000x8xf32, #tpu.memory_space<hbm>> -> memref<1x10000x8xf32, #tpu.memory_space<hbm>>
        %dma_wait3A_63 = tpu.memref_squeeze %dma_wait3A_62 : memref<1x10000x8xf32, #tpu.memory_space<hbm>> -> memref<10000x8xf32, #tpu.memory_space<hbm>>
        %dma_wait3A_64 = arith.constant 9984 : i32
        %dma_wait3A_65 = arith.constant 0 : i32
        %dma_wait3A_66 = tpu.memref_slice %dma_wait3A_63[%dma_wait3A_64, %dma_wait3A_65] : memref<10000x8xf32, #tpu.memory_space<hbm>> -> memref<16x8xf32, #tpu.memory_space<hbm>>
        %dma_wait3A_67 = arith.constant 9984 : i32
        %dma_wait3A_68 = arith.constant 0 : i32
        %dma_wait3A_69 = tpu.memref_slice %arg8[%dma_wait3A_67, %dma_wait3A_68] : memref<10000x8xf32, #tpu.memory_space<vmem_shared>> -> memref<16x8xf32, #tpu.memory_space<vmem_shared>>
        tpu.wait_dma2 semaphore(%run_scoped3A : memref<!tpu.dma_semaphore, #tpu.memory_space<semaphore_mem>>) src(%dma_wait3A_69 : memref<16x8xf32, #tpu.memory_space<vmem_shared>>) dst(%dma_wait3A_66 : memref<16x8xf32, #tpu.memory_space<hbm>>)
        tpu.yield
      }) : () -> ()
    } else {
    }
    return
  }
}

#map = affine_map<(d0, d1) -> (0, 0)>
#map1 = affine_map<(d0, d1) -> (0, 0, 0)>
module attributes {stable_mosaic.version = 14 : i64} {
  func.func @prop_half(%arg0: i32, %arg1: i32, %arg2: memref<10000x64xf32, #tpu.memory_space<hbm>>, %arg3: memref<2x2560x125xi32, #tpu.memory_space<hbm>>, %arg4: memref<10000x64xf32, #tpu.memory_space<hbm>>, %arg5: memref<2x10000x64xf32, #tpu.memory_space<hbm>>, %arg6: memref<80x125xi32, #tpu.memory_space<vmem>>, %arg7: memref<80x125xi32, #tpu.memory_space<vmem>>, %arg8: memref<125x64xf32, #tpu.memory_space<vmem>>, %arg9: memref<125x64xf32, #tpu.memory_space<vmem>>, %arg10: memref<125x64xf32, #tpu.memory_space<vmem>>, %arg11: memref<125x64xf32, #tpu.memory_space<vmem>>, %arg12: memref<125x64xf32, #tpu.memory_space<vmem>>, %arg13: memref<10000x64xf32, #tpu.memory_space<vmem_shared>>, %arg14: memref<!tpu.dma_semaphore, #tpu.memory_space<semaphore_mem>>, %arg15: memref<!tpu.dma_semaphore, #tpu.memory_space<semaphore_mem>>, %arg16: memref<!tpu.dma_semaphore, #tpu.memory_space<semaphore_mem>>, %arg17: memref<!tpu.dma_semaphore, #tpu.memory_space<semaphore_mem>>, %arg18: memref<!tpu.dma_semaphore, #tpu.memory_space<semaphore_mem>>, %arg19: memref<!tpu.dma_semaphore, #tpu.memory_space<semaphore_mem>>, %arg20: memref<!tpu.dma_semaphore, #tpu.memory_space<semaphore_mem>>, %arg21: memref<!tpu.dma_semaphore, #tpu.memory_space<semaphore_mem>>, %arg22: memref<!tpu.dma_semaphore, #tpu.memory_space<semaphore_mem>>, %arg23: memref<!tpu.dma_semaphore, #tpu.memory_space<semaphore_mem>>) attributes {dimension_semantics = [#tpu.dimension_semantics<core_parallel>, #tpu.dimension_semantics<subcore_parallel>], iteration_bounds = array<i64: 2, 16>, scalar_prefetch = 0 : i64, scratch_operands = 18 : i64, tpu.core_type = #tpu.core_type<sc_vector_subcore>, window_params = [{transform_indices = #map}, {transform_indices = #map1}, {transform_indices = #map}, {transform_indices = #map1}]} {
    %mul3A = arith.constant 624 : i32
    %mul3A_0 = arith.muli %arg1, %mul3A : i32
    %mul3A_1 = arith.constant 624 : i32
    %mul3A_2 = arith.muli %arg1, %mul3A_1 : i32
    "tpu.region"() ({
      %run_scoped3A_74 = tpu.sem_alloc : memref<!tpu.dma_semaphore, #tpu.memory_space<semaphore_mem>>
      %dma_start3A_75 = arith.constant 0 : i32
      %dma_start3A_76 = tpu.memref_slice %arg13[%mul3A_2, %dma_start3A_75] : memref<10000x64xf32, #tpu.memory_space<vmem_shared>> -> memref<624x64xf32, #tpu.memory_space<vmem_shared>>
      %dma_start3A_77 = arith.constant 0 : i32
      %dma_start3A_78 = tpu.memref_slice %arg4[%mul3A_0, %dma_start3A_77] : memref<10000x64xf32, #tpu.memory_space<hbm>> -> memref<624x64xf32, #tpu.memory_space<hbm>>
      tpu.enqueue_dma source(%dma_start3A_78 : memref<624x64xf32, #tpu.memory_space<hbm>>) target(%dma_start3A_76 : memref<624x64xf32, #tpu.memory_space<vmem_shared>>) target_semaphore(%run_scoped3A_74 : memref<!tpu.dma_semaphore, #tpu.memory_space<semaphore_mem>>)
      %dma_wait3A_79 = arith.constant 0 : i32
      %dma_wait3A_80 = tpu.memref_slice %arg13[%mul3A_2, %dma_wait3A_79] : memref<10000x64xf32, #tpu.memory_space<vmem_shared>> -> memref<624x64xf32, #tpu.memory_space<vmem_shared>>
      %dma_wait3A_81 = arith.constant 0 : i32
      %dma_wait3A_82 = tpu.memref_slice %arg4[%mul3A_0, %dma_wait3A_81] : memref<10000x64xf32, #tpu.memory_space<hbm>> -> memref<624x64xf32, #tpu.memory_space<hbm>>
      tpu.wait_dma2 semaphore(%run_scoped3A_74 : memref<!tpu.dma_semaphore, #tpu.memory_space<semaphore_mem>>) src(%dma_wait3A_82 : memref<624x64xf32, #tpu.memory_space<hbm>>) dst(%dma_wait3A_80 : memref<624x64xf32, #tpu.memory_space<vmem_shared>>)
      tpu.yield
    }) : () -> ()
    %eq3A = arith.constant 15 : i32
    %eq3A_3 = arith.cmpi eq, %arg1, %eq3A : i32
    %convert_element_type3A = arith.extui %eq3A_3 : i1 to i32
    %cond3A = arith.constant 0 : i32
    %cond3A_4 = arith.cmpi ne, %convert_element_type3A, %cond3A : i32
    scf.if %cond3A_4 {
      "tpu.region"() ({
        %run_scoped3A_74 = tpu.sem_alloc : memref<!tpu.dma_semaphore, #tpu.memory_space<semaphore_mem>>
        %dma_start3A_75 = arith.constant 9984 : i32
        %dma_start3A_76 = arith.constant 0 : i32
        %dma_start3A_77 = tpu.memref_slice %arg13[%dma_start3A_75, %dma_start3A_76] : memref<10000x64xf32, #tpu.memory_space<vmem_shared>> -> memref<16x64xf32, #tpu.memory_space<vmem_shared>>
        %dma_start3A_78 = arith.constant 9984 : i32
        %dma_start3A_79 = arith.constant 0 : i32
        %dma_start3A_80 = tpu.memref_slice %arg4[%dma_start3A_78, %dma_start3A_79] : memref<10000x64xf32, #tpu.memory_space<hbm>> -> memref<16x64xf32, #tpu.memory_space<hbm>>
        tpu.enqueue_dma source(%dma_start3A_80 : memref<16x64xf32, #tpu.memory_space<hbm>>) target(%dma_start3A_77 : memref<16x64xf32, #tpu.memory_space<vmem_shared>>) target_semaphore(%run_scoped3A_74 : memref<!tpu.dma_semaphore, #tpu.memory_space<semaphore_mem>>)
        %dma_wait3A_81 = arith.constant 9984 : i32
        %dma_wait3A_82 = arith.constant 0 : i32
        %dma_wait3A_83 = tpu.memref_slice %arg13[%dma_wait3A_81, %dma_wait3A_82] : memref<10000x64xf32, #tpu.memory_space<vmem_shared>> -> memref<16x64xf32, #tpu.memory_space<vmem_shared>>
        %dma_wait3A_84 = arith.constant 9984 : i32
        %dma_wait3A_85 = arith.constant 0 : i32
        %dma_wait3A_86 = tpu.memref_slice %arg4[%dma_wait3A_84, %dma_wait3A_85] : memref<10000x64xf32, #tpu.memory_space<hbm>> -> memref<16x64xf32, #tpu.memory_space<hbm>>
        tpu.wait_dma2 semaphore(%run_scoped3A_74 : memref<!tpu.dma_semaphore, #tpu.memory_space<semaphore_mem>>) src(%dma_wait3A_86 : memref<16x64xf32, #tpu.memory_space<hbm>>) dst(%dma_wait3A_83 : memref<16x64xf32, #tpu.memory_space<vmem_shared>>)
        tpu.yield
      }) : () -> ()
    } else {
    }
    %mul3A_5 = arith.constant 16 : i32
    %mul3A_6 = arith.muli %arg0, %mul3A_5 : i32
    %add3A = arith.addi %mul3A_6, %arg1 : i32
    %mul3A_7 = arith.constant 80 : i32
    %mul3A_8 = arith.muli %add3A, %mul3A_7 : i32
    %run_scoped3A = arith.constant 1 : i32
    "tpu.region"() ({
      %run_scoped3A_74 = tpu.sem_alloc : memref<!tpu.dma_semaphore, #tpu.memory_space<semaphore_mem>>
      %dma_start3A_75 = arith.constant 0 : i32
      %dma_start3A_76 = tpu.memref_slice %arg3[%run_scoped3A, %mul3A_8, %dma_start3A_75] : memref<2x2560x125xi32, #tpu.memory_space<hbm>> -> memref<1x80x125xi32, #tpu.memory_space<hbm>>
      %dma_start3A_77 = tpu.memref_squeeze %dma_start3A_76 : memref<1x80x125xi32, #tpu.memory_space<hbm>> -> memref<80x125xi32, #tpu.memory_space<hbm>>
      %dma_start3A_78 = arith.constant 0 : i32
      %dma_start3A_79 = tpu.memref_slice %arg3[%run_scoped3A, %mul3A_8, %dma_start3A_78] : memref<2x2560x125xi32, #tpu.memory_space<hbm>> -> memref<1x80x125xi32, #tpu.memory_space<hbm>>
      %dma_start3A_80 = tpu.memref_squeeze %dma_start3A_79 : memref<1x80x125xi32, #tpu.memory_space<hbm>> -> memref<80x125xi32, #tpu.memory_space<hbm>>
      tpu.enqueue_dma source(%dma_start3A_80 : memref<80x125xi32, #tpu.memory_space<hbm>>) target(%arg6 : memref<80x125xi32, #tpu.memory_space<vmem>>) target_semaphore(%run_scoped3A_74 : memref<!tpu.dma_semaphore, #tpu.memory_space<semaphore_mem>>)
      %dma_wait3A_81 = arith.constant 0 : i32
      %dma_wait3A_82 = tpu.memref_slice %arg3[%run_scoped3A, %mul3A_8, %dma_wait3A_81] : memref<2x2560x125xi32, #tpu.memory_space<hbm>> -> memref<1x80x125xi32, #tpu.memory_space<hbm>>
      %dma_wait3A_83 = tpu.memref_squeeze %dma_wait3A_82 : memref<1x80x125xi32, #tpu.memory_space<hbm>> -> memref<80x125xi32, #tpu.memory_space<hbm>>
      %dma_wait3A_84 = arith.constant 0 : i32
      %dma_wait3A_85 = tpu.memref_slice %arg3[%run_scoped3A, %mul3A_8, %dma_wait3A_84] : memref<2x2560x125xi32, #tpu.memory_space<hbm>> -> memref<1x80x125xi32, #tpu.memory_space<hbm>>
      %dma_wait3A_86 = tpu.memref_squeeze %dma_wait3A_85 : memref<1x80x125xi32, #tpu.memory_space<hbm>> -> memref<80x125xi32, #tpu.memory_space<hbm>>
      tpu.wait_dma2 semaphore(%run_scoped3A_74 : memref<!tpu.dma_semaphore, #tpu.memory_space<semaphore_mem>>) src(%dma_wait3A_86 : memref<80x125xi32, #tpu.memory_space<hbm>>) dst(%arg6 : memref<80x125xi32, #tpu.memory_space<vmem>>)
      tpu.yield
    }) : () -> ()
    %run_scoped3A_9 = arith.constant 0 : i32
    "tpu.region"() ({
      %run_scoped3A_74 = tpu.sem_alloc : memref<!tpu.dma_semaphore, #tpu.memory_space<semaphore_mem>>
      %dma_start3A_75 = arith.constant 0 : i32
      %dma_start3A_76 = tpu.memref_slice %arg3[%run_scoped3A_9, %mul3A_8, %dma_start3A_75] : memref<2x2560x125xi32, #tpu.memory_space<hbm>> -> memref<1x80x125xi32, #tpu.memory_space<hbm>>
      %dma_start3A_77 = tpu.memref_squeeze %dma_start3A_76 : memref<1x80x125xi32, #tpu.memory_space<hbm>> -> memref<80x125xi32, #tpu.memory_space<hbm>>
      %dma_start3A_78 = arith.constant 0 : i32
      %dma_start3A_79 = tpu.memref_slice %arg3[%run_scoped3A_9, %mul3A_8, %dma_start3A_78] : memref<2x2560x125xi32, #tpu.memory_space<hbm>> -> memref<1x80x125xi32, #tpu.memory_space<hbm>>
      %dma_start3A_80 = tpu.memref_squeeze %dma_start3A_79 : memref<1x80x125xi32, #tpu.memory_space<hbm>> -> memref<80x125xi32, #tpu.memory_space<hbm>>
      tpu.enqueue_dma source(%dma_start3A_80 : memref<80x125xi32, #tpu.memory_space<hbm>>) target(%arg7 : memref<80x125xi32, #tpu.memory_space<vmem>>) target_semaphore(%run_scoped3A_74 : memref<!tpu.dma_semaphore, #tpu.memory_space<semaphore_mem>>)
      %dma_wait3A_81 = arith.constant 0 : i32
      %dma_wait3A_82 = tpu.memref_slice %arg3[%run_scoped3A_9, %mul3A_8, %dma_wait3A_81] : memref<2x2560x125xi32, #tpu.memory_space<hbm>> -> memref<1x80x125xi32, #tpu.memory_space<hbm>>
      %dma_wait3A_83 = tpu.memref_squeeze %dma_wait3A_82 : memref<1x80x125xi32, #tpu.memory_space<hbm>> -> memref<80x125xi32, #tpu.memory_space<hbm>>
      %dma_wait3A_84 = arith.constant 0 : i32
      %dma_wait3A_85 = tpu.memref_slice %arg3[%run_scoped3A_9, %mul3A_8, %dma_wait3A_84] : memref<2x2560x125xi32, #tpu.memory_space<hbm>> -> memref<1x80x125xi32, #tpu.memory_space<hbm>>
      %dma_wait3A_86 = tpu.memref_squeeze %dma_wait3A_85 : memref<1x80x125xi32, #tpu.memory_space<hbm>> -> memref<80x125xi32, #tpu.memory_space<hbm>>
      tpu.wait_dma2 semaphore(%run_scoped3A_74 : memref<!tpu.dma_semaphore, #tpu.memory_space<semaphore_mem>>) src(%dma_wait3A_86 : memref<80x125xi32, #tpu.memory_space<hbm>>) dst(%arg7 : memref<80x125xi32, #tpu.memory_space<vmem>>)
      tpu.yield
    }) : () -> ()
    %barrier3A = arith.constant 0 : index
    tpu.barrier barrier_id(%barrier3A)
    %dma_start3A = arith.constant 0 : i32
    %dma_start3A_10 = arith.constant 0 : i32
    %dma_start3A_11 = tpu.memref_slice %arg6[%dma_start3A, %dma_start3A_10] : memref<80x125xi32, #tpu.memory_space<vmem>> -> memref<1x125xi32, #tpu.memory_space<vmem>>
    %dma_start3A_12 = tpu.memref_squeeze %dma_start3A_11 : memref<1x125xi32, #tpu.memory_space<vmem>> -> memref<125xi32, #tpu.memory_space<vmem>>
    %dma_start3A_13 = arith.constant 0 : i32
    %dma_start3A_14 = arith.constant 0 : i32
    %dma_start3A_15 = tpu.memref_slice %arg2[%dma_start3A_13, %dma_start3A_14] : memref<10000x64xf32, #tpu.memory_space<hbm>> -> memref<10000x64xf32, #tpu.memory_space<hbm>>
    tpu.enqueue_indirect_dma source(%dma_start3A_15 : memref<10000x64xf32, #tpu.memory_space<hbm>>) target(%arg8 : memref<125x64xf32, #tpu.memory_space<vmem>>) offsets(%dma_start3A_12 : memref<125xi32, #tpu.memory_space<vmem>>) semaphore(%arg14 : memref<!tpu.dma_semaphore, #tpu.memory_space<semaphore_mem>>)
    %dma_start3A_16 = arith.constant 1 : i32
    %dma_start3A_17 = arith.constant 0 : i32
    %dma_start3A_18 = tpu.memref_slice %arg6[%dma_start3A_16, %dma_start3A_17] : memref<80x125xi32, #tpu.memory_space<vmem>> -> memref<1x125xi32, #tpu.memory_space<vmem>>
    %dma_start3A_19 = tpu.memref_squeeze %dma_start3A_18 : memref<1x125xi32, #tpu.memory_space<vmem>> -> memref<125xi32, #tpu.memory_space<vmem>>
    %dma_start3A_20 = arith.constant 0 : i32
    %dma_start3A_21 = arith.constant 0 : i32
    %dma_start3A_22 = tpu.memref_slice %arg2[%dma_start3A_20, %dma_start3A_21] : memref<10000x64xf32, #tpu.memory_space<hbm>> -> memref<10000x64xf32, #tpu.memory_space<hbm>>
    tpu.enqueue_indirect_dma source(%dma_start3A_22 : memref<10000x64xf32, #tpu.memory_space<hbm>>) target(%arg9 : memref<125x64xf32, #tpu.memory_space<vmem>>) offsets(%dma_start3A_19 : memref<125xi32, #tpu.memory_space<vmem>>) semaphore(%arg15 : memref<!tpu.dma_semaphore, #tpu.memory_space<semaphore_mem>>)
    %dma_start3A_23 = arith.constant 2 : i32
    %dma_start3A_24 = arith.constant 0 : i32
    %dma_start3A_25 = tpu.memref_slice %arg6[%dma_start3A_23, %dma_start3A_24] : memref<80x125xi32, #tpu.memory_space<vmem>> -> memref<1x125xi32, #tpu.memory_space<vmem>>
    %dma_start3A_26 = tpu.memref_squeeze %dma_start3A_25 : memref<1x125xi32, #tpu.memory_space<vmem>> -> memref<125xi32, #tpu.memory_space<vmem>>
    %dma_start3A_27 = arith.constant 0 : i32
    %dma_start3A_28 = arith.constant 0 : i32
    %dma_start3A_29 = tpu.memref_slice %arg2[%dma_start3A_27, %dma_start3A_28] : memref<10000x64xf32, #tpu.memory_space<hbm>> -> memref<10000x64xf32, #tpu.memory_space<hbm>>
    tpu.enqueue_indirect_dma source(%dma_start3A_29 : memref<10000x64xf32, #tpu.memory_space<hbm>>) target(%arg10 : memref<125x64xf32, #tpu.memory_space<vmem>>) offsets(%dma_start3A_26 : memref<125xi32, #tpu.memory_space<vmem>>) semaphore(%arg16 : memref<!tpu.dma_semaphore, #tpu.memory_space<semaphore_mem>>)
    %scan3A = arith.constant 0 : i32
    %scan3A_30 = arith.constant 0 : i32
    %scan3A_31 = arith.constant 16 : i32
    %scan3A_32 = arith.addi %scan3A_30, %scan3A_31 : i32
    %scan3A_33 = arith.constant 1 : i32
    scf.for %scan3A_74 = %scan3A_30 to %scan3A_32 step %scan3A_33  : i32 {
      %mul3A_75 = arith.constant 5 : i32
      %mul3A_76 = arith.muli %scan3A_74, %mul3A_75 : i32
      %add3A_77 = arith.constant 0 : i32
      %add3A_78 = arith.addi %mul3A_76, %add3A_77 : i32
      %dma_wait3A_79 = arith.constant 0 : i32
      %dma_wait3A_80 = arith.constant 0 : i32
      %dma_wait3A_81 = tpu.memref_slice %arg4[%dma_wait3A_79, %dma_wait3A_80] : memref<10000x64xf32, #tpu.memory_space<hbm>> -> memref<125x64xf32, #tpu.memory_space<hbm>>
      %dma_wait3A_82 = arith.constant 0 : i32
      %dma_wait3A_83 = arith.constant 0 : i32
      %dma_wait3A_84 = tpu.memref_slice %arg4[%dma_wait3A_82, %dma_wait3A_83] : memref<10000x64xf32, #tpu.memory_space<hbm>> -> memref<125x64xf32, #tpu.memory_space<hbm>>
      tpu.wait_dma2 semaphore(%arg14 : memref<!tpu.dma_semaphore, #tpu.memory_space<semaphore_mem>>) src(%dma_wait3A_84 : memref<125x64xf32, #tpu.memory_space<hbm>>) dst(%arg8 : memref<125x64xf32, #tpu.memory_space<vmem>>)
      %dma_start3A_85 = arith.constant 0 : i32
      %dma_start3A_86 = tpu.memref_slice %arg7[%add3A_78, %dma_start3A_85] : memref<80x125xi32, #tpu.memory_space<vmem>> -> memref<1x125xi32, #tpu.memory_space<vmem>>
      %dma_start3A_87 = tpu.memref_squeeze %dma_start3A_86 : memref<1x125xi32, #tpu.memory_space<vmem>> -> memref<125xi32, #tpu.memory_space<vmem>>
      %dma_start3A_88 = arith.constant 0 : i32
      %dma_start3A_89 = arith.constant 0 : i32
      %dma_start3A_90 = tpu.memref_slice %arg13[%dma_start3A_88, %dma_start3A_89] : memref<10000x64xf32, #tpu.memory_space<vmem_shared>> -> memref<10000x64xf32, #tpu.memory_space<vmem_shared>>
      tpu.enqueue_indirect_dma source(%arg8 : memref<125x64xf32, #tpu.memory_space<vmem>>) target(%dma_start3A_90 : memref<10000x64xf32, #tpu.memory_space<vmem_shared>>) offsets(%dma_start3A_87 : memref<125xi32, #tpu.memory_space<vmem>>) semaphore(%arg19 : memref<!tpu.dma_semaphore, #tpu.memory_space<semaphore_mem>>) {add = true}
      %add3A_91 = arith.constant 3 : i32
      %add3A_92 = arith.addi %add3A_78, %add3A_91 : i32
      %lt3A = arith.constant 80 : i32
      %lt3A_93 = arith.cmpi slt, %add3A_92, %lt3A : i32
      %convert_element_type3A_94 = arith.extui %lt3A_93 : i1 to i32
      %cond3A_95 = arith.constant 0 : i32
      %cond3A_96 = arith.cmpi ne, %convert_element_type3A_94, %cond3A_95 : i32
      scf.if %cond3A_96 {
        %ge3A = arith.constant 2 : i32
        %ge3A_189 = arith.cmpi sge, %add3A_78, %ge3A : i32
        %convert_element_type3A_190 = arith.extui %ge3A_189 : i1 to i32
        %cond3A_191 = arith.constant 0 : i32
        %cond3A_192 = arith.cmpi ne, %convert_element_type3A_190, %cond3A_191 : i32
        scf.if %cond3A_192 {
          %dma_wait3A_201 = arith.constant 0 : i32
          %dma_wait3A_202 = arith.constant 0 : i32
          %dma_wait3A_203 = tpu.memref_slice %arg13[%dma_wait3A_201, %dma_wait3A_202] : memref<10000x64xf32, #tpu.memory_space<vmem_shared>> -> memref<125x64xf32, #tpu.memory_space<vmem_shared>>
          %dma_wait3A_204 = arith.constant 0 : i32
          %dma_wait3A_205 = arith.constant 0 : i32
          %dma_wait3A_206 = tpu.memref_slice %arg13[%dma_wait3A_204, %dma_wait3A_205] : memref<10000x64xf32, #tpu.memory_space<vmem_shared>> -> memref<125x64xf32, #tpu.memory_space<vmem_shared>>
          tpu.wait_dma2 semaphore(%arg22 : memref<!tpu.dma_semaphore, #tpu.memory_space<semaphore_mem>>) src(%arg11 : memref<125x64xf32, #tpu.memory_space<vmem>>) dst(%dma_wait3A_206 : memref<125x64xf32, #tpu.memory_space<vmem_shared>>)
        } else {
        }
        %add3A_193 = arith.constant 3 : i32
        %add3A_194 = arith.addi %add3A_78, %add3A_193 : i32
        %dma_start3A_195 = arith.constant 0 : i32
        %dma_start3A_196 = tpu.memref_slice %arg6[%add3A_194, %dma_start3A_195] : memref<80x125xi32, #tpu.memory_space<vmem>> -> memref<1x125xi32, #tpu.memory_space<vmem>>
        %dma_start3A_197 = tpu.memref_squeeze %dma_start3A_196 : memref<1x125xi32, #tpu.memory_space<vmem>> -> memref<125xi32, #tpu.memory_space<vmem>>
        %dma_start3A_198 = arith.constant 0 : i32
        %dma_start3A_199 = arith.constant 0 : i32
        %dma_start3A_200 = tpu.memref_slice %arg2[%dma_start3A_198, %dma_start3A_199] : memref<10000x64xf32, #tpu.memory_space<hbm>> -> memref<10000x64xf32, #tpu.memory_space<hbm>>
        tpu.enqueue_indirect_dma source(%dma_start3A_200 : memref<10000x64xf32, #tpu.memory_space<hbm>>) target(%arg11 : memref<125x64xf32, #tpu.memory_space<vmem>>) offsets(%dma_start3A_197 : memref<125xi32, #tpu.memory_space<vmem>>) semaphore(%arg17 : memref<!tpu.dma_semaphore, #tpu.memory_space<semaphore_mem>>)
      } else {
      }
      %mul3A_97 = arith.constant 5 : i32
      %mul3A_98 = arith.muli %scan3A_74, %mul3A_97 : i32
      %add3A_99 = arith.constant 1 : i32
      %add3A_100 = arith.addi %mul3A_98, %add3A_99 : i32
      %dma_wait3A_101 = arith.constant 0 : i32
      %dma_wait3A_102 = arith.constant 0 : i32
      %dma_wait3A_103 = tpu.memref_slice %arg4[%dma_wait3A_101, %dma_wait3A_102] : memref<10000x64xf32, #tpu.memory_space<hbm>> -> memref<125x64xf32, #tpu.memory_space<hbm>>
      %dma_wait3A_104 = arith.constant 0 : i32
      %dma_wait3A_105 = arith.constant 0 : i32
      %dma_wait3A_106 = tpu.memref_slice %arg4[%dma_wait3A_104, %dma_wait3A_105] : memref<10000x64xf32, #tpu.memory_space<hbm>> -> memref<125x64xf32, #tpu.memory_space<hbm>>
      tpu.wait_dma2 semaphore(%arg15 : memref<!tpu.dma_semaphore, #tpu.memory_space<semaphore_mem>>) src(%dma_wait3A_106 : memref<125x64xf32, #tpu.memory_space<hbm>>) dst(%arg9 : memref<125x64xf32, #tpu.memory_space<vmem>>)
      %dma_start3A_107 = arith.constant 0 : i32
      %dma_start3A_108 = tpu.memref_slice %arg7[%add3A_100, %dma_start3A_107] : memref<80x125xi32, #tpu.memory_space<vmem>> -> memref<1x125xi32, #tpu.memory_space<vmem>>
      %dma_start3A_109 = tpu.memref_squeeze %dma_start3A_108 : memref<1x125xi32, #tpu.memory_space<vmem>> -> memref<125xi32, #tpu.memory_space<vmem>>
      %dma_start3A_110 = arith.constant 0 : i32
      %dma_start3A_111 = arith.constant 0 : i32
      %dma_start3A_112 = tpu.memref_slice %arg13[%dma_start3A_110, %dma_start3A_111] : memref<10000x64xf32, #tpu.memory_space<vmem_shared>> -> memref<10000x64xf32, #tpu.memory_space<vmem_shared>>
      tpu.enqueue_indirect_dma source(%arg9 : memref<125x64xf32, #tpu.memory_space<vmem>>) target(%dma_start3A_112 : memref<10000x64xf32, #tpu.memory_space<vmem_shared>>) offsets(%dma_start3A_109 : memref<125xi32, #tpu.memory_space<vmem>>) semaphore(%arg20 : memref<!tpu.dma_semaphore, #tpu.memory_space<semaphore_mem>>) {add = true}
      %add3A_113 = arith.constant 3 : i32
      %add3A_114 = arith.addi %add3A_100, %add3A_113 : i32
      %lt3A_115 = arith.constant 80 : i32
      %lt3A_116 = arith.cmpi slt, %add3A_114, %lt3A_115 : i32
      %convert_element_type3A_117 = arith.extui %lt3A_116 : i1 to i32
      %cond3A_118 = arith.constant 0 : i32
      %cond3A_119 = arith.cmpi ne, %convert_element_type3A_117, %cond3A_118 : i32
      scf.if %cond3A_119 {
        %ge3A = arith.constant 2 : i32
        %ge3A_189 = arith.cmpi sge, %add3A_100, %ge3A : i32
        %convert_element_type3A_190 = arith.extui %ge3A_189 : i1 to i32
        %cond3A_191 = arith.constant 0 : i32
        %cond3A_192 = arith.cmpi ne, %convert_element_type3A_190, %cond3A_191 : i32
        scf.if %cond3A_192 {
          %dma_wait3A_201 = arith.constant 0 : i32
          %dma_wait3A_202 = arith.constant 0 : i32
          %dma_wait3A_203 = tpu.memref_slice %arg13[%dma_wait3A_201, %dma_wait3A_202] : memref<10000x64xf32, #tpu.memory_space<vmem_shared>> -> memref<125x64xf32, #tpu.memory_space<vmem_shared>>
          %dma_wait3A_204 = arith.constant 0 : i32
          %dma_wait3A_205 = arith.constant 0 : i32
          %dma_wait3A_206 = tpu.memref_slice %arg13[%dma_wait3A_204, %dma_wait3A_205] : memref<10000x64xf32, #tpu.memory_space<vmem_shared>> -> memref<125x64xf32, #tpu.memory_space<vmem_shared>>
          tpu.wait_dma2 semaphore(%arg23 : memref<!tpu.dma_semaphore, #tpu.memory_space<semaphore_mem>>) src(%arg12 : memref<125x64xf32, #tpu.memory_space<vmem>>) dst(%dma_wait3A_206 : memref<125x64xf32, #tpu.memory_space<vmem_shared>>)
        } else {
        }
        %add3A_193 = arith.constant 3 : i32
        %add3A_194 = arith.addi %add3A_100, %add3A_193 : i32
        %dma_start3A_195 = arith.constant 0 : i32
        %dma_start3A_196 = tpu.memref_slice %arg6[%add3A_194, %dma_start3A_195] : memref<80x125xi32, #tpu.memory_space<vmem>> -> memref<1x125xi32, #tpu.memory_space<vmem>>
        %dma_start3A_197 = tpu.memref_squeeze %dma_start3A_196 : memref<1x125xi32, #tpu.memory_space<vmem>> -> memref<125xi32, #tpu.memory_space<vmem>>
        %dma_start3A_198 = arith.constant 0 : i32
        %dma_start3A_199 = arith.constant 0 : i32
        %dma_start3A_200 = tpu.memref_slice %arg2[%dma_start3A_198, %dma_start3A_199] : memref<10000x64xf32, #tpu.memory_space<hbm>> -> memref<10000x64xf32, #tpu.memory_space<hbm>>
        tpu.enqueue_indirect_dma source(%dma_start3A_200 : memref<10000x64xf32, #tpu.memory_space<hbm>>) target(%arg12 : memref<125x64xf32, #tpu.memory_space<vmem>>) offsets(%dma_start3A_197 : memref<125xi32, #tpu.memory_space<vmem>>) semaphore(%arg18 : memref<!tpu.dma_semaphore, #tpu.memory_space<semaphore_mem>>)
      } else {
      }
      %mul3A_120 = arith.constant 5 : i32
      %mul3A_121 = arith.muli %scan3A_74, %mul3A_120 : i32
      %add3A_122 = arith.constant 2 : i32
      %add3A_123 = arith.addi %mul3A_121, %add3A_122 : i32
      %dma_wait3A_124 = arith.constant 0 : i32
      %dma_wait3A_125 = arith.constant 0 : i32
      %dma_wait3A_126 = tpu.memref_slice %arg4[%dma_wait3A_124, %dma_wait3A_125] : memref<10000x64xf32, #tpu.memory_space<hbm>> -> memref<125x64xf32, #tpu.memory_space<hbm>>
      %dma_wait3A_127 = arith.constant 0 : i32
      %dma_wait3A_128 = arith.constant 0 : i32
      %dma_wait3A_129 = tpu.memref_slice %arg4[%dma_wait3A_127, %dma_wait3A_128] : memref<10000x64xf32, #tpu.memory_space<hbm>> -> memref<125x64xf32, #tpu.memory_space<hbm>>
      tpu.wait_dma2 semaphore(%arg16 : memref<!tpu.dma_semaphore, #tpu.memory_space<semaphore_mem>>) src(%dma_wait3A_129 : memref<125x64xf32, #tpu.memory_space<hbm>>) dst(%arg10 : memref<125x64xf32, #tpu.memory_space<vmem>>)
      %dma_start3A_130 = arith.constant 0 : i32
      %dma_start3A_131 = tpu.memref_slice %arg7[%add3A_123, %dma_start3A_130] : memref<80x125xi32, #tpu.memory_space<vmem>> -> memref<1x125xi32, #tpu.memory_space<vmem>>
      %dma_start3A_132 = tpu.memref_squeeze %dma_start3A_131 : memref<1x125xi32, #tpu.memory_space<vmem>> -> memref<125xi32, #tpu.memory_space<vmem>>
      %dma_start3A_133 = arith.constant 0 : i32
      %dma_start3A_134 = arith.constant 0 : i32
      %dma_start3A_135 = tpu.memref_slice %arg13[%dma_start3A_133, %dma_start3A_134] : memref<10000x64xf32, #tpu.memory_space<vmem_shared>> -> memref<10000x64xf32, #tpu.memory_space<vmem_shared>>
      tpu.enqueue_indirect_dma source(%arg10 : memref<125x64xf32, #tpu.memory_space<vmem>>) target(%dma_start3A_135 : memref<10000x64xf32, #tpu.memory_space<vmem_shared>>) offsets(%dma_start3A_132 : memref<125xi32, #tpu.memory_space<vmem>>) semaphore(%arg21 : memref<!tpu.dma_semaphore, #tpu.memory_space<semaphore_mem>>) {add = true}
      %add3A_136 = arith.constant 3 : i32
      %add3A_137 = arith.addi %add3A_123, %add3A_136 : i32
      %lt3A_138 = arith.constant 80 : i32
      %lt3A_139 = arith.cmpi slt, %add3A_137, %lt3A_138 : i32
      %convert_element_type3A_140 = arith.extui %lt3A_139 : i1 to i32
      %cond3A_141 = arith.constant 0 : i32
      %cond3A_142 = arith.cmpi ne, %convert_element_type3A_140, %cond3A_141 : i32
      scf.if %cond3A_142 {
        %ge3A = arith.constant 2 : i32
        %ge3A_189 = arith.cmpi sge, %add3A_123, %ge3A : i32
        %convert_element_type3A_190 = arith.extui %ge3A_189 : i1 to i32
        %cond3A_191 = arith.constant 0 : i32
        %cond3A_192 = arith.cmpi ne, %convert_element_type3A_190, %cond3A_191 : i32
        scf.if %cond3A_192 {
          %dma_wait3A_201 = arith.constant 0 : i32
          %dma_wait3A_202 = arith.constant 0 : i32
          %dma_wait3A_203 = tpu.memref_slice %arg13[%dma_wait3A_201, %dma_wait3A_202] : memref<10000x64xf32, #tpu.memory_space<vmem_shared>> -> memref<125x64xf32, #tpu.memory_space<vmem_shared>>
          %dma_wait3A_204 = arith.constant 0 : i32
          %dma_wait3A_205 = arith.constant 0 : i32
          %dma_wait3A_206 = tpu.memref_slice %arg13[%dma_wait3A_204, %dma_wait3A_205] : memref<10000x64xf32, #tpu.memory_space<vmem_shared>> -> memref<125x64xf32, #tpu.memory_space<vmem_shared>>
          tpu.wait_dma2 semaphore(%arg19 : memref<!tpu.dma_semaphore, #tpu.memory_space<semaphore_mem>>) src(%arg8 : memref<125x64xf32, #tpu.memory_space<vmem>>) dst(%dma_wait3A_206 : memref<125x64xf32, #tpu.memory_space<vmem_shared>>)
        } else {
        }
        %add3A_193 = arith.constant 3 : i32
        %add3A_194 = arith.addi %add3A_123, %add3A_193 : i32
        %dma_start3A_195 = arith.constant 0 : i32
        %dma_start3A_196 = tpu.memref_slice %arg6[%add3A_194, %dma_start3A_195] : memref<80x125xi32, #tpu.memory_space<vmem>> -> memref<1x125xi32, #tpu.memory_space<vmem>>
        %dma_start3A_197 = tpu.memref_squeeze %dma_start3A_196 : memref<1x125xi32, #tpu.memory_space<vmem>> -> memref<125xi32, #tpu.memory_space<vmem>>
        %dma_start3A_198 = arith.constant 0 : i32
        %dma_start3A_199 = arith.constant 0 : i32
        %dma_start3A_200 = tpu.memref_slice %arg2[%dma_start3A_198, %dma_start3A_199] : memref<10000x64xf32, #tpu.memory_space<hbm>> -> memref<10000x64xf32, #tpu.memory_space<hbm>>
        tpu.enqueue_indirect_dma source(%dma_start3A_200 : memref<10000x64xf32, #tpu.memory_space<hbm>>) target(%arg8 : memref<125x64xf32, #tpu.memory_space<vmem>>) offsets(%dma_start3A_197 : memref<125xi32, #tpu.memory_space<vmem>>) semaphore(%arg14 : memref<!tpu.dma_semaphore, #tpu.memory_space<semaphore_mem>>)
      } else {
      }
      %mul3A_143 = arith.constant 5 : i32
      %mul3A_144 = arith.muli %scan3A_74, %mul3A_143 : i32
      %add3A_145 = arith.constant 3 : i32
      %add3A_146 = arith.addi %mul3A_144, %add3A_145 : i32
      %dma_wait3A_147 = arith.constant 0 : i32
      %dma_wait3A_148 = arith.constant 0 : i32
      %dma_wait3A_149 = tpu.memref_slice %arg4[%dma_wait3A_147, %dma_wait3A_148] : memref<10000x64xf32, #tpu.memory_space<hbm>> -> memref<125x64xf32, #tpu.memory_space<hbm>>
      %dma_wait3A_150 = arith.constant 0 : i32
      %dma_wait3A_151 = arith.constant 0 : i32
      %dma_wait3A_152 = tpu.memref_slice %arg4[%dma_wait3A_150, %dma_wait3A_151] : memref<10000x64xf32, #tpu.memory_space<hbm>> -> memref<125x64xf32, #tpu.memory_space<hbm>>
      tpu.wait_dma2 semaphore(%arg17 : memref<!tpu.dma_semaphore, #tpu.memory_space<semaphore_mem>>) src(%dma_wait3A_152 : memref<125x64xf32, #tpu.memory_space<hbm>>) dst(%arg11 : memref<125x64xf32, #tpu.memory_space<vmem>>)
      %dma_start3A_153 = arith.constant 0 : i32
      %dma_start3A_154 = tpu.memref_slice %arg7[%add3A_146, %dma_start3A_153] : memref<80x125xi32, #tpu.memory_space<vmem>> -> memref<1x125xi32, #tpu.memory_space<vmem>>
      %dma_start3A_155 = tpu.memref_squeeze %dma_start3A_154 : memref<1x125xi32, #tpu.memory_space<vmem>> -> memref<125xi32, #tpu.memory_space<vmem>>
      %dma_start3A_156 = arith.constant 0 : i32
      %dma_start3A_157 = arith.constant 0 : i32
      %dma_start3A_158 = tpu.memref_slice %arg13[%dma_start3A_156, %dma_start3A_157] : memref<10000x64xf32, #tpu.memory_space<vmem_shared>> -> memref<10000x64xf32, #tpu.memory_space<vmem_shared>>
      tpu.enqueue_indirect_dma source(%arg11 : memref<125x64xf32, #tpu.memory_space<vmem>>) target(%dma_start3A_158 : memref<10000x64xf32, #tpu.memory_space<vmem_shared>>) offsets(%dma_start3A_155 : memref<125xi32, #tpu.memory_space<vmem>>) semaphore(%arg22 : memref<!tpu.dma_semaphore, #tpu.memory_space<semaphore_mem>>) {add = true}
      %add3A_159 = arith.constant 3 : i32
      %add3A_160 = arith.addi %add3A_146, %add3A_159 : i32
      %lt3A_161 = arith.constant 80 : i32
      %lt3A_162 = arith.cmpi slt, %add3A_160, %lt3A_161 : i32
      %convert_element_type3A_163 = arith.extui %lt3A_162 : i1 to i32
      %cond3A_164 = arith.constant 0 : i32
      %cond3A_165 = arith.cmpi ne, %convert_element_type3A_163, %cond3A_164 : i32
      scf.if %cond3A_165 {
        %ge3A = arith.constant 2 : i32
        %ge3A_189 = arith.cmpi sge, %add3A_146, %ge3A : i32
        %convert_element_type3A_190 = arith.extui %ge3A_189 : i1 to i32
        %cond3A_191 = arith.constant 0 : i32
        %cond3A_192 = arith.cmpi ne, %convert_element_type3A_190, %cond3A_191 : i32
        scf.if %cond3A_192 {
          %dma_wait3A_201 = arith.constant 0 : i32
          %dma_wait3A_202 = arith.constant 0 : i32
          %dma_wait3A_203 = tpu.memref_slice %arg13[%dma_wait3A_201, %dma_wait3A_202] : memref<10000x64xf32, #tpu.memory_space<vmem_shared>> -> memref<125x64xf32, #tpu.memory_space<vmem_shared>>
          %dma_wait3A_204 = arith.constant 0 : i32
          %dma_wait3A_205 = arith.constant 0 : i32
          %dma_wait3A_206 = tpu.memref_slice %arg13[%dma_wait3A_204, %dma_wait3A_205] : memref<10000x64xf32, #tpu.memory_space<vmem_shared>> -> memref<125x64xf32, #tpu.memory_space<vmem_shared>>
          tpu.wait_dma2 semaphore(%arg20 : memref<!tpu.dma_semaphore, #tpu.memory_space<semaphore_mem>>) src(%arg9 : memref<125x64xf32, #tpu.memory_space<vmem>>) dst(%dma_wait3A_206 : memref<125x64xf32, #tpu.memory_space<vmem_shared>>)
        } else {
        }
        %add3A_193 = arith.constant 3 : i32
        %add3A_194 = arith.addi %add3A_146, %add3A_193 : i32
        %dma_start3A_195 = arith.constant 0 : i32
        %dma_start3A_196 = tpu.memref_slice %arg6[%add3A_194, %dma_start3A_195] : memref<80x125xi32, #tpu.memory_space<vmem>> -> memref<1x125xi32, #tpu.memory_space<vmem>>
        %dma_start3A_197 = tpu.memref_squeeze %dma_start3A_196 : memref<1x125xi32, #tpu.memory_space<vmem>> -> memref<125xi32, #tpu.memory_space<vmem>>
        %dma_start3A_198 = arith.constant 0 : i32
        %dma_start3A_199 = arith.constant 0 : i32
        %dma_start3A_200 = tpu.memref_slice %arg2[%dma_start3A_198, %dma_start3A_199] : memref<10000x64xf32, #tpu.memory_space<hbm>> -> memref<10000x64xf32, #tpu.memory_space<hbm>>
        tpu.enqueue_indirect_dma source(%dma_start3A_200 : memref<10000x64xf32, #tpu.memory_space<hbm>>) target(%arg9 : memref<125x64xf32, #tpu.memory_space<vmem>>) offsets(%dma_start3A_197 : memref<125xi32, #tpu.memory_space<vmem>>) semaphore(%arg15 : memref<!tpu.dma_semaphore, #tpu.memory_space<semaphore_mem>>)
      } else {
      }
      %mul3A_166 = arith.constant 5 : i32
      %mul3A_167 = arith.muli %scan3A_74, %mul3A_166 : i32
      %add3A_168 = arith.constant 4 : i32
      %add3A_169 = arith.addi %mul3A_167, %add3A_168 : i32
      %dma_wait3A_170 = arith.constant 0 : i32
      %dma_wait3A_171 = arith.constant 0 : i32
      %dma_wait3A_172 = tpu.memref_slice %arg4[%dma_wait3A_170, %dma_wait3A_171] : memref<10000x64xf32, #tpu.memory_space<hbm>> -> memref<125x64xf32, #tpu.memory_space<hbm>>
      %dma_wait3A_173 = arith.constant 0 : i32
      %dma_wait3A_174 = arith.constant 0 : i32
      %dma_wait3A_175 = tpu.memref_slice %arg4[%dma_wait3A_173, %dma_wait3A_174] : memref<10000x64xf32, #tpu.memory_space<hbm>> -> memref<125x64xf32, #tpu.memory_space<hbm>>
      tpu.wait_dma2 semaphore(%arg18 : memref<!tpu.dma_semaphore, #tpu.memory_space<semaphore_mem>>) src(%dma_wait3A_175 : memref<125x64xf32, #tpu.memory_space<hbm>>) dst(%arg12 : memref<125x64xf32, #tpu.memory_space<vmem>>)
      %dma_start3A_176 = arith.constant 0 : i32
      %dma_start3A_177 = tpu.memref_slice %arg7[%add3A_169, %dma_start3A_176] : memref<80x125xi32, #tpu.memory_space<vmem>> -> memref<1x125xi32, #tpu.memory_space<vmem>>
      %dma_start3A_178 = tpu.memref_squeeze %dma_start3A_177 : memref<1x125xi32, #tpu.memory_space<vmem>> -> memref<125xi32, #tpu.memory_space<vmem>>
      %dma_start3A_179 = arith.constant 0 : i32
      %dma_start3A_180 = arith.constant 0 : i32
      %dma_start3A_181 = tpu.memref_slice %arg13[%dma_start3A_179, %dma_start3A_180] : memref<10000x64xf32, #tpu.memory_space<vmem_shared>> -> memref<10000x64xf32, #tpu.memory_space<vmem_shared>>
      tpu.enqueue_indirect_dma source(%arg12 : memref<125x64xf32, #tpu.memory_space<vmem>>) target(%dma_start3A_181 : memref<10000x64xf32, #tpu.memory_space<vmem_shared>>) offsets(%dma_start3A_178 : memref<125xi32, #tpu.memory_space<vmem>>) semaphore(%arg23 : memref<!tpu.dma_semaphore, #tpu.memory_space<semaphore_mem>>) {add = true}
      %add3A_182 = arith.constant 3 : i32
      %add3A_183 = arith.addi %add3A_169, %add3A_182 : i32
      %lt3A_184 = arith.constant 80 : i32
      %lt3A_185 = arith.cmpi slt, %add3A_183, %lt3A_184 : i32
      %convert_element_type3A_186 = arith.extui %lt3A_185 : i1 to i32
      %cond3A_187 = arith.constant 0 : i32
      %cond3A_188 = arith.cmpi ne, %convert_element_type3A_186, %cond3A_187 : i32
      scf.if %cond3A_188 {
        %ge3A = arith.constant 2 : i32
        %ge3A_189 = arith.cmpi sge, %add3A_169, %ge3A : i32
        %convert_element_type3A_190 = arith.extui %ge3A_189 : i1 to i32
        %cond3A_191 = arith.constant 0 : i32
        %cond3A_192 = arith.cmpi ne, %convert_element_type3A_190, %cond3A_191 : i32
        scf.if %cond3A_192 {
          %dma_wait3A_201 = arith.constant 0 : i32
          %dma_wait3A_202 = arith.constant 0 : i32
          %dma_wait3A_203 = tpu.memref_slice %arg13[%dma_wait3A_201, %dma_wait3A_202] : memref<10000x64xf32, #tpu.memory_space<vmem_shared>> -> memref<125x64xf32, #tpu.memory_space<vmem_shared>>
          %dma_wait3A_204 = arith.constant 0 : i32
          %dma_wait3A_205 = arith.constant 0 : i32
          %dma_wait3A_206 = tpu.memref_slice %arg13[%dma_wait3A_204, %dma_wait3A_205] : memref<10000x64xf32, #tpu.memory_space<vmem_shared>> -> memref<125x64xf32, #tpu.memory_space<vmem_shared>>
          tpu.wait_dma2 semaphore(%arg21 : memref<!tpu.dma_semaphore, #tpu.memory_space<semaphore_mem>>) src(%arg10 : memref<125x64xf32, #tpu.memory_space<vmem>>) dst(%dma_wait3A_206 : memref<125x64xf32, #tpu.memory_space<vmem_shared>>)
        } else {
        }
        %add3A_193 = arith.constant 3 : i32
        %add3A_194 = arith.addi %add3A_169, %add3A_193 : i32
        %dma_start3A_195 = arith.constant 0 : i32
        %dma_start3A_196 = tpu.memref_slice %arg6[%add3A_194, %dma_start3A_195] : memref<80x125xi32, #tpu.memory_space<vmem>> -> memref<1x125xi32, #tpu.memory_space<vmem>>
        %dma_start3A_197 = tpu.memref_squeeze %dma_start3A_196 : memref<1x125xi32, #tpu.memory_space<vmem>> -> memref<125xi32, #tpu.memory_space<vmem>>
        %dma_start3A_198 = arith.constant 0 : i32
        %dma_start3A_199 = arith.constant 0 : i32
        %dma_start3A_200 = tpu.memref_slice %arg2[%dma_start3A_198, %dma_start3A_199] : memref<10000x64xf32, #tpu.memory_space<hbm>> -> memref<10000x64xf32, #tpu.memory_space<hbm>>
        tpu.enqueue_indirect_dma source(%dma_start3A_200 : memref<10000x64xf32, #tpu.memory_space<hbm>>) target(%arg10 : memref<125x64xf32, #tpu.memory_space<vmem>>) offsets(%dma_start3A_197 : memref<125xi32, #tpu.memory_space<vmem>>) semaphore(%arg16 : memref<!tpu.dma_semaphore, #tpu.memory_space<semaphore_mem>>)
      } else {
      }
    }
    %scan3A_34 = arith.constant 16 : i32
    %dma_wait3A = arith.constant 0 : i32
    %dma_wait3A_35 = arith.constant 0 : i32
    %dma_wait3A_36 = tpu.memref_slice %arg13[%dma_wait3A, %dma_wait3A_35] : memref<10000x64xf32, #tpu.memory_space<vmem_shared>> -> memref<125x64xf32, #tpu.memory_space<vmem_shared>>
    %dma_wait3A_37 = arith.constant 0 : i32
    %dma_wait3A_38 = arith.constant 0 : i32
    %dma_wait3A_39 = tpu.memref_slice %arg13[%dma_wait3A_37, %dma_wait3A_38] : memref<10000x64xf32, #tpu.memory_space<vmem_shared>> -> memref<125x64xf32, #tpu.memory_space<vmem_shared>>
    tpu.wait_dma2 semaphore(%arg19 : memref<!tpu.dma_semaphore, #tpu.memory_space<semaphore_mem>>) src(%arg8 : memref<125x64xf32, #tpu.memory_space<vmem>>) dst(%dma_wait3A_39 : memref<125x64xf32, #tpu.memory_space<vmem_shared>>)
    %dma_wait3A_40 = arith.constant 0 : i32
    %dma_wait3A_41 = arith.constant 0 : i32
    %dma_wait3A_42 = tpu.memref_slice %arg13[%dma_wait3A_40, %dma_wait3A_41] : memref<10000x64xf32, #tpu.memory_space<vmem_shared>> -> memref<125x64xf32, #tpu.memory_space<vmem_shared>>
    %dma_wait3A_43 = arith.constant 0 : i32
    %dma_wait3A_44 = arith.constant 0 : i32
    %dma_wait3A_45 = tpu.memref_slice %arg13[%dma_wait3A_43, %dma_wait3A_44] : memref<10000x64xf32, #tpu.memory_space<vmem_shared>> -> memref<125x64xf32, #tpu.memory_space<vmem_shared>>
    tpu.wait_dma2 semaphore(%arg20 : memref<!tpu.dma_semaphore, #tpu.memory_space<semaphore_mem>>) src(%arg9 : memref<125x64xf32, #tpu.memory_space<vmem>>) dst(%dma_wait3A_45 : memref<125x64xf32, #tpu.memory_space<vmem_shared>>)
    %dma_wait3A_46 = arith.constant 0 : i32
    %dma_wait3A_47 = arith.constant 0 : i32
    %dma_wait3A_48 = tpu.memref_slice %arg13[%dma_wait3A_46, %dma_wait3A_47] : memref<10000x64xf32, #tpu.memory_space<vmem_shared>> -> memref<125x64xf32, #tpu.memory_space<vmem_shared>>
    %dma_wait3A_49 = arith.constant 0 : i32
    %dma_wait3A_50 = arith.constant 0 : i32
    %dma_wait3A_51 = tpu.memref_slice %arg13[%dma_wait3A_49, %dma_wait3A_50] : memref<10000x64xf32, #tpu.memory_space<vmem_shared>> -> memref<125x64xf32, #tpu.memory_space<vmem_shared>>
    tpu.wait_dma2 semaphore(%arg21 : memref<!tpu.dma_semaphore, #tpu.memory_space<semaphore_mem>>) src(%arg10 : memref<125x64xf32, #tpu.memory_space<vmem>>) dst(%dma_wait3A_51 : memref<125x64xf32, #tpu.memory_space<vmem_shared>>)
    %dma_wait3A_52 = arith.constant 0 : i32
    %dma_wait3A_53 = arith.constant 0 : i32
    %dma_wait3A_54 = tpu.memref_slice %arg13[%dma_wait3A_52, %dma_wait3A_53] : memref<10000x64xf32, #tpu.memory_space<vmem_shared>> -> memref<125x64xf32, #tpu.memory_space<vmem_shared>>
    %dma_wait3A_55 = arith.constant 0 : i32
    %dma_wait3A_56 = arith.constant 0 : i32
    %dma_wait3A_57 = tpu.memref_slice %arg13[%dma_wait3A_55, %dma_wait3A_56] : memref<10000x64xf32, #tpu.memory_space<vmem_shared>> -> memref<125x64xf32, #tpu.memory_space<vmem_shared>>
    tpu.wait_dma2 semaphore(%arg22 : memref<!tpu.dma_semaphore, #tpu.memory_space<semaphore_mem>>) src(%arg11 : memref<125x64xf32, #tpu.memory_space<vmem>>) dst(%dma_wait3A_57 : memref<125x64xf32, #tpu.memory_space<vmem_shared>>)
    %dma_wait3A_58 = arith.constant 0 : i32
    %dma_wait3A_59 = arith.constant 0 : i32
    %dma_wait3A_60 = tpu.memref_slice %arg13[%dma_wait3A_58, %dma_wait3A_59] : memref<10000x64xf32, #tpu.memory_space<vmem_shared>> -> memref<125x64xf32, #tpu.memory_space<vmem_shared>>
    %dma_wait3A_61 = arith.constant 0 : i32
    %dma_wait3A_62 = arith.constant 0 : i32
    %dma_wait3A_63 = tpu.memref_slice %arg13[%dma_wait3A_61, %dma_wait3A_62] : memref<10000x64xf32, #tpu.memory_space<vmem_shared>> -> memref<125x64xf32, #tpu.memory_space<vmem_shared>>
    tpu.wait_dma2 semaphore(%arg23 : memref<!tpu.dma_semaphore, #tpu.memory_space<semaphore_mem>>) src(%arg12 : memref<125x64xf32, #tpu.memory_space<vmem>>) dst(%dma_wait3A_63 : memref<125x64xf32, #tpu.memory_space<vmem_shared>>)
    %barrier3A_64 = arith.constant 0 : index
    tpu.barrier barrier_id(%barrier3A_64)
    %mul3A_65 = arith.constant 624 : i32
    %mul3A_66 = arith.muli %arg1, %mul3A_65 : i32
    %mul3A_67 = arith.constant 624 : i32
    %mul3A_68 = arith.muli %arg1, %mul3A_67 : i32
    "tpu.region"() ({
      %run_scoped3A_74 = tpu.sem_alloc : memref<!tpu.dma_semaphore, #tpu.memory_space<semaphore_mem>>
      %dma_start3A_75 = arith.constant 0 : i32
      %dma_start3A_76 = arith.constant 0 : i32
      %dma_start3A_77 = tpu.memref_slice %arg5[%arg0, %dma_start3A_75, %dma_start3A_76] : memref<2x10000x64xf32, #tpu.memory_space<hbm>> -> memref<1x10000x64xf32, #tpu.memory_space<hbm>>
      %dma_start3A_78 = tpu.memref_squeeze %dma_start3A_77 : memref<1x10000x64xf32, #tpu.memory_space<hbm>> -> memref<10000x64xf32, #tpu.memory_space<hbm>>
      %dma_start3A_79 = arith.constant 0 : i32
      %dma_start3A_80 = tpu.memref_slice %dma_start3A_78[%mul3A_68, %dma_start3A_79] : memref<10000x64xf32, #tpu.memory_space<hbm>> -> memref<624x64xf32, #tpu.memory_space<hbm>>
      %dma_start3A_81 = arith.constant 0 : i32
      %dma_start3A_82 = tpu.memref_slice %arg13[%mul3A_66, %dma_start3A_81] : memref<10000x64xf32, #tpu.memory_space<vmem_shared>> -> memref<624x64xf32, #tpu.memory_space<vmem_shared>>
      tpu.enqueue_dma source(%dma_start3A_82 : memref<624x64xf32, #tpu.memory_space<vmem_shared>>) target(%dma_start3A_80 : memref<624x64xf32, #tpu.memory_space<hbm>>) target_semaphore(%run_scoped3A_74 : memref<!tpu.dma_semaphore, #tpu.memory_space<semaphore_mem>>)
      %dma_wait3A_83 = arith.constant 0 : i32
      %dma_wait3A_84 = arith.constant 0 : i32
      %dma_wait3A_85 = tpu.memref_slice %arg5[%arg0, %dma_wait3A_83, %dma_wait3A_84] : memref<2x10000x64xf32, #tpu.memory_space<hbm>> -> memref<1x10000x64xf32, #tpu.memory_space<hbm>>
      %dma_wait3A_86 = tpu.memref_squeeze %dma_wait3A_85 : memref<1x10000x64xf32, #tpu.memory_space<hbm>> -> memref<10000x64xf32, #tpu.memory_space<hbm>>
      %dma_wait3A_87 = arith.constant 0 : i32
      %dma_wait3A_88 = tpu.memref_slice %dma_wait3A_86[%mul3A_68, %dma_wait3A_87] : memref<10000x64xf32, #tpu.memory_space<hbm>> -> memref<624x64xf32, #tpu.memory_space<hbm>>
      %dma_wait3A_89 = arith.constant 0 : i32
      %dma_wait3A_90 = tpu.memref_slice %arg13[%mul3A_66, %dma_wait3A_89] : memref<10000x64xf32, #tpu.memory_space<vmem_shared>> -> memref<624x64xf32, #tpu.memory_space<vmem_shared>>
      tpu.wait_dma2 semaphore(%run_scoped3A_74 : memref<!tpu.dma_semaphore, #tpu.memory_space<semaphore_mem>>) src(%dma_wait3A_90 : memref<624x64xf32, #tpu.memory_space<vmem_shared>>) dst(%dma_wait3A_88 : memref<624x64xf32, #tpu.memory_space<hbm>>)
      tpu.yield
    }) : () -> ()
    %eq3A_69 = arith.constant 15 : i32
    %eq3A_70 = arith.cmpi eq, %arg1, %eq3A_69 : i32
    %convert_element_type3A_71 = arith.extui %eq3A_70 : i1 to i32
    %cond3A_72 = arith.constant 0 : i32
    %cond3A_73 = arith.cmpi ne, %convert_element_type3A_71, %cond3A_72 : i32
    scf.if %cond3A_73 {
      "tpu.region"() ({
        %run_scoped3A_74 = tpu.sem_alloc : memref<!tpu.dma_semaphore, #tpu.memory_space<semaphore_mem>>
        %dma_start3A_75 = arith.constant 0 : i32
        %dma_start3A_76 = arith.constant 0 : i32
        %dma_start3A_77 = tpu.memref_slice %arg5[%arg0, %dma_start3A_75, %dma_start3A_76] : memref<2x10000x64xf32, #tpu.memory_space<hbm>> -> memref<1x10000x64xf32, #tpu.memory_space<hbm>>
        %dma_start3A_78 = tpu.memref_squeeze %dma_start3A_77 : memref<1x10000x64xf32, #tpu.memory_space<hbm>> -> memref<10000x64xf32, #tpu.memory_space<hbm>>
        %dma_start3A_79 = arith.constant 9984 : i32
        %dma_start3A_80 = arith.constant 0 : i32
        %dma_start3A_81 = tpu.memref_slice %dma_start3A_78[%dma_start3A_79, %dma_start3A_80] : memref<10000x64xf32, #tpu.memory_space<hbm>> -> memref<16x64xf32, #tpu.memory_space<hbm>>
        %dma_start3A_82 = arith.constant 9984 : i32
        %dma_start3A_83 = arith.constant 0 : i32
        %dma_start3A_84 = tpu.memref_slice %arg13[%dma_start3A_82, %dma_start3A_83] : memref<10000x64xf32, #tpu.memory_space<vmem_shared>> -> memref<16x64xf32, #tpu.memory_space<vmem_shared>>
        tpu.enqueue_dma source(%dma_start3A_84 : memref<16x64xf32, #tpu.memory_space<vmem_shared>>) target(%dma_start3A_81 : memref<16x64xf32, #tpu.memory_space<hbm>>) target_semaphore(%run_scoped3A_74 : memref<!tpu.dma_semaphore, #tpu.memory_space<semaphore_mem>>)
        %dma_wait3A_85 = arith.constant 0 : i32
        %dma_wait3A_86 = arith.constant 0 : i32
        %dma_wait3A_87 = tpu.memref_slice %arg5[%arg0, %dma_wait3A_85, %dma_wait3A_86] : memref<2x10000x64xf32, #tpu.memory_space<hbm>> -> memref<1x10000x64xf32, #tpu.memory_space<hbm>>
        %dma_wait3A_88 = tpu.memref_squeeze %dma_wait3A_87 : memref<1x10000x64xf32, #tpu.memory_space<hbm>> -> memref<10000x64xf32, #tpu.memory_space<hbm>>
        %dma_wait3A_89 = arith.constant 9984 : i32
        %dma_wait3A_90 = arith.constant 0 : i32
        %dma_wait3A_91 = tpu.memref_slice %dma_wait3A_88[%dma_wait3A_89, %dma_wait3A_90] : memref<10000x64xf32, #tpu.memory_space<hbm>> -> memref<16x64xf32, #tpu.memory_space<hbm>>
        %dma_wait3A_92 = arith.constant 9984 : i32
        %dma_wait3A_93 = arith.constant 0 : i32
        %dma_wait3A_94 = tpu.memref_slice %arg13[%dma_wait3A_92, %dma_wait3A_93] : memref<10000x64xf32, #tpu.memory_space<vmem_shared>> -> memref<16x64xf32, #tpu.memory_space<vmem_shared>>
        tpu.wait_dma2 semaphore(%run_scoped3A_74 : memref<!tpu.dma_semaphore, #tpu.memory_space<semaphore_mem>>) src(%dma_wait3A_94 : memref<16x64xf32, #tpu.memory_space<vmem_shared>>) dst(%dma_wait3A_91 : memref<16x64xf32, #tpu.memory_space<hbm>>)
        tpu.yield
      }) : () -> ()
    } else {
    }
    return
  }
}

#map = affine_map<(d0, d1) -> (0, 0)>
#map1 = affine_map<(d0, d1) -> (0, 0, 0)>
module attributes {stable_mosaic.version = 14 : i64} {
  func.func @prop_half(%arg0: i32, %arg1: i32, %arg2: memref<10000x64xf32, #tpu.memory_space<hbm>>, %arg3: memref<2x2560x125xi32, #tpu.memory_space<hbm>>, %arg4: memref<10000x64xf32, #tpu.memory_space<hbm>>, %arg5: memref<2x10000x64xf32, #tpu.memory_space<hbm>>, %arg6: memref<80x125xi32, #tpu.memory_space<vmem>>, %arg7: memref<80x125xi32, #tpu.memory_space<vmem>>, %arg8: memref<125x64xf32, #tpu.memory_space<vmem>>, %arg9: memref<125x64xf32, #tpu.memory_space<vmem>>, %arg10: memref<125x64xf32, #tpu.memory_space<vmem>>, %arg11: memref<125x64xf32, #tpu.memory_space<vmem>>, %arg12: memref<125x64xf32, #tpu.memory_space<vmem>>, %arg13: memref<10000x64xf32, #tpu.memory_space<vmem_shared>>, %arg14: memref<!tpu.dma_semaphore, #tpu.memory_space<semaphore_mem>>, %arg15: memref<!tpu.dma_semaphore, #tpu.memory_space<semaphore_mem>>, %arg16: memref<!tpu.dma_semaphore, #tpu.memory_space<semaphore_mem>>, %arg17: memref<!tpu.dma_semaphore, #tpu.memory_space<semaphore_mem>>, %arg18: memref<!tpu.dma_semaphore, #tpu.memory_space<semaphore_mem>>, %arg19: memref<!tpu.dma_semaphore, #tpu.memory_space<semaphore_mem>>, %arg20: memref<!tpu.dma_semaphore, #tpu.memory_space<semaphore_mem>>, %arg21: memref<!tpu.dma_semaphore, #tpu.memory_space<semaphore_mem>>, %arg22: memref<!tpu.dma_semaphore, #tpu.memory_space<semaphore_mem>>, %arg23: memref<!tpu.dma_semaphore, #tpu.memory_space<semaphore_mem>>) attributes {dimension_semantics = [#tpu.dimension_semantics<core_parallel>, #tpu.dimension_semantics<subcore_parallel>], iteration_bounds = array<i64: 2, 16>, scalar_prefetch = 0 : i64, scratch_operands = 18 : i64, tpu.core_type = #tpu.core_type<sc_vector_subcore>, window_params = [{transform_indices = #map}, {transform_indices = #map1}, {transform_indices = #map}, {transform_indices = #map1}]} {
    %mul3A = arith.constant 624 : i32
    %mul3A_0 = arith.muli %arg1, %mul3A : i32
    %mul3A_1 = arith.constant 624 : i32
    %mul3A_2 = arith.muli %arg1, %mul3A_1 : i32
    "tpu.region"() ({
      %run_scoped3A_74 = tpu.sem_alloc : memref<!tpu.dma_semaphore, #tpu.memory_space<semaphore_mem>>
      %dma_start3A_75 = arith.constant 0 : i32
      %dma_start3A_76 = tpu.memref_slice %arg13[%mul3A_2, %dma_start3A_75] : memref<10000x64xf32, #tpu.memory_space<vmem_shared>> -> memref<624x64xf32, #tpu.memory_space<vmem_shared>>
      %dma_start3A_77 = arith.constant 0 : i32
      %dma_start3A_78 = tpu.memref_slice %arg4[%mul3A_0, %dma_start3A_77] : memref<10000x64xf32, #tpu.memory_space<hbm>> -> memref<624x64xf32, #tpu.memory_space<hbm>>
      tpu.enqueue_dma source(%dma_start3A_78 : memref<624x64xf32, #tpu.memory_space<hbm>>) target(%dma_start3A_76 : memref<624x64xf32, #tpu.memory_space<vmem_shared>>) target_semaphore(%run_scoped3A_74 : memref<!tpu.dma_semaphore, #tpu.memory_space<semaphore_mem>>)
      %dma_wait3A_79 = arith.constant 0 : i32
      %dma_wait3A_80 = tpu.memref_slice %arg13[%mul3A_2, %dma_wait3A_79] : memref<10000x64xf32, #tpu.memory_space<vmem_shared>> -> memref<624x64xf32, #tpu.memory_space<vmem_shared>>
      %dma_wait3A_81 = arith.constant 0 : i32
      %dma_wait3A_82 = tpu.memref_slice %arg4[%mul3A_0, %dma_wait3A_81] : memref<10000x64xf32, #tpu.memory_space<hbm>> -> memref<624x64xf32, #tpu.memory_space<hbm>>
      tpu.wait_dma2 semaphore(%run_scoped3A_74 : memref<!tpu.dma_semaphore, #tpu.memory_space<semaphore_mem>>) src(%dma_wait3A_82 : memref<624x64xf32, #tpu.memory_space<hbm>>) dst(%dma_wait3A_80 : memref<624x64xf32, #tpu.memory_space<vmem_shared>>)
      tpu.yield
    }) : () -> ()
    %eq3A = arith.constant 15 : i32
    %eq3A_3 = arith.cmpi eq, %arg1, %eq3A : i32
    %convert_element_type3A = arith.extui %eq3A_3 : i1 to i32
    %cond3A = arith.constant 0 : i32
    %cond3A_4 = arith.cmpi ne, %convert_element_type3A, %cond3A : i32
    scf.if %cond3A_4 {
      "tpu.region"() ({
        %run_scoped3A_74 = tpu.sem_alloc : memref<!tpu.dma_semaphore, #tpu.memory_space<semaphore_mem>>
        %dma_start3A_75 = arith.constant 9984 : i32
        %dma_start3A_76 = arith.constant 0 : i32
        %dma_start3A_77 = tpu.memref_slice %arg13[%dma_start3A_75, %dma_start3A_76] : memref<10000x64xf32, #tpu.memory_space<vmem_shared>> -> memref<16x64xf32, #tpu.memory_space<vmem_shared>>
        %dma_start3A_78 = arith.constant 9984 : i32
        %dma_start3A_79 = arith.constant 0 : i32
        %dma_start3A_80 = tpu.memref_slice %arg4[%dma_start3A_78, %dma_start3A_79] : memref<10000x64xf32, #tpu.memory_space<hbm>> -> memref<16x64xf32, #tpu.memory_space<hbm>>
        tpu.enqueue_dma source(%dma_start3A_80 : memref<16x64xf32, #tpu.memory_space<hbm>>) target(%dma_start3A_77 : memref<16x64xf32, #tpu.memory_space<vmem_shared>>) target_semaphore(%run_scoped3A_74 : memref<!tpu.dma_semaphore, #tpu.memory_space<semaphore_mem>>)
        %dma_wait3A_81 = arith.constant 9984 : i32
        %dma_wait3A_82 = arith.constant 0 : i32
        %dma_wait3A_83 = tpu.memref_slice %arg13[%dma_wait3A_81, %dma_wait3A_82] : memref<10000x64xf32, #tpu.memory_space<vmem_shared>> -> memref<16x64xf32, #tpu.memory_space<vmem_shared>>
        %dma_wait3A_84 = arith.constant 9984 : i32
        %dma_wait3A_85 = arith.constant 0 : i32
        %dma_wait3A_86 = tpu.memref_slice %arg4[%dma_wait3A_84, %dma_wait3A_85] : memref<10000x64xf32, #tpu.memory_space<hbm>> -> memref<16x64xf32, #tpu.memory_space<hbm>>
        tpu.wait_dma2 semaphore(%run_scoped3A_74 : memref<!tpu.dma_semaphore, #tpu.memory_space<semaphore_mem>>) src(%dma_wait3A_86 : memref<16x64xf32, #tpu.memory_space<hbm>>) dst(%dma_wait3A_83 : memref<16x64xf32, #tpu.memory_space<vmem_shared>>)
        tpu.yield
      }) : () -> ()
    } else {
    }
    %mul3A_5 = arith.constant 16 : i32
    %mul3A_6 = arith.muli %arg0, %mul3A_5 : i32
    %add3A = arith.addi %mul3A_6, %arg1 : i32
    %mul3A_7 = arith.constant 80 : i32
    %mul3A_8 = arith.muli %add3A, %mul3A_7 : i32
    %run_scoped3A = arith.constant 0 : i32
    "tpu.region"() ({
      %run_scoped3A_74 = tpu.sem_alloc : memref<!tpu.dma_semaphore, #tpu.memory_space<semaphore_mem>>
      %dma_start3A_75 = arith.constant 0 : i32
      %dma_start3A_76 = tpu.memref_slice %arg3[%run_scoped3A, %mul3A_8, %dma_start3A_75] : memref<2x2560x125xi32, #tpu.memory_space<hbm>> -> memref<1x80x125xi32, #tpu.memory_space<hbm>>
      %dma_start3A_77 = tpu.memref_squeeze %dma_start3A_76 : memref<1x80x125xi32, #tpu.memory_space<hbm>> -> memref<80x125xi32, #tpu.memory_space<hbm>>
      %dma_start3A_78 = arith.constant 0 : i32
      %dma_start3A_79 = tpu.memref_slice %arg3[%run_scoped3A, %mul3A_8, %dma_start3A_78] : memref<2x2560x125xi32, #tpu.memory_space<hbm>> -> memref<1x80x125xi32, #tpu.memory_space<hbm>>
      %dma_start3A_80 = tpu.memref_squeeze %dma_start3A_79 : memref<1x80x125xi32, #tpu.memory_space<hbm>> -> memref<80x125xi32, #tpu.memory_space<hbm>>
      tpu.enqueue_dma source(%dma_start3A_80 : memref<80x125xi32, #tpu.memory_space<hbm>>) target(%arg6 : memref<80x125xi32, #tpu.memory_space<vmem>>) target_semaphore(%run_scoped3A_74 : memref<!tpu.dma_semaphore, #tpu.memory_space<semaphore_mem>>)
      %dma_wait3A_81 = arith.constant 0 : i32
      %dma_wait3A_82 = tpu.memref_slice %arg3[%run_scoped3A, %mul3A_8, %dma_wait3A_81] : memref<2x2560x125xi32, #tpu.memory_space<hbm>> -> memref<1x80x125xi32, #tpu.memory_space<hbm>>
      %dma_wait3A_83 = tpu.memref_squeeze %dma_wait3A_82 : memref<1x80x125xi32, #tpu.memory_space<hbm>> -> memref<80x125xi32, #tpu.memory_space<hbm>>
      %dma_wait3A_84 = arith.constant 0 : i32
      %dma_wait3A_85 = tpu.memref_slice %arg3[%run_scoped3A, %mul3A_8, %dma_wait3A_84] : memref<2x2560x125xi32, #tpu.memory_space<hbm>> -> memref<1x80x125xi32, #tpu.memory_space<hbm>>
      %dma_wait3A_86 = tpu.memref_squeeze %dma_wait3A_85 : memref<1x80x125xi32, #tpu.memory_space<hbm>> -> memref<80x125xi32, #tpu.memory_space<hbm>>
      tpu.wait_dma2 semaphore(%run_scoped3A_74 : memref<!tpu.dma_semaphore, #tpu.memory_space<semaphore_mem>>) src(%dma_wait3A_86 : memref<80x125xi32, #tpu.memory_space<hbm>>) dst(%arg6 : memref<80x125xi32, #tpu.memory_space<vmem>>)
      tpu.yield
    }) : () -> ()
    %run_scoped3A_9 = arith.constant 1 : i32
    "tpu.region"() ({
      %run_scoped3A_74 = tpu.sem_alloc : memref<!tpu.dma_semaphore, #tpu.memory_space<semaphore_mem>>
      %dma_start3A_75 = arith.constant 0 : i32
      %dma_start3A_76 = tpu.memref_slice %arg3[%run_scoped3A_9, %mul3A_8, %dma_start3A_75] : memref<2x2560x125xi32, #tpu.memory_space<hbm>> -> memref<1x80x125xi32, #tpu.memory_space<hbm>>
      %dma_start3A_77 = tpu.memref_squeeze %dma_start3A_76 : memref<1x80x125xi32, #tpu.memory_space<hbm>> -> memref<80x125xi32, #tpu.memory_space<hbm>>
      %dma_start3A_78 = arith.constant 0 : i32
      %dma_start3A_79 = tpu.memref_slice %arg3[%run_scoped3A_9, %mul3A_8, %dma_start3A_78] : memref<2x2560x125xi32, #tpu.memory_space<hbm>> -> memref<1x80x125xi32, #tpu.memory_space<hbm>>
      %dma_start3A_80 = tpu.memref_squeeze %dma_start3A_79 : memref<1x80x125xi32, #tpu.memory_space<hbm>> -> memref<80x125xi32, #tpu.memory_space<hbm>>
      tpu.enqueue_dma source(%dma_start3A_80 : memref<80x125xi32, #tpu.memory_space<hbm>>) target(%arg7 : memref<80x125xi32, #tpu.memory_space<vmem>>) target_semaphore(%run_scoped3A_74 : memref<!tpu.dma_semaphore, #tpu.memory_space<semaphore_mem>>)
      %dma_wait3A_81 = arith.constant 0 : i32
      %dma_wait3A_82 = tpu.memref_slice %arg3[%run_scoped3A_9, %mul3A_8, %dma_wait3A_81] : memref<2x2560x125xi32, #tpu.memory_space<hbm>> -> memref<1x80x125xi32, #tpu.memory_space<hbm>>
      %dma_wait3A_83 = tpu.memref_squeeze %dma_wait3A_82 : memref<1x80x125xi32, #tpu.memory_space<hbm>> -> memref<80x125xi32, #tpu.memory_space<hbm>>
      %dma_wait3A_84 = arith.constant 0 : i32
      %dma_wait3A_85 = tpu.memref_slice %arg3[%run_scoped3A_9, %mul3A_8, %dma_wait3A_84] : memref<2x2560x125xi32, #tpu.memory_space<hbm>> -> memref<1x80x125xi32, #tpu.memory_space<hbm>>
      %dma_wait3A_86 = tpu.memref_squeeze %dma_wait3A_85 : memref<1x80x125xi32, #tpu.memory_space<hbm>> -> memref<80x125xi32, #tpu.memory_space<hbm>>
      tpu.wait_dma2 semaphore(%run_scoped3A_74 : memref<!tpu.dma_semaphore, #tpu.memory_space<semaphore_mem>>) src(%dma_wait3A_86 : memref<80x125xi32, #tpu.memory_space<hbm>>) dst(%arg7 : memref<80x125xi32, #tpu.memory_space<vmem>>)
      tpu.yield
    }) : () -> ()
    %barrier3A = arith.constant 0 : index
    tpu.barrier barrier_id(%barrier3A)
    %dma_start3A = arith.constant 0 : i32
    %dma_start3A_10 = arith.constant 0 : i32
    %dma_start3A_11 = tpu.memref_slice %arg6[%dma_start3A, %dma_start3A_10] : memref<80x125xi32, #tpu.memory_space<vmem>> -> memref<1x125xi32, #tpu.memory_space<vmem>>
    %dma_start3A_12 = tpu.memref_squeeze %dma_start3A_11 : memref<1x125xi32, #tpu.memory_space<vmem>> -> memref<125xi32, #tpu.memory_space<vmem>>
    %dma_start3A_13 = arith.constant 0 : i32
    %dma_start3A_14 = arith.constant 0 : i32
    %dma_start3A_15 = tpu.memref_slice %arg2[%dma_start3A_13, %dma_start3A_14] : memref<10000x64xf32, #tpu.memory_space<hbm>> -> memref<10000x64xf32, #tpu.memory_space<hbm>>
    tpu.enqueue_indirect_dma source(%dma_start3A_15 : memref<10000x64xf32, #tpu.memory_space<hbm>>) target(%arg8 : memref<125x64xf32, #tpu.memory_space<vmem>>) offsets(%dma_start3A_12 : memref<125xi32, #tpu.memory_space<vmem>>) semaphore(%arg14 : memref<!tpu.dma_semaphore, #tpu.memory_space<semaphore_mem>>)
    %dma_start3A_16 = arith.constant 1 : i32
    %dma_start3A_17 = arith.constant 0 : i32
    %dma_start3A_18 = tpu.memref_slice %arg6[%dma_start3A_16, %dma_start3A_17] : memref<80x125xi32, #tpu.memory_space<vmem>> -> memref<1x125xi32, #tpu.memory_space<vmem>>
    %dma_start3A_19 = tpu.memref_squeeze %dma_start3A_18 : memref<1x125xi32, #tpu.memory_space<vmem>> -> memref<125xi32, #tpu.memory_space<vmem>>
    %dma_start3A_20 = arith.constant 0 : i32
    %dma_start3A_21 = arith.constant 0 : i32
    %dma_start3A_22 = tpu.memref_slice %arg2[%dma_start3A_20, %dma_start3A_21] : memref<10000x64xf32, #tpu.memory_space<hbm>> -> memref<10000x64xf32, #tpu.memory_space<hbm>>
    tpu.enqueue_indirect_dma source(%dma_start3A_22 : memref<10000x64xf32, #tpu.memory_space<hbm>>) target(%arg9 : memref<125x64xf32, #tpu.memory_space<vmem>>) offsets(%dma_start3A_19 : memref<125xi32, #tpu.memory_space<vmem>>) semaphore(%arg15 : memref<!tpu.dma_semaphore, #tpu.memory_space<semaphore_mem>>)
    %dma_start3A_23 = arith.constant 2 : i32
    %dma_start3A_24 = arith.constant 0 : i32
    %dma_start3A_25 = tpu.memref_slice %arg6[%dma_start3A_23, %dma_start3A_24] : memref<80x125xi32, #tpu.memory_space<vmem>> -> memref<1x125xi32, #tpu.memory_space<vmem>>
    %dma_start3A_26 = tpu.memref_squeeze %dma_start3A_25 : memref<1x125xi32, #tpu.memory_space<vmem>> -> memref<125xi32, #tpu.memory_space<vmem>>
    %dma_start3A_27 = arith.constant 0 : i32
    %dma_start3A_28 = arith.constant 0 : i32
    %dma_start3A_29 = tpu.memref_slice %arg2[%dma_start3A_27, %dma_start3A_28] : memref<10000x64xf32, #tpu.memory_space<hbm>> -> memref<10000x64xf32, #tpu.memory_space<hbm>>
    tpu.enqueue_indirect_dma source(%dma_start3A_29 : memref<10000x64xf32, #tpu.memory_space<hbm>>) target(%arg10 : memref<125x64xf32, #tpu.memory_space<vmem>>) offsets(%dma_start3A_26 : memref<125xi32, #tpu.memory_space<vmem>>) semaphore(%arg16 : memref<!tpu.dma_semaphore, #tpu.memory_space<semaphore_mem>>)
    %scan3A = arith.constant 0 : i32
    %scan3A_30 = arith.constant 0 : i32
    %scan3A_31 = arith.constant 16 : i32
    %scan3A_32 = arith.addi %scan3A_30, %scan3A_31 : i32
    %scan3A_33 = arith.constant 1 : i32
    scf.for %scan3A_74 = %scan3A_30 to %scan3A_32 step %scan3A_33  : i32 {
      %mul3A_75 = arith.constant 5 : i32
      %mul3A_76 = arith.muli %scan3A_74, %mul3A_75 : i32
      %add3A_77 = arith.constant 0 : i32
      %add3A_78 = arith.addi %mul3A_76, %add3A_77 : i32
      %dma_wait3A_79 = arith.constant 0 : i32
      %dma_wait3A_80 = arith.constant 0 : i32
      %dma_wait3A_81 = tpu.memref_slice %arg4[%dma_wait3A_79, %dma_wait3A_80] : memref<10000x64xf32, #tpu.memory_space<hbm>> -> memref<125x64xf32, #tpu.memory_space<hbm>>
      %dma_wait3A_82 = arith.constant 0 : i32
      %dma_wait3A_83 = arith.constant 0 : i32
      %dma_wait3A_84 = tpu.memref_slice %arg4[%dma_wait3A_82, %dma_wait3A_83] : memref<10000x64xf32, #tpu.memory_space<hbm>> -> memref<125x64xf32, #tpu.memory_space<hbm>>
      tpu.wait_dma2 semaphore(%arg14 : memref<!tpu.dma_semaphore, #tpu.memory_space<semaphore_mem>>) src(%dma_wait3A_84 : memref<125x64xf32, #tpu.memory_space<hbm>>) dst(%arg8 : memref<125x64xf32, #tpu.memory_space<vmem>>)
      %dma_start3A_85 = arith.constant 0 : i32
      %dma_start3A_86 = tpu.memref_slice %arg7[%add3A_78, %dma_start3A_85] : memref<80x125xi32, #tpu.memory_space<vmem>> -> memref<1x125xi32, #tpu.memory_space<vmem>>
      %dma_start3A_87 = tpu.memref_squeeze %dma_start3A_86 : memref<1x125xi32, #tpu.memory_space<vmem>> -> memref<125xi32, #tpu.memory_space<vmem>>
      %dma_start3A_88 = arith.constant 0 : i32
      %dma_start3A_89 = arith.constant 0 : i32
      %dma_start3A_90 = tpu.memref_slice %arg13[%dma_start3A_88, %dma_start3A_89] : memref<10000x64xf32, #tpu.memory_space<vmem_shared>> -> memref<10000x64xf32, #tpu.memory_space<vmem_shared>>
      tpu.enqueue_indirect_dma source(%arg8 : memref<125x64xf32, #tpu.memory_space<vmem>>) target(%dma_start3A_90 : memref<10000x64xf32, #tpu.memory_space<vmem_shared>>) offsets(%dma_start3A_87 : memref<125xi32, #tpu.memory_space<vmem>>) semaphore(%arg19 : memref<!tpu.dma_semaphore, #tpu.memory_space<semaphore_mem>>) {add = true}
      %add3A_91 = arith.constant 3 : i32
      %add3A_92 = arith.addi %add3A_78, %add3A_91 : i32
      %lt3A = arith.constant 80 : i32
      %lt3A_93 = arith.cmpi slt, %add3A_92, %lt3A : i32
      %convert_element_type3A_94 = arith.extui %lt3A_93 : i1 to i32
      %cond3A_95 = arith.constant 0 : i32
      %cond3A_96 = arith.cmpi ne, %convert_element_type3A_94, %cond3A_95 : i32
      scf.if %cond3A_96 {
        %ge3A = arith.constant 2 : i32
        %ge3A_189 = arith.cmpi sge, %add3A_78, %ge3A : i32
        %convert_element_type3A_190 = arith.extui %ge3A_189 : i1 to i32
        %cond3A_191 = arith.constant 0 : i32
        %cond3A_192 = arith.cmpi ne, %convert_element_type3A_190, %cond3A_191 : i32
        scf.if %cond3A_192 {
          %dma_wait3A_201 = arith.constant 0 : i32
          %dma_wait3A_202 = arith.constant 0 : i32
          %dma_wait3A_203 = tpu.memref_slice %arg13[%dma_wait3A_201, %dma_wait3A_202] : memref<10000x64xf32, #tpu.memory_space<vmem_shared>> -> memref<125x64xf32, #tpu.memory_space<vmem_shared>>
          %dma_wait3A_204 = arith.constant 0 : i32
          %dma_wait3A_205 = arith.constant 0 : i32
          %dma_wait3A_206 = tpu.memref_slice %arg13[%dma_wait3A_204, %dma_wait3A_205] : memref<10000x64xf32, #tpu.memory_space<vmem_shared>> -> memref<125x64xf32, #tpu.memory_space<vmem_shared>>
          tpu.wait_dma2 semaphore(%arg22 : memref<!tpu.dma_semaphore, #tpu.memory_space<semaphore_mem>>) src(%arg11 : memref<125x64xf32, #tpu.memory_space<vmem>>) dst(%dma_wait3A_206 : memref<125x64xf32, #tpu.memory_space<vmem_shared>>)
        } else {
        }
        %add3A_193 = arith.constant 3 : i32
        %add3A_194 = arith.addi %add3A_78, %add3A_193 : i32
        %dma_start3A_195 = arith.constant 0 : i32
        %dma_start3A_196 = tpu.memref_slice %arg6[%add3A_194, %dma_start3A_195] : memref<80x125xi32, #tpu.memory_space<vmem>> -> memref<1x125xi32, #tpu.memory_space<vmem>>
        %dma_start3A_197 = tpu.memref_squeeze %dma_start3A_196 : memref<1x125xi32, #tpu.memory_space<vmem>> -> memref<125xi32, #tpu.memory_space<vmem>>
        %dma_start3A_198 = arith.constant 0 : i32
        %dma_start3A_199 = arith.constant 0 : i32
        %dma_start3A_200 = tpu.memref_slice %arg2[%dma_start3A_198, %dma_start3A_199] : memref<10000x64xf32, #tpu.memory_space<hbm>> -> memref<10000x64xf32, #tpu.memory_space<hbm>>
        tpu.enqueue_indirect_dma source(%dma_start3A_200 : memref<10000x64xf32, #tpu.memory_space<hbm>>) target(%arg11 : memref<125x64xf32, #tpu.memory_space<vmem>>) offsets(%dma_start3A_197 : memref<125xi32, #tpu.memory_space<vmem>>) semaphore(%arg17 : memref<!tpu.dma_semaphore, #tpu.memory_space<semaphore_mem>>)
      } else {
      }
      %mul3A_97 = arith.constant 5 : i32
      %mul3A_98 = arith.muli %scan3A_74, %mul3A_97 : i32
      %add3A_99 = arith.constant 1 : i32
      %add3A_100 = arith.addi %mul3A_98, %add3A_99 : i32
      %dma_wait3A_101 = arith.constant 0 : i32
      %dma_wait3A_102 = arith.constant 0 : i32
      %dma_wait3A_103 = tpu.memref_slice %arg4[%dma_wait3A_101, %dma_wait3A_102] : memref<10000x64xf32, #tpu.memory_space<hbm>> -> memref<125x64xf32, #tpu.memory_space<hbm>>
      %dma_wait3A_104 = arith.constant 0 : i32
      %dma_wait3A_105 = arith.constant 0 : i32
      %dma_wait3A_106 = tpu.memref_slice %arg4[%dma_wait3A_104, %dma_wait3A_105] : memref<10000x64xf32, #tpu.memory_space<hbm>> -> memref<125x64xf32, #tpu.memory_space<hbm>>
      tpu.wait_dma2 semaphore(%arg15 : memref<!tpu.dma_semaphore, #tpu.memory_space<semaphore_mem>>) src(%dma_wait3A_106 : memref<125x64xf32, #tpu.memory_space<hbm>>) dst(%arg9 : memref<125x64xf32, #tpu.memory_space<vmem>>)
      %dma_start3A_107 = arith.constant 0 : i32
      %dma_start3A_108 = tpu.memref_slice %arg7[%add3A_100, %dma_start3A_107] : memref<80x125xi32, #tpu.memory_space<vmem>> -> memref<1x125xi32, #tpu.memory_space<vmem>>
      %dma_start3A_109 = tpu.memref_squeeze %dma_start3A_108 : memref<1x125xi32, #tpu.memory_space<vmem>> -> memref<125xi32, #tpu.memory_space<vmem>>
      %dma_start3A_110 = arith.constant 0 : i32
      %dma_start3A_111 = arith.constant 0 : i32
      %dma_start3A_112 = tpu.memref_slice %arg13[%dma_start3A_110, %dma_start3A_111] : memref<10000x64xf32, #tpu.memory_space<vmem_shared>> -> memref<10000x64xf32, #tpu.memory_space<vmem_shared>>
      tpu.enqueue_indirect_dma source(%arg9 : memref<125x64xf32, #tpu.memory_space<vmem>>) target(%dma_start3A_112 : memref<10000x64xf32, #tpu.memory_space<vmem_shared>>) offsets(%dma_start3A_109 : memref<125xi32, #tpu.memory_space<vmem>>) semaphore(%arg20 : memref<!tpu.dma_semaphore, #tpu.memory_space<semaphore_mem>>) {add = true}
      %add3A_113 = arith.constant 3 : i32
      %add3A_114 = arith.addi %add3A_100, %add3A_113 : i32
      %lt3A_115 = arith.constant 80 : i32
      %lt3A_116 = arith.cmpi slt, %add3A_114, %lt3A_115 : i32
      %convert_element_type3A_117 = arith.extui %lt3A_116 : i1 to i32
      %cond3A_118 = arith.constant 0 : i32
      %cond3A_119 = arith.cmpi ne, %convert_element_type3A_117, %cond3A_118 : i32
      scf.if %cond3A_119 {
        %ge3A = arith.constant 2 : i32
        %ge3A_189 = arith.cmpi sge, %add3A_100, %ge3A : i32
        %convert_element_type3A_190 = arith.extui %ge3A_189 : i1 to i32
        %cond3A_191 = arith.constant 0 : i32
        %cond3A_192 = arith.cmpi ne, %convert_element_type3A_190, %cond3A_191 : i32
        scf.if %cond3A_192 {
          %dma_wait3A_201 = arith.constant 0 : i32
          %dma_wait3A_202 = arith.constant 0 : i32
          %dma_wait3A_203 = tpu.memref_slice %arg13[%dma_wait3A_201, %dma_wait3A_202] : memref<10000x64xf32, #tpu.memory_space<vmem_shared>> -> memref<125x64xf32, #tpu.memory_space<vmem_shared>>
          %dma_wait3A_204 = arith.constant 0 : i32
          %dma_wait3A_205 = arith.constant 0 : i32
          %dma_wait3A_206 = tpu.memref_slice %arg13[%dma_wait3A_204, %dma_wait3A_205] : memref<10000x64xf32, #tpu.memory_space<vmem_shared>> -> memref<125x64xf32, #tpu.memory_space<vmem_shared>>
          tpu.wait_dma2 semaphore(%arg23 : memref<!tpu.dma_semaphore, #tpu.memory_space<semaphore_mem>>) src(%arg12 : memref<125x64xf32, #tpu.memory_space<vmem>>) dst(%dma_wait3A_206 : memref<125x64xf32, #tpu.memory_space<vmem_shared>>)
        } else {
        }
        %add3A_193 = arith.constant 3 : i32
        %add3A_194 = arith.addi %add3A_100, %add3A_193 : i32
        %dma_start3A_195 = arith.constant 0 : i32
        %dma_start3A_196 = tpu.memref_slice %arg6[%add3A_194, %dma_start3A_195] : memref<80x125xi32, #tpu.memory_space<vmem>> -> memref<1x125xi32, #tpu.memory_space<vmem>>
        %dma_start3A_197 = tpu.memref_squeeze %dma_start3A_196 : memref<1x125xi32, #tpu.memory_space<vmem>> -> memref<125xi32, #tpu.memory_space<vmem>>
        %dma_start3A_198 = arith.constant 0 : i32
        %dma_start3A_199 = arith.constant 0 : i32
        %dma_start3A_200 = tpu.memref_slice %arg2[%dma_start3A_198, %dma_start3A_199] : memref<10000x64xf32, #tpu.memory_space<hbm>> -> memref<10000x64xf32, #tpu.memory_space<hbm>>
        tpu.enqueue_indirect_dma source(%dma_start3A_200 : memref<10000x64xf32, #tpu.memory_space<hbm>>) target(%arg12 : memref<125x64xf32, #tpu.memory_space<vmem>>) offsets(%dma_start3A_197 : memref<125xi32, #tpu.memory_space<vmem>>) semaphore(%arg18 : memref<!tpu.dma_semaphore, #tpu.memory_space<semaphore_mem>>)
      } else {
      }
      %mul3A_120 = arith.constant 5 : i32
      %mul3A_121 = arith.muli %scan3A_74, %mul3A_120 : i32
      %add3A_122 = arith.constant 2 : i32
      %add3A_123 = arith.addi %mul3A_121, %add3A_122 : i32
      %dma_wait3A_124 = arith.constant 0 : i32
      %dma_wait3A_125 = arith.constant 0 : i32
      %dma_wait3A_126 = tpu.memref_slice %arg4[%dma_wait3A_124, %dma_wait3A_125] : memref<10000x64xf32, #tpu.memory_space<hbm>> -> memref<125x64xf32, #tpu.memory_space<hbm>>
      %dma_wait3A_127 = arith.constant 0 : i32
      %dma_wait3A_128 = arith.constant 0 : i32
      %dma_wait3A_129 = tpu.memref_slice %arg4[%dma_wait3A_127, %dma_wait3A_128] : memref<10000x64xf32, #tpu.memory_space<hbm>> -> memref<125x64xf32, #tpu.memory_space<hbm>>
      tpu.wait_dma2 semaphore(%arg16 : memref<!tpu.dma_semaphore, #tpu.memory_space<semaphore_mem>>) src(%dma_wait3A_129 : memref<125x64xf32, #tpu.memory_space<hbm>>) dst(%arg10 : memref<125x64xf32, #tpu.memory_space<vmem>>)
      %dma_start3A_130 = arith.constant 0 : i32
      %dma_start3A_131 = tpu.memref_slice %arg7[%add3A_123, %dma_start3A_130] : memref<80x125xi32, #tpu.memory_space<vmem>> -> memref<1x125xi32, #tpu.memory_space<vmem>>
      %dma_start3A_132 = tpu.memref_squeeze %dma_start3A_131 : memref<1x125xi32, #tpu.memory_space<vmem>> -> memref<125xi32, #tpu.memory_space<vmem>>
      %dma_start3A_133 = arith.constant 0 : i32
      %dma_start3A_134 = arith.constant 0 : i32
      %dma_start3A_135 = tpu.memref_slice %arg13[%dma_start3A_133, %dma_start3A_134] : memref<10000x64xf32, #tpu.memory_space<vmem_shared>> -> memref<10000x64xf32, #tpu.memory_space<vmem_shared>>
      tpu.enqueue_indirect_dma source(%arg10 : memref<125x64xf32, #tpu.memory_space<vmem>>) target(%dma_start3A_135 : memref<10000x64xf32, #tpu.memory_space<vmem_shared>>) offsets(%dma_start3A_132 : memref<125xi32, #tpu.memory_space<vmem>>) semaphore(%arg21 : memref<!tpu.dma_semaphore, #tpu.memory_space<semaphore_mem>>) {add = true}
      %add3A_136 = arith.constant 3 : i32
      %add3A_137 = arith.addi %add3A_123, %add3A_136 : i32
      %lt3A_138 = arith.constant 80 : i32
      %lt3A_139 = arith.cmpi slt, %add3A_137, %lt3A_138 : i32
      %convert_element_type3A_140 = arith.extui %lt3A_139 : i1 to i32
      %cond3A_141 = arith.constant 0 : i32
      %cond3A_142 = arith.cmpi ne, %convert_element_type3A_140, %cond3A_141 : i32
      scf.if %cond3A_142 {
        %ge3A = arith.constant 2 : i32
        %ge3A_189 = arith.cmpi sge, %add3A_123, %ge3A : i32
        %convert_element_type3A_190 = arith.extui %ge3A_189 : i1 to i32
        %cond3A_191 = arith.constant 0 : i32
        %cond3A_192 = arith.cmpi ne, %convert_element_type3A_190, %cond3A_191 : i32
        scf.if %cond3A_192 {
          %dma_wait3A_201 = arith.constant 0 : i32
          %dma_wait3A_202 = arith.constant 0 : i32
          %dma_wait3A_203 = tpu.memref_slice %arg13[%dma_wait3A_201, %dma_wait3A_202] : memref<10000x64xf32, #tpu.memory_space<vmem_shared>> -> memref<125x64xf32, #tpu.memory_space<vmem_shared>>
          %dma_wait3A_204 = arith.constant 0 : i32
          %dma_wait3A_205 = arith.constant 0 : i32
          %dma_wait3A_206 = tpu.memref_slice %arg13[%dma_wait3A_204, %dma_wait3A_205] : memref<10000x64xf32, #tpu.memory_space<vmem_shared>> -> memref<125x64xf32, #tpu.memory_space<vmem_shared>>
          tpu.wait_dma2 semaphore(%arg19 : memref<!tpu.dma_semaphore, #tpu.memory_space<semaphore_mem>>) src(%arg8 : memref<125x64xf32, #tpu.memory_space<vmem>>) dst(%dma_wait3A_206 : memref<125x64xf32, #tpu.memory_space<vmem_shared>>)
        } else {
        }
        %add3A_193 = arith.constant 3 : i32
        %add3A_194 = arith.addi %add3A_123, %add3A_193 : i32
        %dma_start3A_195 = arith.constant 0 : i32
        %dma_start3A_196 = tpu.memref_slice %arg6[%add3A_194, %dma_start3A_195] : memref<80x125xi32, #tpu.memory_space<vmem>> -> memref<1x125xi32, #tpu.memory_space<vmem>>
        %dma_start3A_197 = tpu.memref_squeeze %dma_start3A_196 : memref<1x125xi32, #tpu.memory_space<vmem>> -> memref<125xi32, #tpu.memory_space<vmem>>
        %dma_start3A_198 = arith.constant 0 : i32
        %dma_start3A_199 = arith.constant 0 : i32
        %dma_start3A_200 = tpu.memref_slice %arg2[%dma_start3A_198, %dma_start3A_199] : memref<10000x64xf32, #tpu.memory_space<hbm>> -> memref<10000x64xf32, #tpu.memory_space<hbm>>
        tpu.enqueue_indirect_dma source(%dma_start3A_200 : memref<10000x64xf32, #tpu.memory_space<hbm>>) target(%arg8 : memref<125x64xf32, #tpu.memory_space<vmem>>) offsets(%dma_start3A_197 : memref<125xi32, #tpu.memory_space<vmem>>) semaphore(%arg14 : memref<!tpu.dma_semaphore, #tpu.memory_space<semaphore_mem>>)
      } else {
      }
      %mul3A_143 = arith.constant 5 : i32
      %mul3A_144 = arith.muli %scan3A_74, %mul3A_143 : i32
      %add3A_145 = arith.constant 3 : i32
      %add3A_146 = arith.addi %mul3A_144, %add3A_145 : i32
      %dma_wait3A_147 = arith.constant 0 : i32
      %dma_wait3A_148 = arith.constant 0 : i32
      %dma_wait3A_149 = tpu.memref_slice %arg4[%dma_wait3A_147, %dma_wait3A_148] : memref<10000x64xf32, #tpu.memory_space<hbm>> -> memref<125x64xf32, #tpu.memory_space<hbm>>
      %dma_wait3A_150 = arith.constant 0 : i32
      %dma_wait3A_151 = arith.constant 0 : i32
      %dma_wait3A_152 = tpu.memref_slice %arg4[%dma_wait3A_150, %dma_wait3A_151] : memref<10000x64xf32, #tpu.memory_space<hbm>> -> memref<125x64xf32, #tpu.memory_space<hbm>>
      tpu.wait_dma2 semaphore(%arg17 : memref<!tpu.dma_semaphore, #tpu.memory_space<semaphore_mem>>) src(%dma_wait3A_152 : memref<125x64xf32, #tpu.memory_space<hbm>>) dst(%arg11 : memref<125x64xf32, #tpu.memory_space<vmem>>)
      %dma_start3A_153 = arith.constant 0 : i32
      %dma_start3A_154 = tpu.memref_slice %arg7[%add3A_146, %dma_start3A_153] : memref<80x125xi32, #tpu.memory_space<vmem>> -> memref<1x125xi32, #tpu.memory_space<vmem>>
      %dma_start3A_155 = tpu.memref_squeeze %dma_start3A_154 : memref<1x125xi32, #tpu.memory_space<vmem>> -> memref<125xi32, #tpu.memory_space<vmem>>
      %dma_start3A_156 = arith.constant 0 : i32
      %dma_start3A_157 = arith.constant 0 : i32
      %dma_start3A_158 = tpu.memref_slice %arg13[%dma_start3A_156, %dma_start3A_157] : memref<10000x64xf32, #tpu.memory_space<vmem_shared>> -> memref<10000x64xf32, #tpu.memory_space<vmem_shared>>
      tpu.enqueue_indirect_dma source(%arg11 : memref<125x64xf32, #tpu.memory_space<vmem>>) target(%dma_start3A_158 : memref<10000x64xf32, #tpu.memory_space<vmem_shared>>) offsets(%dma_start3A_155 : memref<125xi32, #tpu.memory_space<vmem>>) semaphore(%arg22 : memref<!tpu.dma_semaphore, #tpu.memory_space<semaphore_mem>>) {add = true}
      %add3A_159 = arith.constant 3 : i32
      %add3A_160 = arith.addi %add3A_146, %add3A_159 : i32
      %lt3A_161 = arith.constant 80 : i32
      %lt3A_162 = arith.cmpi slt, %add3A_160, %lt3A_161 : i32
      %convert_element_type3A_163 = arith.extui %lt3A_162 : i1 to i32
      %cond3A_164 = arith.constant 0 : i32
      %cond3A_165 = arith.cmpi ne, %convert_element_type3A_163, %cond3A_164 : i32
      scf.if %cond3A_165 {
        %ge3A = arith.constant 2 : i32
        %ge3A_189 = arith.cmpi sge, %add3A_146, %ge3A : i32
        %convert_element_type3A_190 = arith.extui %ge3A_189 : i1 to i32
        %cond3A_191 = arith.constant 0 : i32
        %cond3A_192 = arith.cmpi ne, %convert_element_type3A_190, %cond3A_191 : i32
        scf.if %cond3A_192 {
          %dma_wait3A_201 = arith.constant 0 : i32
          %dma_wait3A_202 = arith.constant 0 : i32
          %dma_wait3A_203 = tpu.memref_slice %arg13[%dma_wait3A_201, %dma_wait3A_202] : memref<10000x64xf32, #tpu.memory_space<vmem_shared>> -> memref<125x64xf32, #tpu.memory_space<vmem_shared>>
          %dma_wait3A_204 = arith.constant 0 : i32
          %dma_wait3A_205 = arith.constant 0 : i32
          %dma_wait3A_206 = tpu.memref_slice %arg13[%dma_wait3A_204, %dma_wait3A_205] : memref<10000x64xf32, #tpu.memory_space<vmem_shared>> -> memref<125x64xf32, #tpu.memory_space<vmem_shared>>
          tpu.wait_dma2 semaphore(%arg20 : memref<!tpu.dma_semaphore, #tpu.memory_space<semaphore_mem>>) src(%arg9 : memref<125x64xf32, #tpu.memory_space<vmem>>) dst(%dma_wait3A_206 : memref<125x64xf32, #tpu.memory_space<vmem_shared>>)
        } else {
        }
        %add3A_193 = arith.constant 3 : i32
        %add3A_194 = arith.addi %add3A_146, %add3A_193 : i32
        %dma_start3A_195 = arith.constant 0 : i32
        %dma_start3A_196 = tpu.memref_slice %arg6[%add3A_194, %dma_start3A_195] : memref<80x125xi32, #tpu.memory_space<vmem>> -> memref<1x125xi32, #tpu.memory_space<vmem>>
        %dma_start3A_197 = tpu.memref_squeeze %dma_start3A_196 : memref<1x125xi32, #tpu.memory_space<vmem>> -> memref<125xi32, #tpu.memory_space<vmem>>
        %dma_start3A_198 = arith.constant 0 : i32
        %dma_start3A_199 = arith.constant 0 : i32
        %dma_start3A_200 = tpu.memref_slice %arg2[%dma_start3A_198, %dma_start3A_199] : memref<10000x64xf32, #tpu.memory_space<hbm>> -> memref<10000x64xf32, #tpu.memory_space<hbm>>
        tpu.enqueue_indirect_dma source(%dma_start3A_200 : memref<10000x64xf32, #tpu.memory_space<hbm>>) target(%arg9 : memref<125x64xf32, #tpu.memory_space<vmem>>) offsets(%dma_start3A_197 : memref<125xi32, #tpu.memory_space<vmem>>) semaphore(%arg15 : memref<!tpu.dma_semaphore, #tpu.memory_space<semaphore_mem>>)
      } else {
      }
      %mul3A_166 = arith.constant 5 : i32
      %mul3A_167 = arith.muli %scan3A_74, %mul3A_166 : i32
      %add3A_168 = arith.constant 4 : i32
      %add3A_169 = arith.addi %mul3A_167, %add3A_168 : i32
      %dma_wait3A_170 = arith.constant 0 : i32
      %dma_wait3A_171 = arith.constant 0 : i32
      %dma_wait3A_172 = tpu.memref_slice %arg4[%dma_wait3A_170, %dma_wait3A_171] : memref<10000x64xf32, #tpu.memory_space<hbm>> -> memref<125x64xf32, #tpu.memory_space<hbm>>
      %dma_wait3A_173 = arith.constant 0 : i32
      %dma_wait3A_174 = arith.constant 0 : i32
      %dma_wait3A_175 = tpu.memref_slice %arg4[%dma_wait3A_173, %dma_wait3A_174] : memref<10000x64xf32, #tpu.memory_space<hbm>> -> memref<125x64xf32, #tpu.memory_space<hbm>>
      tpu.wait_dma2 semaphore(%arg18 : memref<!tpu.dma_semaphore, #tpu.memory_space<semaphore_mem>>) src(%dma_wait3A_175 : memref<125x64xf32, #tpu.memory_space<hbm>>) dst(%arg12 : memref<125x64xf32, #tpu.memory_space<vmem>>)
      %dma_start3A_176 = arith.constant 0 : i32
      %dma_start3A_177 = tpu.memref_slice %arg7[%add3A_169, %dma_start3A_176] : memref<80x125xi32, #tpu.memory_space<vmem>> -> memref<1x125xi32, #tpu.memory_space<vmem>>
      %dma_start3A_178 = tpu.memref_squeeze %dma_start3A_177 : memref<1x125xi32, #tpu.memory_space<vmem>> -> memref<125xi32, #tpu.memory_space<vmem>>
      %dma_start3A_179 = arith.constant 0 : i32
      %dma_start3A_180 = arith.constant 0 : i32
      %dma_start3A_181 = tpu.memref_slice %arg13[%dma_start3A_179, %dma_start3A_180] : memref<10000x64xf32, #tpu.memory_space<vmem_shared>> -> memref<10000x64xf32, #tpu.memory_space<vmem_shared>>
      tpu.enqueue_indirect_dma source(%arg12 : memref<125x64xf32, #tpu.memory_space<vmem>>) target(%dma_start3A_181 : memref<10000x64xf32, #tpu.memory_space<vmem_shared>>) offsets(%dma_start3A_178 : memref<125xi32, #tpu.memory_space<vmem>>) semaphore(%arg23 : memref<!tpu.dma_semaphore, #tpu.memory_space<semaphore_mem>>) {add = true}
      %add3A_182 = arith.constant 3 : i32
      %add3A_183 = arith.addi %add3A_169, %add3A_182 : i32
      %lt3A_184 = arith.constant 80 : i32
      %lt3A_185 = arith.cmpi slt, %add3A_183, %lt3A_184 : i32
      %convert_element_type3A_186 = arith.extui %lt3A_185 : i1 to i32
      %cond3A_187 = arith.constant 0 : i32
      %cond3A_188 = arith.cmpi ne, %convert_element_type3A_186, %cond3A_187 : i32
      scf.if %cond3A_188 {
        %ge3A = arith.constant 2 : i32
        %ge3A_189 = arith.cmpi sge, %add3A_169, %ge3A : i32
        %convert_element_type3A_190 = arith.extui %ge3A_189 : i1 to i32
        %cond3A_191 = arith.constant 0 : i32
        %cond3A_192 = arith.cmpi ne, %convert_element_type3A_190, %cond3A_191 : i32
        scf.if %cond3A_192 {
          %dma_wait3A_201 = arith.constant 0 : i32
          %dma_wait3A_202 = arith.constant 0 : i32
          %dma_wait3A_203 = tpu.memref_slice %arg13[%dma_wait3A_201, %dma_wait3A_202] : memref<10000x64xf32, #tpu.memory_space<vmem_shared>> -> memref<125x64xf32, #tpu.memory_space<vmem_shared>>
          %dma_wait3A_204 = arith.constant 0 : i32
          %dma_wait3A_205 = arith.constant 0 : i32
          %dma_wait3A_206 = tpu.memref_slice %arg13[%dma_wait3A_204, %dma_wait3A_205] : memref<10000x64xf32, #tpu.memory_space<vmem_shared>> -> memref<125x64xf32, #tpu.memory_space<vmem_shared>>
          tpu.wait_dma2 semaphore(%arg21 : memref<!tpu.dma_semaphore, #tpu.memory_space<semaphore_mem>>) src(%arg10 : memref<125x64xf32, #tpu.memory_space<vmem>>) dst(%dma_wait3A_206 : memref<125x64xf32, #tpu.memory_space<vmem_shared>>)
        } else {
        }
        %add3A_193 = arith.constant 3 : i32
        %add3A_194 = arith.addi %add3A_169, %add3A_193 : i32
        %dma_start3A_195 = arith.constant 0 : i32
        %dma_start3A_196 = tpu.memref_slice %arg6[%add3A_194, %dma_start3A_195] : memref<80x125xi32, #tpu.memory_space<vmem>> -> memref<1x125xi32, #tpu.memory_space<vmem>>
        %dma_start3A_197 = tpu.memref_squeeze %dma_start3A_196 : memref<1x125xi32, #tpu.memory_space<vmem>> -> memref<125xi32, #tpu.memory_space<vmem>>
        %dma_start3A_198 = arith.constant 0 : i32
        %dma_start3A_199 = arith.constant 0 : i32
        %dma_start3A_200 = tpu.memref_slice %arg2[%dma_start3A_198, %dma_start3A_199] : memref<10000x64xf32, #tpu.memory_space<hbm>> -> memref<10000x64xf32, #tpu.memory_space<hbm>>
        tpu.enqueue_indirect_dma source(%dma_start3A_200 : memref<10000x64xf32, #tpu.memory_space<hbm>>) target(%arg10 : memref<125x64xf32, #tpu.memory_space<vmem>>) offsets(%dma_start3A_197 : memref<125xi32, #tpu.memory_space<vmem>>) semaphore(%arg16 : memref<!tpu.dma_semaphore, #tpu.memory_space<semaphore_mem>>)
      } else {
      }
    }
    %scan3A_34 = arith.constant 16 : i32
    %dma_wait3A = arith.constant 0 : i32
    %dma_wait3A_35 = arith.constant 0 : i32
    %dma_wait3A_36 = tpu.memref_slice %arg13[%dma_wait3A, %dma_wait3A_35] : memref<10000x64xf32, #tpu.memory_space<vmem_shared>> -> memref<125x64xf32, #tpu.memory_space<vmem_shared>>
    %dma_wait3A_37 = arith.constant 0 : i32
    %dma_wait3A_38 = arith.constant 0 : i32
    %dma_wait3A_39 = tpu.memref_slice %arg13[%dma_wait3A_37, %dma_wait3A_38] : memref<10000x64xf32, #tpu.memory_space<vmem_shared>> -> memref<125x64xf32, #tpu.memory_space<vmem_shared>>
    tpu.wait_dma2 semaphore(%arg19 : memref<!tpu.dma_semaphore, #tpu.memory_space<semaphore_mem>>) src(%arg8 : memref<125x64xf32, #tpu.memory_space<vmem>>) dst(%dma_wait3A_39 : memref<125x64xf32, #tpu.memory_space<vmem_shared>>)
    %dma_wait3A_40 = arith.constant 0 : i32
    %dma_wait3A_41 = arith.constant 0 : i32
    %dma_wait3A_42 = tpu.memref_slice %arg13[%dma_wait3A_40, %dma_wait3A_41] : memref<10000x64xf32, #tpu.memory_space<vmem_shared>> -> memref<125x64xf32, #tpu.memory_space<vmem_shared>>
    %dma_wait3A_43 = arith.constant 0 : i32
    %dma_wait3A_44 = arith.constant 0 : i32
    %dma_wait3A_45 = tpu.memref_slice %arg13[%dma_wait3A_43, %dma_wait3A_44] : memref<10000x64xf32, #tpu.memory_space<vmem_shared>> -> memref<125x64xf32, #tpu.memory_space<vmem_shared>>
    tpu.wait_dma2 semaphore(%arg20 : memref<!tpu.dma_semaphore, #tpu.memory_space<semaphore_mem>>) src(%arg9 : memref<125x64xf32, #tpu.memory_space<vmem>>) dst(%dma_wait3A_45 : memref<125x64xf32, #tpu.memory_space<vmem_shared>>)
    %dma_wait3A_46 = arith.constant 0 : i32
    %dma_wait3A_47 = arith.constant 0 : i32
    %dma_wait3A_48 = tpu.memref_slice %arg13[%dma_wait3A_46, %dma_wait3A_47] : memref<10000x64xf32, #tpu.memory_space<vmem_shared>> -> memref<125x64xf32, #tpu.memory_space<vmem_shared>>
    %dma_wait3A_49 = arith.constant 0 : i32
    %dma_wait3A_50 = arith.constant 0 : i32
    %dma_wait3A_51 = tpu.memref_slice %arg13[%dma_wait3A_49, %dma_wait3A_50] : memref<10000x64xf32, #tpu.memory_space<vmem_shared>> -> memref<125x64xf32, #tpu.memory_space<vmem_shared>>
    tpu.wait_dma2 semaphore(%arg21 : memref<!tpu.dma_semaphore, #tpu.memory_space<semaphore_mem>>) src(%arg10 : memref<125x64xf32, #tpu.memory_space<vmem>>) dst(%dma_wait3A_51 : memref<125x64xf32, #tpu.memory_space<vmem_shared>>)
    %dma_wait3A_52 = arith.constant 0 : i32
    %dma_wait3A_53 = arith.constant 0 : i32
    %dma_wait3A_54 = tpu.memref_slice %arg13[%dma_wait3A_52, %dma_wait3A_53] : memref<10000x64xf32, #tpu.memory_space<vmem_shared>> -> memref<125x64xf32, #tpu.memory_space<vmem_shared>>
    %dma_wait3A_55 = arith.constant 0 : i32
    %dma_wait3A_56 = arith.constant 0 : i32
    %dma_wait3A_57 = tpu.memref_slice %arg13[%dma_wait3A_55, %dma_wait3A_56] : memref<10000x64xf32, #tpu.memory_space<vmem_shared>> -> memref<125x64xf32, #tpu.memory_space<vmem_shared>>
    tpu.wait_dma2 semaphore(%arg22 : memref<!tpu.dma_semaphore, #tpu.memory_space<semaphore_mem>>) src(%arg11 : memref<125x64xf32, #tpu.memory_space<vmem>>) dst(%dma_wait3A_57 : memref<125x64xf32, #tpu.memory_space<vmem_shared>>)
    %dma_wait3A_58 = arith.constant 0 : i32
    %dma_wait3A_59 = arith.constant 0 : i32
    %dma_wait3A_60 = tpu.memref_slice %arg13[%dma_wait3A_58, %dma_wait3A_59] : memref<10000x64xf32, #tpu.memory_space<vmem_shared>> -> memref<125x64xf32, #tpu.memory_space<vmem_shared>>
    %dma_wait3A_61 = arith.constant 0 : i32
    %dma_wait3A_62 = arith.constant 0 : i32
    %dma_wait3A_63 = tpu.memref_slice %arg13[%dma_wait3A_61, %dma_wait3A_62] : memref<10000x64xf32, #tpu.memory_space<vmem_shared>> -> memref<125x64xf32, #tpu.memory_space<vmem_shared>>
    tpu.wait_dma2 semaphore(%arg23 : memref<!tpu.dma_semaphore, #tpu.memory_space<semaphore_mem>>) src(%arg12 : memref<125x64xf32, #tpu.memory_space<vmem>>) dst(%dma_wait3A_63 : memref<125x64xf32, #tpu.memory_space<vmem_shared>>)
    %barrier3A_64 = arith.constant 0 : index
    tpu.barrier barrier_id(%barrier3A_64)
    %mul3A_65 = arith.constant 624 : i32
    %mul3A_66 = arith.muli %arg1, %mul3A_65 : i32
    %mul3A_67 = arith.constant 624 : i32
    %mul3A_68 = arith.muli %arg1, %mul3A_67 : i32
    "tpu.region"() ({
      %run_scoped3A_74 = tpu.sem_alloc : memref<!tpu.dma_semaphore, #tpu.memory_space<semaphore_mem>>
      %dma_start3A_75 = arith.constant 0 : i32
      %dma_start3A_76 = arith.constant 0 : i32
      %dma_start3A_77 = tpu.memref_slice %arg5[%arg0, %dma_start3A_75, %dma_start3A_76] : memref<2x10000x64xf32, #tpu.memory_space<hbm>> -> memref<1x10000x64xf32, #tpu.memory_space<hbm>>
      %dma_start3A_78 = tpu.memref_squeeze %dma_start3A_77 : memref<1x10000x64xf32, #tpu.memory_space<hbm>> -> memref<10000x64xf32, #tpu.memory_space<hbm>>
      %dma_start3A_79 = arith.constant 0 : i32
      %dma_start3A_80 = tpu.memref_slice %dma_start3A_78[%mul3A_68, %dma_start3A_79] : memref<10000x64xf32, #tpu.memory_space<hbm>> -> memref<624x64xf32, #tpu.memory_space<hbm>>
      %dma_start3A_81 = arith.constant 0 : i32
      %dma_start3A_82 = tpu.memref_slice %arg13[%mul3A_66, %dma_start3A_81] : memref<10000x64xf32, #tpu.memory_space<vmem_shared>> -> memref<624x64xf32, #tpu.memory_space<vmem_shared>>
      tpu.enqueue_dma source(%dma_start3A_82 : memref<624x64xf32, #tpu.memory_space<vmem_shared>>) target(%dma_start3A_80 : memref<624x64xf32, #tpu.memory_space<hbm>>) target_semaphore(%run_scoped3A_74 : memref<!tpu.dma_semaphore, #tpu.memory_space<semaphore_mem>>)
      %dma_wait3A_83 = arith.constant 0 : i32
      %dma_wait3A_84 = arith.constant 0 : i32
      %dma_wait3A_85 = tpu.memref_slice %arg5[%arg0, %dma_wait3A_83, %dma_wait3A_84] : memref<2x10000x64xf32, #tpu.memory_space<hbm>> -> memref<1x10000x64xf32, #tpu.memory_space<hbm>>
      %dma_wait3A_86 = tpu.memref_squeeze %dma_wait3A_85 : memref<1x10000x64xf32, #tpu.memory_space<hbm>> -> memref<10000x64xf32, #tpu.memory_space<hbm>>
      %dma_wait3A_87 = arith.constant 0 : i32
      %dma_wait3A_88 = tpu.memref_slice %dma_wait3A_86[%mul3A_68, %dma_wait3A_87] : memref<10000x64xf32, #tpu.memory_space<hbm>> -> memref<624x64xf32, #tpu.memory_space<hbm>>
      %dma_wait3A_89 = arith.constant 0 : i32
      %dma_wait3A_90 = tpu.memref_slice %arg13[%mul3A_66, %dma_wait3A_89] : memref<10000x64xf32, #tpu.memory_space<vmem_shared>> -> memref<624x64xf32, #tpu.memory_space<vmem_shared>>
      tpu.wait_dma2 semaphore(%run_scoped3A_74 : memref<!tpu.dma_semaphore, #tpu.memory_space<semaphore_mem>>) src(%dma_wait3A_90 : memref<624x64xf32, #tpu.memory_space<vmem_shared>>) dst(%dma_wait3A_88 : memref<624x64xf32, #tpu.memory_space<hbm>>)
      tpu.yield
    }) : () -> ()
    %eq3A_69 = arith.constant 15 : i32
    %eq3A_70 = arith.cmpi eq, %arg1, %eq3A_69 : i32
    %convert_element_type3A_71 = arith.extui %eq3A_70 : i1 to i32
    %cond3A_72 = arith.constant 0 : i32
    %cond3A_73 = arith.cmpi ne, %convert_element_type3A_71, %cond3A_72 : i32
    scf.if %cond3A_73 {
      "tpu.region"() ({
        %run_scoped3A_74 = tpu.sem_alloc : memref<!tpu.dma_semaphore, #tpu.memory_space<semaphore_mem>>
        %dma_start3A_75 = arith.constant 0 : i32
        %dma_start3A_76 = arith.constant 0 : i32
        %dma_start3A_77 = tpu.memref_slice %arg5[%arg0, %dma_start3A_75, %dma_start3A_76] : memref<2x10000x64xf32, #tpu.memory_space<hbm>> -> memref<1x10000x64xf32, #tpu.memory_space<hbm>>
        %dma_start3A_78 = tpu.memref_squeeze %dma_start3A_77 : memref<1x10000x64xf32, #tpu.memory_space<hbm>> -> memref<10000x64xf32, #tpu.memory_space<hbm>>
        %dma_start3A_79 = arith.constant 9984 : i32
        %dma_start3A_80 = arith.constant 0 : i32
        %dma_start3A_81 = tpu.memref_slice %dma_start3A_78[%dma_start3A_79, %dma_start3A_80] : memref<10000x64xf32, #tpu.memory_space<hbm>> -> memref<16x64xf32, #tpu.memory_space<hbm>>
        %dma_start3A_82 = arith.constant 9984 : i32
        %dma_start3A_83 = arith.constant 0 : i32
        %dma_start3A_84 = tpu.memref_slice %arg13[%dma_start3A_82, %dma_start3A_83] : memref<10000x64xf32, #tpu.memory_space<vmem_shared>> -> memref<16x64xf32, #tpu.memory_space<vmem_shared>>
        tpu.enqueue_dma source(%dma_start3A_84 : memref<16x64xf32, #tpu.memory_space<vmem_shared>>) target(%dma_start3A_81 : memref<16x64xf32, #tpu.memory_space<hbm>>) target_semaphore(%run_scoped3A_74 : memref<!tpu.dma_semaphore, #tpu.memory_space<semaphore_mem>>)
        %dma_wait3A_85 = arith.constant 0 : i32
        %dma_wait3A_86 = arith.constant 0 : i32
        %dma_wait3A_87 = tpu.memref_slice %arg5[%arg0, %dma_wait3A_85, %dma_wait3A_86] : memref<2x10000x64xf32, #tpu.memory_space<hbm>> -> memref<1x10000x64xf32, #tpu.memory_space<hbm>>
        %dma_wait3A_88 = tpu.memref_squeeze %dma_wait3A_87 : memref<1x10000x64xf32, #tpu.memory_space<hbm>> -> memref<10000x64xf32, #tpu.memory_space<hbm>>
        %dma_wait3A_89 = arith.constant 9984 : i32
        %dma_wait3A_90 = arith.constant 0 : i32
        %dma_wait3A_91 = tpu.memref_slice %dma_wait3A_88[%dma_wait3A_89, %dma_wait3A_90] : memref<10000x64xf32, #tpu.memory_space<hbm>> -> memref<16x64xf32, #tpu.memory_space<hbm>>
        %dma_wait3A_92 = arith.constant 9984 : i32
        %dma_wait3A_93 = arith.constant 0 : i32
        %dma_wait3A_94 = tpu.memref_slice %arg13[%dma_wait3A_92, %dma_wait3A_93] : memref<10000x64xf32, #tpu.memory_space<vmem_shared>> -> memref<16x64xf32, #tpu.memory_space<vmem_shared>>
        tpu.wait_dma2 semaphore(%run_scoped3A_74 : memref<!tpu.dma_semaphore, #tpu.memory_space<semaphore_mem>>) src(%dma_wait3A_94 : memref<16x64xf32, #tpu.memory_space<vmem_shared>>) dst(%dma_wait3A_91 : memref<16x64xf32, #tpu.memory_space<hbm>>)
        tpu.yield
      }) : () -> ()
    } else {
    }
    return
  }
}

#map = affine_map<(d0, d1) -> (0, 0)>
#map1 = affine_map<(d0, d1) -> (0, 0, 0)>
module attributes {stable_mosaic.version = 14 : i64} {
  func.func @prop_half(%arg0: i32, %arg1: i32, %arg2: memref<10000x64xf32, #tpu.memory_space<hbm>>, %arg3: memref<2x2560x125xi32, #tpu.memory_space<hbm>>, %arg4: memref<10000x64xf32, #tpu.memory_space<hbm>>, %arg5: memref<2x10000x64xf32, #tpu.memory_space<hbm>>, %arg6: memref<80x125xi32, #tpu.memory_space<vmem>>, %arg7: memref<80x125xi32, #tpu.memory_space<vmem>>, %arg8: memref<125x64xf32, #tpu.memory_space<vmem>>, %arg9: memref<125x64xf32, #tpu.memory_space<vmem>>, %arg10: memref<125x64xf32, #tpu.memory_space<vmem>>, %arg11: memref<125x64xf32, #tpu.memory_space<vmem>>, %arg12: memref<125x64xf32, #tpu.memory_space<vmem>>, %arg13: memref<10000x64xf32, #tpu.memory_space<vmem_shared>>, %arg14: memref<!tpu.dma_semaphore, #tpu.memory_space<semaphore_mem>>, %arg15: memref<!tpu.dma_semaphore, #tpu.memory_space<semaphore_mem>>, %arg16: memref<!tpu.dma_semaphore, #tpu.memory_space<semaphore_mem>>, %arg17: memref<!tpu.dma_semaphore, #tpu.memory_space<semaphore_mem>>, %arg18: memref<!tpu.dma_semaphore, #tpu.memory_space<semaphore_mem>>, %arg19: memref<!tpu.dma_semaphore, #tpu.memory_space<semaphore_mem>>, %arg20: memref<!tpu.dma_semaphore, #tpu.memory_space<semaphore_mem>>, %arg21: memref<!tpu.dma_semaphore, #tpu.memory_space<semaphore_mem>>, %arg22: memref<!tpu.dma_semaphore, #tpu.memory_space<semaphore_mem>>, %arg23: memref<!tpu.dma_semaphore, #tpu.memory_space<semaphore_mem>>) attributes {dimension_semantics = [#tpu.dimension_semantics<core_parallel>, #tpu.dimension_semantics<subcore_parallel>], iteration_bounds = array<i64: 2, 16>, scalar_prefetch = 0 : i64, scratch_operands = 18 : i64, tpu.core_type = #tpu.core_type<sc_vector_subcore>, window_params = [{transform_indices = #map}, {transform_indices = #map1}, {transform_indices = #map}, {transform_indices = #map1}]} {
    %mul3A = arith.constant 624 : i32
    %mul3A_0 = arith.muli %arg1, %mul3A : i32
    %mul3A_1 = arith.constant 624 : i32
    %mul3A_2 = arith.muli %arg1, %mul3A_1 : i32
    "tpu.region"() ({
      %run_scoped3A_74 = tpu.sem_alloc : memref<!tpu.dma_semaphore, #tpu.memory_space<semaphore_mem>>
      %dma_start3A_75 = arith.constant 0 : i32
      %dma_start3A_76 = tpu.memref_slice %arg13[%mul3A_2, %dma_start3A_75] : memref<10000x64xf32, #tpu.memory_space<vmem_shared>> -> memref<624x64xf32, #tpu.memory_space<vmem_shared>>
      %dma_start3A_77 = arith.constant 0 : i32
      %dma_start3A_78 = tpu.memref_slice %arg4[%mul3A_0, %dma_start3A_77] : memref<10000x64xf32, #tpu.memory_space<hbm>> -> memref<624x64xf32, #tpu.memory_space<hbm>>
      tpu.enqueue_dma source(%dma_start3A_78 : memref<624x64xf32, #tpu.memory_space<hbm>>) target(%dma_start3A_76 : memref<624x64xf32, #tpu.memory_space<vmem_shared>>) target_semaphore(%run_scoped3A_74 : memref<!tpu.dma_semaphore, #tpu.memory_space<semaphore_mem>>)
      %dma_wait3A_79 = arith.constant 0 : i32
      %dma_wait3A_80 = tpu.memref_slice %arg13[%mul3A_2, %dma_wait3A_79] : memref<10000x64xf32, #tpu.memory_space<vmem_shared>> -> memref<624x64xf32, #tpu.memory_space<vmem_shared>>
      %dma_wait3A_81 = arith.constant 0 : i32
      %dma_wait3A_82 = tpu.memref_slice %arg4[%mul3A_0, %dma_wait3A_81] : memref<10000x64xf32, #tpu.memory_space<hbm>> -> memref<624x64xf32, #tpu.memory_space<hbm>>
      tpu.wait_dma2 semaphore(%run_scoped3A_74 : memref<!tpu.dma_semaphore, #tpu.memory_space<semaphore_mem>>) src(%dma_wait3A_82 : memref<624x64xf32, #tpu.memory_space<hbm>>) dst(%dma_wait3A_80 : memref<624x64xf32, #tpu.memory_space<vmem_shared>>)
      tpu.yield
    }) : () -> ()
    %eq3A = arith.constant 15 : i32
    %eq3A_3 = arith.cmpi eq, %arg1, %eq3A : i32
    %convert_element_type3A = arith.extui %eq3A_3 : i1 to i32
    %cond3A = arith.constant 0 : i32
    %cond3A_4 = arith.cmpi ne, %convert_element_type3A, %cond3A : i32
    scf.if %cond3A_4 {
      "tpu.region"() ({
        %run_scoped3A_74 = tpu.sem_alloc : memref<!tpu.dma_semaphore, #tpu.memory_space<semaphore_mem>>
        %dma_start3A_75 = arith.constant 9984 : i32
        %dma_start3A_76 = arith.constant 0 : i32
        %dma_start3A_77 = tpu.memref_slice %arg13[%dma_start3A_75, %dma_start3A_76] : memref<10000x64xf32, #tpu.memory_space<vmem_shared>> -> memref<16x64xf32, #tpu.memory_space<vmem_shared>>
        %dma_start3A_78 = arith.constant 9984 : i32
        %dma_start3A_79 = arith.constant 0 : i32
        %dma_start3A_80 = tpu.memref_slice %arg4[%dma_start3A_78, %dma_start3A_79] : memref<10000x64xf32, #tpu.memory_space<hbm>> -> memref<16x64xf32, #tpu.memory_space<hbm>>
        tpu.enqueue_dma source(%dma_start3A_80 : memref<16x64xf32, #tpu.memory_space<hbm>>) target(%dma_start3A_77 : memref<16x64xf32, #tpu.memory_space<vmem_shared>>) target_semaphore(%run_scoped3A_74 : memref<!tpu.dma_semaphore, #tpu.memory_space<semaphore_mem>>)
        %dma_wait3A_81 = arith.constant 9984 : i32
        %dma_wait3A_82 = arith.constant 0 : i32
        %dma_wait3A_83 = tpu.memref_slice %arg13[%dma_wait3A_81, %dma_wait3A_82] : memref<10000x64xf32, #tpu.memory_space<vmem_shared>> -> memref<16x64xf32, #tpu.memory_space<vmem_shared>>
        %dma_wait3A_84 = arith.constant 9984 : i32
        %dma_wait3A_85 = arith.constant 0 : i32
        %dma_wait3A_86 = tpu.memref_slice %arg4[%dma_wait3A_84, %dma_wait3A_85] : memref<10000x64xf32, #tpu.memory_space<hbm>> -> memref<16x64xf32, #tpu.memory_space<hbm>>
        tpu.wait_dma2 semaphore(%run_scoped3A_74 : memref<!tpu.dma_semaphore, #tpu.memory_space<semaphore_mem>>) src(%dma_wait3A_86 : memref<16x64xf32, #tpu.memory_space<hbm>>) dst(%dma_wait3A_83 : memref<16x64xf32, #tpu.memory_space<vmem_shared>>)
        tpu.yield
      }) : () -> ()
    } else {
    }
    %mul3A_5 = arith.constant 16 : i32
    %mul3A_6 = arith.muli %arg0, %mul3A_5 : i32
    %add3A = arith.addi %mul3A_6, %arg1 : i32
    %mul3A_7 = arith.constant 80 : i32
    %mul3A_8 = arith.muli %add3A, %mul3A_7 : i32
    %run_scoped3A = arith.constant 1 : i32
    "tpu.region"() ({
      %run_scoped3A_74 = tpu.sem_alloc : memref<!tpu.dma_semaphore, #tpu.memory_space<semaphore_mem>>
      %dma_start3A_75 = arith.constant 0 : i32
      %dma_start3A_76 = tpu.memref_slice %arg3[%run_scoped3A, %mul3A_8, %dma_start3A_75] : memref<2x2560x125xi32, #tpu.memory_space<hbm>> -> memref<1x80x125xi32, #tpu.memory_space<hbm>>
      %dma_start3A_77 = tpu.memref_squeeze %dma_start3A_76 : memref<1x80x125xi32, #tpu.memory_space<hbm>> -> memref<80x125xi32, #tpu.memory_space<hbm>>
      %dma_start3A_78 = arith.constant 0 : i32
      %dma_start3A_79 = tpu.memref_slice %arg3[%run_scoped3A, %mul3A_8, %dma_start3A_78] : memref<2x2560x125xi32, #tpu.memory_space<hbm>> -> memref<1x80x125xi32, #tpu.memory_space<hbm>>
      %dma_start3A_80 = tpu.memref_squeeze %dma_start3A_79 : memref<1x80x125xi32, #tpu.memory_space<hbm>> -> memref<80x125xi32, #tpu.memory_space<hbm>>
      tpu.enqueue_dma source(%dma_start3A_80 : memref<80x125xi32, #tpu.memory_space<hbm>>) target(%arg6 : memref<80x125xi32, #tpu.memory_space<vmem>>) target_semaphore(%run_scoped3A_74 : memref<!tpu.dma_semaphore, #tpu.memory_space<semaphore_mem>>)
      %dma_wait3A_81 = arith.constant 0 : i32
      %dma_wait3A_82 = tpu.memref_slice %arg3[%run_scoped3A, %mul3A_8, %dma_wait3A_81] : memref<2x2560x125xi32, #tpu.memory_space<hbm>> -> memref<1x80x125xi32, #tpu.memory_space<hbm>>
      %dma_wait3A_83 = tpu.memref_squeeze %dma_wait3A_82 : memref<1x80x125xi32, #tpu.memory_space<hbm>> -> memref<80x125xi32, #tpu.memory_space<hbm>>
      %dma_wait3A_84 = arith.constant 0 : i32
      %dma_wait3A_85 = tpu.memref_slice %arg3[%run_scoped3A, %mul3A_8, %dma_wait3A_84] : memref<2x2560x125xi32, #tpu.memory_space<hbm>> -> memref<1x80x125xi32, #tpu.memory_space<hbm>>
      %dma_wait3A_86 = tpu.memref_squeeze %dma_wait3A_85 : memref<1x80x125xi32, #tpu.memory_space<hbm>> -> memref<80x125xi32, #tpu.memory_space<hbm>>
      tpu.wait_dma2 semaphore(%run_scoped3A_74 : memref<!tpu.dma_semaphore, #tpu.memory_space<semaphore_mem>>) src(%dma_wait3A_86 : memref<80x125xi32, #tpu.memory_space<hbm>>) dst(%arg6 : memref<80x125xi32, #tpu.memory_space<vmem>>)
      tpu.yield
    }) : () -> ()
    %run_scoped3A_9 = arith.constant 0 : i32
    "tpu.region"() ({
      %run_scoped3A_74 = tpu.sem_alloc : memref<!tpu.dma_semaphore, #tpu.memory_space<semaphore_mem>>
      %dma_start3A_75 = arith.constant 0 : i32
      %dma_start3A_76 = tpu.memref_slice %arg3[%run_scoped3A_9, %mul3A_8, %dma_start3A_75] : memref<2x2560x125xi32, #tpu.memory_space<hbm>> -> memref<1x80x125xi32, #tpu.memory_space<hbm>>
      %dma_start3A_77 = tpu.memref_squeeze %dma_start3A_76 : memref<1x80x125xi32, #tpu.memory_space<hbm>> -> memref<80x125xi32, #tpu.memory_space<hbm>>
      %dma_start3A_78 = arith.constant 0 : i32
      %dma_start3A_79 = tpu.memref_slice %arg3[%run_scoped3A_9, %mul3A_8, %dma_start3A_78] : memref<2x2560x125xi32, #tpu.memory_space<hbm>> -> memref<1x80x125xi32, #tpu.memory_space<hbm>>
      %dma_start3A_80 = tpu.memref_squeeze %dma_start3A_79 : memref<1x80x125xi32, #tpu.memory_space<hbm>> -> memref<80x125xi32, #tpu.memory_space<hbm>>
      tpu.enqueue_dma source(%dma_start3A_80 : memref<80x125xi32, #tpu.memory_space<hbm>>) target(%arg7 : memref<80x125xi32, #tpu.memory_space<vmem>>) target_semaphore(%run_scoped3A_74 : memref<!tpu.dma_semaphore, #tpu.memory_space<semaphore_mem>>)
      %dma_wait3A_81 = arith.constant 0 : i32
      %dma_wait3A_82 = tpu.memref_slice %arg3[%run_scoped3A_9, %mul3A_8, %dma_wait3A_81] : memref<2x2560x125xi32, #tpu.memory_space<hbm>> -> memref<1x80x125xi32, #tpu.memory_space<hbm>>
      %dma_wait3A_83 = tpu.memref_squeeze %dma_wait3A_82 : memref<1x80x125xi32, #tpu.memory_space<hbm>> -> memref<80x125xi32, #tpu.memory_space<hbm>>
      %dma_wait3A_84 = arith.constant 0 : i32
      %dma_wait3A_85 = tpu.memref_slice %arg3[%run_scoped3A_9, %mul3A_8, %dma_wait3A_84] : memref<2x2560x125xi32, #tpu.memory_space<hbm>> -> memref<1x80x125xi32, #tpu.memory_space<hbm>>
      %dma_wait3A_86 = tpu.memref_squeeze %dma_wait3A_85 : memref<1x80x125xi32, #tpu.memory_space<hbm>> -> memref<80x125xi32, #tpu.memory_space<hbm>>
      tpu.wait_dma2 semaphore(%run_scoped3A_74 : memref<!tpu.dma_semaphore, #tpu.memory_space<semaphore_mem>>) src(%dma_wait3A_86 : memref<80x125xi32, #tpu.memory_space<hbm>>) dst(%arg7 : memref<80x125xi32, #tpu.memory_space<vmem>>)
      tpu.yield
    }) : () -> ()
    %barrier3A = arith.constant 0 : index
    tpu.barrier barrier_id(%barrier3A)
    %dma_start3A = arith.constant 0 : i32
    %dma_start3A_10 = arith.constant 0 : i32
    %dma_start3A_11 = tpu.memref_slice %arg6[%dma_start3A, %dma_start3A_10] : memref<80x125xi32, #tpu.memory_space<vmem>> -> memref<1x125xi32, #tpu.memory_space<vmem>>
    %dma_start3A_12 = tpu.memref_squeeze %dma_start3A_11 : memref<1x125xi32, #tpu.memory_space<vmem>> -> memref<125xi32, #tpu.memory_space<vmem>>
    %dma_start3A_13 = arith.constant 0 : i32
    %dma_start3A_14 = arith.constant 0 : i32
    %dma_start3A_15 = tpu.memref_slice %arg2[%dma_start3A_13, %dma_start3A_14] : memref<10000x64xf32, #tpu.memory_space<hbm>> -> memref<10000x64xf32, #tpu.memory_space<hbm>>
    tpu.enqueue_indirect_dma source(%dma_start3A_15 : memref<10000x64xf32, #tpu.memory_space<hbm>>) target(%arg8 : memref<125x64xf32, #tpu.memory_space<vmem>>) offsets(%dma_start3A_12 : memref<125xi32, #tpu.memory_space<vmem>>) semaphore(%arg14 : memref<!tpu.dma_semaphore, #tpu.memory_space<semaphore_mem>>)
    %dma_start3A_16 = arith.constant 1 : i32
    %dma_start3A_17 = arith.constant 0 : i32
    %dma_start3A_18 = tpu.memref_slice %arg6[%dma_start3A_16, %dma_start3A_17] : memref<80x125xi32, #tpu.memory_space<vmem>> -> memref<1x125xi32, #tpu.memory_space<vmem>>
    %dma_start3A_19 = tpu.memref_squeeze %dma_start3A_18 : memref<1x125xi32, #tpu.memory_space<vmem>> -> memref<125xi32, #tpu.memory_space<vmem>>
    %dma_start3A_20 = arith.constant 0 : i32
    %dma_start3A_21 = arith.constant 0 : i32
    %dma_start3A_22 = tpu.memref_slice %arg2[%dma_start3A_20, %dma_start3A_21] : memref<10000x64xf32, #tpu.memory_space<hbm>> -> memref<10000x64xf32, #tpu.memory_space<hbm>>
    tpu.enqueue_indirect_dma source(%dma_start3A_22 : memref<10000x64xf32, #tpu.memory_space<hbm>>) target(%arg9 : memref<125x64xf32, #tpu.memory_space<vmem>>) offsets(%dma_start3A_19 : memref<125xi32, #tpu.memory_space<vmem>>) semaphore(%arg15 : memref<!tpu.dma_semaphore, #tpu.memory_space<semaphore_mem>>)
    %dma_start3A_23 = arith.constant 2 : i32
    %dma_start3A_24 = arith.constant 0 : i32
    %dma_start3A_25 = tpu.memref_slice %arg6[%dma_start3A_23, %dma_start3A_24] : memref<80x125xi32, #tpu.memory_space<vmem>> -> memref<1x125xi32, #tpu.memory_space<vmem>>
    %dma_start3A_26 = tpu.memref_squeeze %dma_start3A_25 : memref<1x125xi32, #tpu.memory_space<vmem>> -> memref<125xi32, #tpu.memory_space<vmem>>
    %dma_start3A_27 = arith.constant 0 : i32
    %dma_start3A_28 = arith.constant 0 : i32
    %dma_start3A_29 = tpu.memref_slice %arg2[%dma_start3A_27, %dma_start3A_28] : memref<10000x64xf32, #tpu.memory_space<hbm>> -> memref<10000x64xf32, #tpu.memory_space<hbm>>
    tpu.enqueue_indirect_dma source(%dma_start3A_29 : memref<10000x64xf32, #tpu.memory_space<hbm>>) target(%arg10 : memref<125x64xf32, #tpu.memory_space<vmem>>) offsets(%dma_start3A_26 : memref<125xi32, #tpu.memory_space<vmem>>) semaphore(%arg16 : memref<!tpu.dma_semaphore, #tpu.memory_space<semaphore_mem>>)
    %scan3A = arith.constant 0 : i32
    %scan3A_30 = arith.constant 0 : i32
    %scan3A_31 = arith.constant 16 : i32
    %scan3A_32 = arith.addi %scan3A_30, %scan3A_31 : i32
    %scan3A_33 = arith.constant 1 : i32
    scf.for %scan3A_74 = %scan3A_30 to %scan3A_32 step %scan3A_33  : i32 {
      %mul3A_75 = arith.constant 5 : i32
      %mul3A_76 = arith.muli %scan3A_74, %mul3A_75 : i32
      %add3A_77 = arith.constant 0 : i32
      %add3A_78 = arith.addi %mul3A_76, %add3A_77 : i32
      %dma_wait3A_79 = arith.constant 0 : i32
      %dma_wait3A_80 = arith.constant 0 : i32
      %dma_wait3A_81 = tpu.memref_slice %arg4[%dma_wait3A_79, %dma_wait3A_80] : memref<10000x64xf32, #tpu.memory_space<hbm>> -> memref<125x64xf32, #tpu.memory_space<hbm>>
      %dma_wait3A_82 = arith.constant 0 : i32
      %dma_wait3A_83 = arith.constant 0 : i32
      %dma_wait3A_84 = tpu.memref_slice %arg4[%dma_wait3A_82, %dma_wait3A_83] : memref<10000x64xf32, #tpu.memory_space<hbm>> -> memref<125x64xf32, #tpu.memory_space<hbm>>
      tpu.wait_dma2 semaphore(%arg14 : memref<!tpu.dma_semaphore, #tpu.memory_space<semaphore_mem>>) src(%dma_wait3A_84 : memref<125x64xf32, #tpu.memory_space<hbm>>) dst(%arg8 : memref<125x64xf32, #tpu.memory_space<vmem>>)
      %dma_start3A_85 = arith.constant 0 : i32
      %dma_start3A_86 = tpu.memref_slice %arg7[%add3A_78, %dma_start3A_85] : memref<80x125xi32, #tpu.memory_space<vmem>> -> memref<1x125xi32, #tpu.memory_space<vmem>>
      %dma_start3A_87 = tpu.memref_squeeze %dma_start3A_86 : memref<1x125xi32, #tpu.memory_space<vmem>> -> memref<125xi32, #tpu.memory_space<vmem>>
      %dma_start3A_88 = arith.constant 0 : i32
      %dma_start3A_89 = arith.constant 0 : i32
      %dma_start3A_90 = tpu.memref_slice %arg13[%dma_start3A_88, %dma_start3A_89] : memref<10000x64xf32, #tpu.memory_space<vmem_shared>> -> memref<10000x64xf32, #tpu.memory_space<vmem_shared>>
      tpu.enqueue_indirect_dma source(%arg8 : memref<125x64xf32, #tpu.memory_space<vmem>>) target(%dma_start3A_90 : memref<10000x64xf32, #tpu.memory_space<vmem_shared>>) offsets(%dma_start3A_87 : memref<125xi32, #tpu.memory_space<vmem>>) semaphore(%arg19 : memref<!tpu.dma_semaphore, #tpu.memory_space<semaphore_mem>>) {add = true}
      %add3A_91 = arith.constant 3 : i32
      %add3A_92 = arith.addi %add3A_78, %add3A_91 : i32
      %lt3A = arith.constant 80 : i32
      %lt3A_93 = arith.cmpi slt, %add3A_92, %lt3A : i32
      %convert_element_type3A_94 = arith.extui %lt3A_93 : i1 to i32
      %cond3A_95 = arith.constant 0 : i32
      %cond3A_96 = arith.cmpi ne, %convert_element_type3A_94, %cond3A_95 : i32
      scf.if %cond3A_96 {
        %ge3A = arith.constant 2 : i32
        %ge3A_189 = arith.cmpi sge, %add3A_78, %ge3A : i32
        %convert_element_type3A_190 = arith.extui %ge3A_189 : i1 to i32
        %cond3A_191 = arith.constant 0 : i32
        %cond3A_192 = arith.cmpi ne, %convert_element_type3A_190, %cond3A_191 : i32
        scf.if %cond3A_192 {
          %dma_wait3A_201 = arith.constant 0 : i32
          %dma_wait3A_202 = arith.constant 0 : i32
          %dma_wait3A_203 = tpu.memref_slice %arg13[%dma_wait3A_201, %dma_wait3A_202] : memref<10000x64xf32, #tpu.memory_space<vmem_shared>> -> memref<125x64xf32, #tpu.memory_space<vmem_shared>>
          %dma_wait3A_204 = arith.constant 0 : i32
          %dma_wait3A_205 = arith.constant 0 : i32
          %dma_wait3A_206 = tpu.memref_slice %arg13[%dma_wait3A_204, %dma_wait3A_205] : memref<10000x64xf32, #tpu.memory_space<vmem_shared>> -> memref<125x64xf32, #tpu.memory_space<vmem_shared>>
          tpu.wait_dma2 semaphore(%arg22 : memref<!tpu.dma_semaphore, #tpu.memory_space<semaphore_mem>>) src(%arg11 : memref<125x64xf32, #tpu.memory_space<vmem>>) dst(%dma_wait3A_206 : memref<125x64xf32, #tpu.memory_space<vmem_shared>>)
        } else {
        }
        %add3A_193 = arith.constant 3 : i32
        %add3A_194 = arith.addi %add3A_78, %add3A_193 : i32
        %dma_start3A_195 = arith.constant 0 : i32
        %dma_start3A_196 = tpu.memref_slice %arg6[%add3A_194, %dma_start3A_195] : memref<80x125xi32, #tpu.memory_space<vmem>> -> memref<1x125xi32, #tpu.memory_space<vmem>>
        %dma_start3A_197 = tpu.memref_squeeze %dma_start3A_196 : memref<1x125xi32, #tpu.memory_space<vmem>> -> memref<125xi32, #tpu.memory_space<vmem>>
        %dma_start3A_198 = arith.constant 0 : i32
        %dma_start3A_199 = arith.constant 0 : i32
        %dma_start3A_200 = tpu.memref_slice %arg2[%dma_start3A_198, %dma_start3A_199] : memref<10000x64xf32, #tpu.memory_space<hbm>> -> memref<10000x64xf32, #tpu.memory_space<hbm>>
        tpu.enqueue_indirect_dma source(%dma_start3A_200 : memref<10000x64xf32, #tpu.memory_space<hbm>>) target(%arg11 : memref<125x64xf32, #tpu.memory_space<vmem>>) offsets(%dma_start3A_197 : memref<125xi32, #tpu.memory_space<vmem>>) semaphore(%arg17 : memref<!tpu.dma_semaphore, #tpu.memory_space<semaphore_mem>>)
      } else {
      }
      %mul3A_97 = arith.constant 5 : i32
      %mul3A_98 = arith.muli %scan3A_74, %mul3A_97 : i32
      %add3A_99 = arith.constant 1 : i32
      %add3A_100 = arith.addi %mul3A_98, %add3A_99 : i32
      %dma_wait3A_101 = arith.constant 0 : i32
      %dma_wait3A_102 = arith.constant 0 : i32
      %dma_wait3A_103 = tpu.memref_slice %arg4[%dma_wait3A_101, %dma_wait3A_102] : memref<10000x64xf32, #tpu.memory_space<hbm>> -> memref<125x64xf32, #tpu.memory_space<hbm>>
      %dma_wait3A_104 = arith.constant 0 : i32
      %dma_wait3A_105 = arith.constant 0 : i32
      %dma_wait3A_106 = tpu.memref_slice %arg4[%dma_wait3A_104, %dma_wait3A_105] : memref<10000x64xf32, #tpu.memory_space<hbm>> -> memref<125x64xf32, #tpu.memory_space<hbm>>
      tpu.wait_dma2 semaphore(%arg15 : memref<!tpu.dma_semaphore, #tpu.memory_space<semaphore_mem>>) src(%dma_wait3A_106 : memref<125x64xf32, #tpu.memory_space<hbm>>) dst(%arg9 : memref<125x64xf32, #tpu.memory_space<vmem>>)
      %dma_start3A_107 = arith.constant 0 : i32
      %dma_start3A_108 = tpu.memref_slice %arg7[%add3A_100, %dma_start3A_107] : memref<80x125xi32, #tpu.memory_space<vmem>> -> memref<1x125xi32, #tpu.memory_space<vmem>>
      %dma_start3A_109 = tpu.memref_squeeze %dma_start3A_108 : memref<1x125xi32, #tpu.memory_space<vmem>> -> memref<125xi32, #tpu.memory_space<vmem>>
      %dma_start3A_110 = arith.constant 0 : i32
      %dma_start3A_111 = arith.constant 0 : i32
      %dma_start3A_112 = tpu.memref_slice %arg13[%dma_start3A_110, %dma_start3A_111] : memref<10000x64xf32, #tpu.memory_space<vmem_shared>> -> memref<10000x64xf32, #tpu.memory_space<vmem_shared>>
      tpu.enqueue_indirect_dma source(%arg9 : memref<125x64xf32, #tpu.memory_space<vmem>>) target(%dma_start3A_112 : memref<10000x64xf32, #tpu.memory_space<vmem_shared>>) offsets(%dma_start3A_109 : memref<125xi32, #tpu.memory_space<vmem>>) semaphore(%arg20 : memref<!tpu.dma_semaphore, #tpu.memory_space<semaphore_mem>>) {add = true}
      %add3A_113 = arith.constant 3 : i32
      %add3A_114 = arith.addi %add3A_100, %add3A_113 : i32
      %lt3A_115 = arith.constant 80 : i32
      %lt3A_116 = arith.cmpi slt, %add3A_114, %lt3A_115 : i32
      %convert_element_type3A_117 = arith.extui %lt3A_116 : i1 to i32
      %cond3A_118 = arith.constant 0 : i32
      %cond3A_119 = arith.cmpi ne, %convert_element_type3A_117, %cond3A_118 : i32
      scf.if %cond3A_119 {
        %ge3A = arith.constant 2 : i32
        %ge3A_189 = arith.cmpi sge, %add3A_100, %ge3A : i32
        %convert_element_type3A_190 = arith.extui %ge3A_189 : i1 to i32
        %cond3A_191 = arith.constant 0 : i32
        %cond3A_192 = arith.cmpi ne, %convert_element_type3A_190, %cond3A_191 : i32
        scf.if %cond3A_192 {
          %dma_wait3A_201 = arith.constant 0 : i32
          %dma_wait3A_202 = arith.constant 0 : i32
          %dma_wait3A_203 = tpu.memref_slice %arg13[%dma_wait3A_201, %dma_wait3A_202] : memref<10000x64xf32, #tpu.memory_space<vmem_shared>> -> memref<125x64xf32, #tpu.memory_space<vmem_shared>>
          %dma_wait3A_204 = arith.constant 0 : i32
          %dma_wait3A_205 = arith.constant 0 : i32
          %dma_wait3A_206 = tpu.memref_slice %arg13[%dma_wait3A_204, %dma_wait3A_205] : memref<10000x64xf32, #tpu.memory_space<vmem_shared>> -> memref<125x64xf32, #tpu.memory_space<vmem_shared>>
          tpu.wait_dma2 semaphore(%arg23 : memref<!tpu.dma_semaphore, #tpu.memory_space<semaphore_mem>>) src(%arg12 : memref<125x64xf32, #tpu.memory_space<vmem>>) dst(%dma_wait3A_206 : memref<125x64xf32, #tpu.memory_space<vmem_shared>>)
        } else {
        }
        %add3A_193 = arith.constant 3 : i32
        %add3A_194 = arith.addi %add3A_100, %add3A_193 : i32
        %dma_start3A_195 = arith.constant 0 : i32
        %dma_start3A_196 = tpu.memref_slice %arg6[%add3A_194, %dma_start3A_195] : memref<80x125xi32, #tpu.memory_space<vmem>> -> memref<1x125xi32, #tpu.memory_space<vmem>>
        %dma_start3A_197 = tpu.memref_squeeze %dma_start3A_196 : memref<1x125xi32, #tpu.memory_space<vmem>> -> memref<125xi32, #tpu.memory_space<vmem>>
        %dma_start3A_198 = arith.constant 0 : i32
        %dma_start3A_199 = arith.constant 0 : i32
        %dma_start3A_200 = tpu.memref_slice %arg2[%dma_start3A_198, %dma_start3A_199] : memref<10000x64xf32, #tpu.memory_space<hbm>> -> memref<10000x64xf32, #tpu.memory_space<hbm>>
        tpu.enqueue_indirect_dma source(%dma_start3A_200 : memref<10000x64xf32, #tpu.memory_space<hbm>>) target(%arg12 : memref<125x64xf32, #tpu.memory_space<vmem>>) offsets(%dma_start3A_197 : memref<125xi32, #tpu.memory_space<vmem>>) semaphore(%arg18 : memref<!tpu.dma_semaphore, #tpu.memory_space<semaphore_mem>>)
      } else {
      }
      %mul3A_120 = arith.constant 5 : i32
      %mul3A_121 = arith.muli %scan3A_74, %mul3A_120 : i32
      %add3A_122 = arith.constant 2 : i32
      %add3A_123 = arith.addi %mul3A_121, %add3A_122 : i32
      %dma_wait3A_124 = arith.constant 0 : i32
      %dma_wait3A_125 = arith.constant 0 : i32
      %dma_wait3A_126 = tpu.memref_slice %arg4[%dma_wait3A_124, %dma_wait3A_125] : memref<10000x64xf32, #tpu.memory_space<hbm>> -> memref<125x64xf32, #tpu.memory_space<hbm>>
      %dma_wait3A_127 = arith.constant 0 : i32
      %dma_wait3A_128 = arith.constant 0 : i32
      %dma_wait3A_129 = tpu.memref_slice %arg4[%dma_wait3A_127, %dma_wait3A_128] : memref<10000x64xf32, #tpu.memory_space<hbm>> -> memref<125x64xf32, #tpu.memory_space<hbm>>
      tpu.wait_dma2 semaphore(%arg16 : memref<!tpu.dma_semaphore, #tpu.memory_space<semaphore_mem>>) src(%dma_wait3A_129 : memref<125x64xf32, #tpu.memory_space<hbm>>) dst(%arg10 : memref<125x64xf32, #tpu.memory_space<vmem>>)
      %dma_start3A_130 = arith.constant 0 : i32
      %dma_start3A_131 = tpu.memref_slice %arg7[%add3A_123, %dma_start3A_130] : memref<80x125xi32, #tpu.memory_space<vmem>> -> memref<1x125xi32, #tpu.memory_space<vmem>>
      %dma_start3A_132 = tpu.memref_squeeze %dma_start3A_131 : memref<1x125xi32, #tpu.memory_space<vmem>> -> memref<125xi32, #tpu.memory_space<vmem>>
      %dma_start3A_133 = arith.constant 0 : i32
      %dma_start3A_134 = arith.constant 0 : i32
      %dma_start3A_135 = tpu.memref_slice %arg13[%dma_start3A_133, %dma_start3A_134] : memref<10000x64xf32, #tpu.memory_space<vmem_shared>> -> memref<10000x64xf32, #tpu.memory_space<vmem_shared>>
      tpu.enqueue_indirect_dma source(%arg10 : memref<125x64xf32, #tpu.memory_space<vmem>>) target(%dma_start3A_135 : memref<10000x64xf32, #tpu.memory_space<vmem_shared>>) offsets(%dma_start3A_132 : memref<125xi32, #tpu.memory_space<vmem>>) semaphore(%arg21 : memref<!tpu.dma_semaphore, #tpu.memory_space<semaphore_mem>>) {add = true}
      %add3A_136 = arith.constant 3 : i32
      %add3A_137 = arith.addi %add3A_123, %add3A_136 : i32
      %lt3A_138 = arith.constant 80 : i32
      %lt3A_139 = arith.cmpi slt, %add3A_137, %lt3A_138 : i32
      %convert_element_type3A_140 = arith.extui %lt3A_139 : i1 to i32
      %cond3A_141 = arith.constant 0 : i32
      %cond3A_142 = arith.cmpi ne, %convert_element_type3A_140, %cond3A_141 : i32
      scf.if %cond3A_142 {
        %ge3A = arith.constant 2 : i32
        %ge3A_189 = arith.cmpi sge, %add3A_123, %ge3A : i32
        %convert_element_type3A_190 = arith.extui %ge3A_189 : i1 to i32
        %cond3A_191 = arith.constant 0 : i32
        %cond3A_192 = arith.cmpi ne, %convert_element_type3A_190, %cond3A_191 : i32
        scf.if %cond3A_192 {
          %dma_wait3A_201 = arith.constant 0 : i32
          %dma_wait3A_202 = arith.constant 0 : i32
          %dma_wait3A_203 = tpu.memref_slice %arg13[%dma_wait3A_201, %dma_wait3A_202] : memref<10000x64xf32, #tpu.memory_space<vmem_shared>> -> memref<125x64xf32, #tpu.memory_space<vmem_shared>>
          %dma_wait3A_204 = arith.constant 0 : i32
          %dma_wait3A_205 = arith.constant 0 : i32
          %dma_wait3A_206 = tpu.memref_slice %arg13[%dma_wait3A_204, %dma_wait3A_205] : memref<10000x64xf32, #tpu.memory_space<vmem_shared>> -> memref<125x64xf32, #tpu.memory_space<vmem_shared>>
          tpu.wait_dma2 semaphore(%arg19 : memref<!tpu.dma_semaphore, #tpu.memory_space<semaphore_mem>>) src(%arg8 : memref<125x64xf32, #tpu.memory_space<vmem>>) dst(%dma_wait3A_206 : memref<125x64xf32, #tpu.memory_space<vmem_shared>>)
        } else {
        }
        %add3A_193 = arith.constant 3 : i32
        %add3A_194 = arith.addi %add3A_123, %add3A_193 : i32
        %dma_start3A_195 = arith.constant 0 : i32
        %dma_start3A_196 = tpu.memref_slice %arg6[%add3A_194, %dma_start3A_195] : memref<80x125xi32, #tpu.memory_space<vmem>> -> memref<1x125xi32, #tpu.memory_space<vmem>>
        %dma_start3A_197 = tpu.memref_squeeze %dma_start3A_196 : memref<1x125xi32, #tpu.memory_space<vmem>> -> memref<125xi32, #tpu.memory_space<vmem>>
        %dma_start3A_198 = arith.constant 0 : i32
        %dma_start3A_199 = arith.constant 0 : i32
        %dma_start3A_200 = tpu.memref_slice %arg2[%dma_start3A_198, %dma_start3A_199] : memref<10000x64xf32, #tpu.memory_space<hbm>> -> memref<10000x64xf32, #tpu.memory_space<hbm>>
        tpu.enqueue_indirect_dma source(%dma_start3A_200 : memref<10000x64xf32, #tpu.memory_space<hbm>>) target(%arg8 : memref<125x64xf32, #tpu.memory_space<vmem>>) offsets(%dma_start3A_197 : memref<125xi32, #tpu.memory_space<vmem>>) semaphore(%arg14 : memref<!tpu.dma_semaphore, #tpu.memory_space<semaphore_mem>>)
      } else {
      }
      %mul3A_143 = arith.constant 5 : i32
      %mul3A_144 = arith.muli %scan3A_74, %mul3A_143 : i32
      %add3A_145 = arith.constant 3 : i32
      %add3A_146 = arith.addi %mul3A_144, %add3A_145 : i32
      %dma_wait3A_147 = arith.constant 0 : i32
      %dma_wait3A_148 = arith.constant 0 : i32
      %dma_wait3A_149 = tpu.memref_slice %arg4[%dma_wait3A_147, %dma_wait3A_148] : memref<10000x64xf32, #tpu.memory_space<hbm>> -> memref<125x64xf32, #tpu.memory_space<hbm>>
      %dma_wait3A_150 = arith.constant 0 : i32
      %dma_wait3A_151 = arith.constant 0 : i32
      %dma_wait3A_152 = tpu.memref_slice %arg4[%dma_wait3A_150, %dma_wait3A_151] : memref<10000x64xf32, #tpu.memory_space<hbm>> -> memref<125x64xf32, #tpu.memory_space<hbm>>
      tpu.wait_dma2 semaphore(%arg17 : memref<!tpu.dma_semaphore, #tpu.memory_space<semaphore_mem>>) src(%dma_wait3A_152 : memref<125x64xf32, #tpu.memory_space<hbm>>) dst(%arg11 : memref<125x64xf32, #tpu.memory_space<vmem>>)
      %dma_start3A_153 = arith.constant 0 : i32
      %dma_start3A_154 = tpu.memref_slice %arg7[%add3A_146, %dma_start3A_153] : memref<80x125xi32, #tpu.memory_space<vmem>> -> memref<1x125xi32, #tpu.memory_space<vmem>>
      %dma_start3A_155 = tpu.memref_squeeze %dma_start3A_154 : memref<1x125xi32, #tpu.memory_space<vmem>> -> memref<125xi32, #tpu.memory_space<vmem>>
      %dma_start3A_156 = arith.constant 0 : i32
      %dma_start3A_157 = arith.constant 0 : i32
      %dma_start3A_158 = tpu.memref_slice %arg13[%dma_start3A_156, %dma_start3A_157] : memref<10000x64xf32, #tpu.memory_space<vmem_shared>> -> memref<10000x64xf32, #tpu.memory_space<vmem_shared>>
      tpu.enqueue_indirect_dma source(%arg11 : memref<125x64xf32, #tpu.memory_space<vmem>>) target(%dma_start3A_158 : memref<10000x64xf32, #tpu.memory_space<vmem_shared>>) offsets(%dma_start3A_155 : memref<125xi32, #tpu.memory_space<vmem>>) semaphore(%arg22 : memref<!tpu.dma_semaphore, #tpu.memory_space<semaphore_mem>>) {add = true}
      %add3A_159 = arith.constant 3 : i32
      %add3A_160 = arith.addi %add3A_146, %add3A_159 : i32
      %lt3A_161 = arith.constant 80 : i32
      %lt3A_162 = arith.cmpi slt, %add3A_160, %lt3A_161 : i32
      %convert_element_type3A_163 = arith.extui %lt3A_162 : i1 to i32
      %cond3A_164 = arith.constant 0 : i32
      %cond3A_165 = arith.cmpi ne, %convert_element_type3A_163, %cond3A_164 : i32
      scf.if %cond3A_165 {
        %ge3A = arith.constant 2 : i32
        %ge3A_189 = arith.cmpi sge, %add3A_146, %ge3A : i32
        %convert_element_type3A_190 = arith.extui %ge3A_189 : i1 to i32
        %cond3A_191 = arith.constant 0 : i32
        %cond3A_192 = arith.cmpi ne, %convert_element_type3A_190, %cond3A_191 : i32
        scf.if %cond3A_192 {
          %dma_wait3A_201 = arith.constant 0 : i32
          %dma_wait3A_202 = arith.constant 0 : i32
          %dma_wait3A_203 = tpu.memref_slice %arg13[%dma_wait3A_201, %dma_wait3A_202] : memref<10000x64xf32, #tpu.memory_space<vmem_shared>> -> memref<125x64xf32, #tpu.memory_space<vmem_shared>>
          %dma_wait3A_204 = arith.constant 0 : i32
          %dma_wait3A_205 = arith.constant 0 : i32
          %dma_wait3A_206 = tpu.memref_slice %arg13[%dma_wait3A_204, %dma_wait3A_205] : memref<10000x64xf32, #tpu.memory_space<vmem_shared>> -> memref<125x64xf32, #tpu.memory_space<vmem_shared>>
          tpu.wait_dma2 semaphore(%arg20 : memref<!tpu.dma_semaphore, #tpu.memory_space<semaphore_mem>>) src(%arg9 : memref<125x64xf32, #tpu.memory_space<vmem>>) dst(%dma_wait3A_206 : memref<125x64xf32, #tpu.memory_space<vmem_shared>>)
        } else {
        }
        %add3A_193 = arith.constant 3 : i32
        %add3A_194 = arith.addi %add3A_146, %add3A_193 : i32
        %dma_start3A_195 = arith.constant 0 : i32
        %dma_start3A_196 = tpu.memref_slice %arg6[%add3A_194, %dma_start3A_195] : memref<80x125xi32, #tpu.memory_space<vmem>> -> memref<1x125xi32, #tpu.memory_space<vmem>>
        %dma_start3A_197 = tpu.memref_squeeze %dma_start3A_196 : memref<1x125xi32, #tpu.memory_space<vmem>> -> memref<125xi32, #tpu.memory_space<vmem>>
        %dma_start3A_198 = arith.constant 0 : i32
        %dma_start3A_199 = arith.constant 0 : i32
        %dma_start3A_200 = tpu.memref_slice %arg2[%dma_start3A_198, %dma_start3A_199] : memref<10000x64xf32, #tpu.memory_space<hbm>> -> memref<10000x64xf32, #tpu.memory_space<hbm>>
        tpu.enqueue_indirect_dma source(%dma_start3A_200 : memref<10000x64xf32, #tpu.memory_space<hbm>>) target(%arg9 : memref<125x64xf32, #tpu.memory_space<vmem>>) offsets(%dma_start3A_197 : memref<125xi32, #tpu.memory_space<vmem>>) semaphore(%arg15 : memref<!tpu.dma_semaphore, #tpu.memory_space<semaphore_mem>>)
      } else {
      }
      %mul3A_166 = arith.constant 5 : i32
      %mul3A_167 = arith.muli %scan3A_74, %mul3A_166 : i32
      %add3A_168 = arith.constant 4 : i32
      %add3A_169 = arith.addi %mul3A_167, %add3A_168 : i32
      %dma_wait3A_170 = arith.constant 0 : i32
      %dma_wait3A_171 = arith.constant 0 : i32
      %dma_wait3A_172 = tpu.memref_slice %arg4[%dma_wait3A_170, %dma_wait3A_171] : memref<10000x64xf32, #tpu.memory_space<hbm>> -> memref<125x64xf32, #tpu.memory_space<hbm>>
      %dma_wait3A_173 = arith.constant 0 : i32
      %dma_wait3A_174 = arith.constant 0 : i32
      %dma_wait3A_175 = tpu.memref_slice %arg4[%dma_wait3A_173, %dma_wait3A_174] : memref<10000x64xf32, #tpu.memory_space<hbm>> -> memref<125x64xf32, #tpu.memory_space<hbm>>
      tpu.wait_dma2 semaphore(%arg18 : memref<!tpu.dma_semaphore, #tpu.memory_space<semaphore_mem>>) src(%dma_wait3A_175 : memref<125x64xf32, #tpu.memory_space<hbm>>) dst(%arg12 : memref<125x64xf32, #tpu.memory_space<vmem>>)
      %dma_start3A_176 = arith.constant 0 : i32
      %dma_start3A_177 = tpu.memref_slice %arg7[%add3A_169, %dma_start3A_176] : memref<80x125xi32, #tpu.memory_space<vmem>> -> memref<1x125xi32, #tpu.memory_space<vmem>>
      %dma_start3A_178 = tpu.memref_squeeze %dma_start3A_177 : memref<1x125xi32, #tpu.memory_space<vmem>> -> memref<125xi32, #tpu.memory_space<vmem>>
      %dma_start3A_179 = arith.constant 0 : i32
      %dma_start3A_180 = arith.constant 0 : i32
      %dma_start3A_181 = tpu.memref_slice %arg13[%dma_start3A_179, %dma_start3A_180] : memref<10000x64xf32, #tpu.memory_space<vmem_shared>> -> memref<10000x64xf32, #tpu.memory_space<vmem_shared>>
      tpu.enqueue_indirect_dma source(%arg12 : memref<125x64xf32, #tpu.memory_space<vmem>>) target(%dma_start3A_181 : memref<10000x64xf32, #tpu.memory_space<vmem_shared>>) offsets(%dma_start3A_178 : memref<125xi32, #tpu.memory_space<vmem>>) semaphore(%arg23 : memref<!tpu.dma_semaphore, #tpu.memory_space<semaphore_mem>>) {add = true}
      %add3A_182 = arith.constant 3 : i32
      %add3A_183 = arith.addi %add3A_169, %add3A_182 : i32
      %lt3A_184 = arith.constant 80 : i32
      %lt3A_185 = arith.cmpi slt, %add3A_183, %lt3A_184 : i32
      %convert_element_type3A_186 = arith.extui %lt3A_185 : i1 to i32
      %cond3A_187 = arith.constant 0 : i32
      %cond3A_188 = arith.cmpi ne, %convert_element_type3A_186, %cond3A_187 : i32
      scf.if %cond3A_188 {
        %ge3A = arith.constant 2 : i32
        %ge3A_189 = arith.cmpi sge, %add3A_169, %ge3A : i32
        %convert_element_type3A_190 = arith.extui %ge3A_189 : i1 to i32
        %cond3A_191 = arith.constant 0 : i32
        %cond3A_192 = arith.cmpi ne, %convert_element_type3A_190, %cond3A_191 : i32
        scf.if %cond3A_192 {
          %dma_wait3A_201 = arith.constant 0 : i32
          %dma_wait3A_202 = arith.constant 0 : i32
          %dma_wait3A_203 = tpu.memref_slice %arg13[%dma_wait3A_201, %dma_wait3A_202] : memref<10000x64xf32, #tpu.memory_space<vmem_shared>> -> memref<125x64xf32, #tpu.memory_space<vmem_shared>>
          %dma_wait3A_204 = arith.constant 0 : i32
          %dma_wait3A_205 = arith.constant 0 : i32
          %dma_wait3A_206 = tpu.memref_slice %arg13[%dma_wait3A_204, %dma_wait3A_205] : memref<10000x64xf32, #tpu.memory_space<vmem_shared>> -> memref<125x64xf32, #tpu.memory_space<vmem_shared>>
          tpu.wait_dma2 semaphore(%arg21 : memref<!tpu.dma_semaphore, #tpu.memory_space<semaphore_mem>>) src(%arg10 : memref<125x64xf32, #tpu.memory_space<vmem>>) dst(%dma_wait3A_206 : memref<125x64xf32, #tpu.memory_space<vmem_shared>>)
        } else {
        }
        %add3A_193 = arith.constant 3 : i32
        %add3A_194 = arith.addi %add3A_169, %add3A_193 : i32
        %dma_start3A_195 = arith.constant 0 : i32
        %dma_start3A_196 = tpu.memref_slice %arg6[%add3A_194, %dma_start3A_195] : memref<80x125xi32, #tpu.memory_space<vmem>> -> memref<1x125xi32, #tpu.memory_space<vmem>>
        %dma_start3A_197 = tpu.memref_squeeze %dma_start3A_196 : memref<1x125xi32, #tpu.memory_space<vmem>> -> memref<125xi32, #tpu.memory_space<vmem>>
        %dma_start3A_198 = arith.constant 0 : i32
        %dma_start3A_199 = arith.constant 0 : i32
        %dma_start3A_200 = tpu.memref_slice %arg2[%dma_start3A_198, %dma_start3A_199] : memref<10000x64xf32, #tpu.memory_space<hbm>> -> memref<10000x64xf32, #tpu.memory_space<hbm>>
        tpu.enqueue_indirect_dma source(%dma_start3A_200 : memref<10000x64xf32, #tpu.memory_space<hbm>>) target(%arg10 : memref<125x64xf32, #tpu.memory_space<vmem>>) offsets(%dma_start3A_197 : memref<125xi32, #tpu.memory_space<vmem>>) semaphore(%arg16 : memref<!tpu.dma_semaphore, #tpu.memory_space<semaphore_mem>>)
      } else {
      }
    }
    %scan3A_34 = arith.constant 16 : i32
    %dma_wait3A = arith.constant 0 : i32
    %dma_wait3A_35 = arith.constant 0 : i32
    %dma_wait3A_36 = tpu.memref_slice %arg13[%dma_wait3A, %dma_wait3A_35] : memref<10000x64xf32, #tpu.memory_space<vmem_shared>> -> memref<125x64xf32, #tpu.memory_space<vmem_shared>>
    %dma_wait3A_37 = arith.constant 0 : i32
    %dma_wait3A_38 = arith.constant 0 : i32
    %dma_wait3A_39 = tpu.memref_slice %arg13[%dma_wait3A_37, %dma_wait3A_38] : memref<10000x64xf32, #tpu.memory_space<vmem_shared>> -> memref<125x64xf32, #tpu.memory_space<vmem_shared>>
    tpu.wait_dma2 semaphore(%arg19 : memref<!tpu.dma_semaphore, #tpu.memory_space<semaphore_mem>>) src(%arg8 : memref<125x64xf32, #tpu.memory_space<vmem>>) dst(%dma_wait3A_39 : memref<125x64xf32, #tpu.memory_space<vmem_shared>>)
    %dma_wait3A_40 = arith.constant 0 : i32
    %dma_wait3A_41 = arith.constant 0 : i32
    %dma_wait3A_42 = tpu.memref_slice %arg13[%dma_wait3A_40, %dma_wait3A_41] : memref<10000x64xf32, #tpu.memory_space<vmem_shared>> -> memref<125x64xf32, #tpu.memory_space<vmem_shared>>
    %dma_wait3A_43 = arith.constant 0 : i32
    %dma_wait3A_44 = arith.constant 0 : i32
    %dma_wait3A_45 = tpu.memref_slice %arg13[%dma_wait3A_43, %dma_wait3A_44] : memref<10000x64xf32, #tpu.memory_space<vmem_shared>> -> memref<125x64xf32, #tpu.memory_space<vmem_shared>>
    tpu.wait_dma2 semaphore(%arg20 : memref<!tpu.dma_semaphore, #tpu.memory_space<semaphore_mem>>) src(%arg9 : memref<125x64xf32, #tpu.memory_space<vmem>>) dst(%dma_wait3A_45 : memref<125x64xf32, #tpu.memory_space<vmem_shared>>)
    %dma_wait3A_46 = arith.constant 0 : i32
    %dma_wait3A_47 = arith.constant 0 : i32
    %dma_wait3A_48 = tpu.memref_slice %arg13[%dma_wait3A_46, %dma_wait3A_47] : memref<10000x64xf32, #tpu.memory_space<vmem_shared>> -> memref<125x64xf32, #tpu.memory_space<vmem_shared>>
    %dma_wait3A_49 = arith.constant 0 : i32
    %dma_wait3A_50 = arith.constant 0 : i32
    %dma_wait3A_51 = tpu.memref_slice %arg13[%dma_wait3A_49, %dma_wait3A_50] : memref<10000x64xf32, #tpu.memory_space<vmem_shared>> -> memref<125x64xf32, #tpu.memory_space<vmem_shared>>
    tpu.wait_dma2 semaphore(%arg21 : memref<!tpu.dma_semaphore, #tpu.memory_space<semaphore_mem>>) src(%arg10 : memref<125x64xf32, #tpu.memory_space<vmem>>) dst(%dma_wait3A_51 : memref<125x64xf32, #tpu.memory_space<vmem_shared>>)
    %dma_wait3A_52 = arith.constant 0 : i32
    %dma_wait3A_53 = arith.constant 0 : i32
    %dma_wait3A_54 = tpu.memref_slice %arg13[%dma_wait3A_52, %dma_wait3A_53] : memref<10000x64xf32, #tpu.memory_space<vmem_shared>> -> memref<125x64xf32, #tpu.memory_space<vmem_shared>>
    %dma_wait3A_55 = arith.constant 0 : i32
    %dma_wait3A_56 = arith.constant 0 : i32
    %dma_wait3A_57 = tpu.memref_slice %arg13[%dma_wait3A_55, %dma_wait3A_56] : memref<10000x64xf32, #tpu.memory_space<vmem_shared>> -> memref<125x64xf32, #tpu.memory_space<vmem_shared>>
    tpu.wait_dma2 semaphore(%arg22 : memref<!tpu.dma_semaphore, #tpu.memory_space<semaphore_mem>>) src(%arg11 : memref<125x64xf32, #tpu.memory_space<vmem>>) dst(%dma_wait3A_57 : memref<125x64xf32, #tpu.memory_space<vmem_shared>>)
    %dma_wait3A_58 = arith.constant 0 : i32
    %dma_wait3A_59 = arith.constant 0 : i32
    %dma_wait3A_60 = tpu.memref_slice %arg13[%dma_wait3A_58, %dma_wait3A_59] : memref<10000x64xf32, #tpu.memory_space<vmem_shared>> -> memref<125x64xf32, #tpu.memory_space<vmem_shared>>
    %dma_wait3A_61 = arith.constant 0 : i32
    %dma_wait3A_62 = arith.constant 0 : i32
    %dma_wait3A_63 = tpu.memref_slice %arg13[%dma_wait3A_61, %dma_wait3A_62] : memref<10000x64xf32, #tpu.memory_space<vmem_shared>> -> memref<125x64xf32, #tpu.memory_space<vmem_shared>>
    tpu.wait_dma2 semaphore(%arg23 : memref<!tpu.dma_semaphore, #tpu.memory_space<semaphore_mem>>) src(%arg12 : memref<125x64xf32, #tpu.memory_space<vmem>>) dst(%dma_wait3A_63 : memref<125x64xf32, #tpu.memory_space<vmem_shared>>)
    %barrier3A_64 = arith.constant 0 : index
    tpu.barrier barrier_id(%barrier3A_64)
    %mul3A_65 = arith.constant 624 : i32
    %mul3A_66 = arith.muli %arg1, %mul3A_65 : i32
    %mul3A_67 = arith.constant 624 : i32
    %mul3A_68 = arith.muli %arg1, %mul3A_67 : i32
    "tpu.region"() ({
      %run_scoped3A_74 = tpu.sem_alloc : memref<!tpu.dma_semaphore, #tpu.memory_space<semaphore_mem>>
      %dma_start3A_75 = arith.constant 0 : i32
      %dma_start3A_76 = arith.constant 0 : i32
      %dma_start3A_77 = tpu.memref_slice %arg5[%arg0, %dma_start3A_75, %dma_start3A_76] : memref<2x10000x64xf32, #tpu.memory_space<hbm>> -> memref<1x10000x64xf32, #tpu.memory_space<hbm>>
      %dma_start3A_78 = tpu.memref_squeeze %dma_start3A_77 : memref<1x10000x64xf32, #tpu.memory_space<hbm>> -> memref<10000x64xf32, #tpu.memory_space<hbm>>
      %dma_start3A_79 = arith.constant 0 : i32
      %dma_start3A_80 = tpu.memref_slice %dma_start3A_78[%mul3A_68, %dma_start3A_79] : memref<10000x64xf32, #tpu.memory_space<hbm>> -> memref<624x64xf32, #tpu.memory_space<hbm>>
      %dma_start3A_81 = arith.constant 0 : i32
      %dma_start3A_82 = tpu.memref_slice %arg13[%mul3A_66, %dma_start3A_81] : memref<10000x64xf32, #tpu.memory_space<vmem_shared>> -> memref<624x64xf32, #tpu.memory_space<vmem_shared>>
      tpu.enqueue_dma source(%dma_start3A_82 : memref<624x64xf32, #tpu.memory_space<vmem_shared>>) target(%dma_start3A_80 : memref<624x64xf32, #tpu.memory_space<hbm>>) target_semaphore(%run_scoped3A_74 : memref<!tpu.dma_semaphore, #tpu.memory_space<semaphore_mem>>)
      %dma_wait3A_83 = arith.constant 0 : i32
      %dma_wait3A_84 = arith.constant 0 : i32
      %dma_wait3A_85 = tpu.memref_slice %arg5[%arg0, %dma_wait3A_83, %dma_wait3A_84] : memref<2x10000x64xf32, #tpu.memory_space<hbm>> -> memref<1x10000x64xf32, #tpu.memory_space<hbm>>
      %dma_wait3A_86 = tpu.memref_squeeze %dma_wait3A_85 : memref<1x10000x64xf32, #tpu.memory_space<hbm>> -> memref<10000x64xf32, #tpu.memory_space<hbm>>
      %dma_wait3A_87 = arith.constant 0 : i32
      %dma_wait3A_88 = tpu.memref_slice %dma_wait3A_86[%mul3A_68, %dma_wait3A_87] : memref<10000x64xf32, #tpu.memory_space<hbm>> -> memref<624x64xf32, #tpu.memory_space<hbm>>
      %dma_wait3A_89 = arith.constant 0 : i32
      %dma_wait3A_90 = tpu.memref_slice %arg13[%mul3A_66, %dma_wait3A_89] : memref<10000x64xf32, #tpu.memory_space<vmem_shared>> -> memref<624x64xf32, #tpu.memory_space<vmem_shared>>
      tpu.wait_dma2 semaphore(%run_scoped3A_74 : memref<!tpu.dma_semaphore, #tpu.memory_space<semaphore_mem>>) src(%dma_wait3A_90 : memref<624x64xf32, #tpu.memory_space<vmem_shared>>) dst(%dma_wait3A_88 : memref<624x64xf32, #tpu.memory_space<hbm>>)
      tpu.yield
    }) : () -> ()
    %eq3A_69 = arith.constant 15 : i32
    %eq3A_70 = arith.cmpi eq, %arg1, %eq3A_69 : i32
    %convert_element_type3A_71 = arith.extui %eq3A_70 : i1 to i32
    %cond3A_72 = arith.constant 0 : i32
    %cond3A_73 = arith.cmpi ne, %convert_element_type3A_71, %cond3A_72 : i32
    scf.if %cond3A_73 {
      "tpu.region"() ({
        %run_scoped3A_74 = tpu.sem_alloc : memref<!tpu.dma_semaphore, #tpu.memory_space<semaphore_mem>>
        %dma_start3A_75 = arith.constant 0 : i32
        %dma_start3A_76 = arith.constant 0 : i32
        %dma_start3A_77 = tpu.memref_slice %arg5[%arg0, %dma_start3A_75, %dma_start3A_76] : memref<2x10000x64xf32, #tpu.memory_space<hbm>> -> memref<1x10000x64xf32, #tpu.memory_space<hbm>>
        %dma_start3A_78 = tpu.memref_squeeze %dma_start3A_77 : memref<1x10000x64xf32, #tpu.memory_space<hbm>> -> memref<10000x64xf32, #tpu.memory_space<hbm>>
        %dma_start3A_79 = arith.constant 9984 : i32
        %dma_start3A_80 = arith.constant 0 : i32
        %dma_start3A_81 = tpu.memref_slice %dma_start3A_78[%dma_start3A_79, %dma_start3A_80] : memref<10000x64xf32, #tpu.memory_space<hbm>> -> memref<16x64xf32, #tpu.memory_space<hbm>>
        %dma_start3A_82 = arith.constant 9984 : i32
        %dma_start3A_83 = arith.constant 0 : i32
        %dma_start3A_84 = tpu.memref_slice %arg13[%dma_start3A_82, %dma_start3A_83] : memref<10000x64xf32, #tpu.memory_space<vmem_shared>> -> memref<16x64xf32, #tpu.memory_space<vmem_shared>>
        tpu.enqueue_dma source(%dma_start3A_84 : memref<16x64xf32, #tpu.memory_space<vmem_shared>>) target(%dma_start3A_81 : memref<16x64xf32, #tpu.memory_space<hbm>>) target_semaphore(%run_scoped3A_74 : memref<!tpu.dma_semaphore, #tpu.memory_space<semaphore_mem>>)
        %dma_wait3A_85 = arith.constant 0 : i32
        %dma_wait3A_86 = arith.constant 0 : i32
        %dma_wait3A_87 = tpu.memref_slice %arg5[%arg0, %dma_wait3A_85, %dma_wait3A_86] : memref<2x10000x64xf32, #tpu.memory_space<hbm>> -> memref<1x10000x64xf32, #tpu.memory_space<hbm>>
        %dma_wait3A_88 = tpu.memref_squeeze %dma_wait3A_87 : memref<1x10000x64xf32, #tpu.memory_space<hbm>> -> memref<10000x64xf32, #tpu.memory_space<hbm>>
        %dma_wait3A_89 = arith.constant 9984 : i32
        %dma_wait3A_90 = arith.constant 0 : i32
        %dma_wait3A_91 = tpu.memref_slice %dma_wait3A_88[%dma_wait3A_89, %dma_wait3A_90] : memref<10000x64xf32, #tpu.memory_space<hbm>> -> memref<16x64xf32, #tpu.memory_space<hbm>>
        %dma_wait3A_92 = arith.constant 9984 : i32
        %dma_wait3A_93 = arith.constant 0 : i32
        %dma_wait3A_94 = tpu.memref_slice %arg13[%dma_wait3A_92, %dma_wait3A_93] : memref<10000x64xf32, #tpu.memory_space<vmem_shared>> -> memref<16x64xf32, #tpu.memory_space<vmem_shared>>
        tpu.wait_dma2 semaphore(%run_scoped3A_74 : memref<!tpu.dma_semaphore, #tpu.memory_space<semaphore_mem>>) src(%dma_wait3A_94 : memref<16x64xf32, #tpu.memory_space<vmem_shared>>) dst(%dma_wait3A_91 : memref<16x64xf32, #tpu.memory_space<hbm>>)
        tpu.yield
      }) : () -> ()
    } else {
    }
    return
  }
}

module attributes {stable_mosaic.version = 14 : i64} {
  func.func @_tc1a_body(%arg0: memref<10000x128xf32, #tpu.memory_space<vmem>>, %arg1: memref<128x128xf32, #tpu.memory_space<vmem>>, %arg2: memref<1x128xf32, #tpu.memory_space<vmem>>, %arg3: memref<128x64xf32, #tpu.memory_space<vmem>>, %arg4: memref<1x64xf32, #tpu.memory_space<vmem>>, %arg5: memref<10000x64xf32, #tpu.memory_space<vmem>>) attributes {dimension_semantics = [], scalar_prefetch = 0 : i64, scratch_operands = 0 : i64, tpu.core_type = #tpu.core_type<tc>} {
    %get3A = arith.constant 0 : index
    %get3A_0 = arith.constant 0 : index
    %get3A_1 = vector.load %arg0[%get3A, %get3A_0] : memref<10000x128xf32, #tpu.memory_space<vmem>>, vector<10000x128xf32>
    %get3A_2 = arith.constant 0 : index
    %get3A_3 = arith.constant 0 : index
    %get3A_4 = vector.load %arg1[%get3A_2, %get3A_3] : memref<128x128xf32, #tpu.memory_space<vmem>>, vector<128x128xf32>
    %dot_general3A = arith.constant dense<0.000000e+00> : vector<10000x128xf32>
    %dot_general3A_5 = tpu.matmul %get3A_1, %get3A_4, %dot_general3A {dimension_numbers = #tpu.dot_dimension_numbers<[1], [0], [0], [1], [0, 0, 1, 1], [], []>, transpose_lhs_hint = false} : vector<10000x128xf32>, vector<128x128xf32>, vector<10000x128xf32> -> vector<10000x128xf32>
    %get3A_6 = arith.constant 0 : index
    %get3A_7 = arith.constant 0 : index
    %get3A_8 = vector.load %arg2[%get3A_6, %get3A_7] : memref<1x128xf32, #tpu.memory_space<vmem>>, vector<1x128xf32>
    %add3A = vector.broadcast %get3A_8 : vector<1x128xf32> to vector<10000x128xf32>
    %add3A_9 = arith.addf %dot_general3A_5, %add3A : vector<10000x128xf32>
    %get3A_10 = arith.constant 0 : index
    %get3A_11 = arith.constant 0 : index
    %get3A_12 = vector.load %arg3[%get3A_10, %get3A_11] : memref<128x64xf32, #tpu.memory_space<vmem>>, vector<128x64xf32>
    %dot_general3A_13 = arith.constant dense<0.000000e+00> : vector<10000x64xf32>
    %dot_general3A_14 = tpu.matmul %add3A_9, %get3A_12, %dot_general3A_13 {dimension_numbers = #tpu.dot_dimension_numbers<[1], [0], [0], [1], [0, 0, 1, 1], [], []>, transpose_lhs_hint = false} : vector<10000x128xf32>, vector<128x64xf32>, vector<10000x64xf32> -> vector<10000x64xf32>
    %get3A_15 = arith.constant 0 : index
    %get3A_16 = arith.constant 0 : index
    %get3A_17 = vector.load %arg4[%get3A_15, %get3A_16] : memref<1x64xf32, #tpu.memory_space<vmem>>, vector<1x64xf32>
    %add3A_18 = vector.broadcast %get3A_17 : vector<1x64xf32> to vector<10000x64xf32>
    %add3A_19 = arith.addf %dot_general3A_14, %add3A_18 : vector<10000x64xf32>
    %swap3A = arith.constant 0 : index
    %swap3A_20 = arith.constant 0 : index
    %swap3A_21 = vector.load %arg5[%swap3A, %swap3A_20] : memref<10000x64xf32, #tpu.memory_space<vmem>>, vector<10000x64xf32>
    tpu.vector_store %arg5[%swap3A, %swap3A_20], %add3A_19 {strides = array<i32>} : memref<10000x64xf32, #tpu.memory_space<vmem>>, vector<10000x64xf32>,
    return
  }
}

module attributes {stable_mosaic.version = 14 : i64} {
  func.func @_tc1b_body(%arg0: memref<10000x64xf32, #tpu.memory_space<vmem>>, %arg1: memref<2x10000x8xf32, #tpu.memory_space<vmem>>, %arg2: memref<10000x64xf32, #tpu.memory_space<vmem>>, %arg3: memref<10000x128xf32, #tpu.memory_space<vmem>>) attributes {dimension_semantics = [], scalar_prefetch = 0 : i64, scratch_operands = 0 : i64, tpu.core_type = #tpu.core_type<tc>} {
    %get3A = arith.constant 1 : index
    %get3A_0 = arith.constant 0 : index
    %get3A_1 = arith.constant 0 : index
    %get3A_2 = vector.load %arg1[%get3A, %get3A_0, %get3A_1] : memref<2x10000x8xf32, #tpu.memory_space<vmem>>, vector<1x10000x8xf32>
    %get3A_3 = vector.shape_cast %get3A_2 : vector<1x10000x8xf32> to vector<10000x8xf32>
    %slice3A = vector.extract_strided_slice %get3A_3 {offsets = [0, 0], sizes = [10000, 1], strides = [1, 1]} : vector<10000x8xf32> to vector<10000x1xf32>
    %add3A = arith.constant 1.000000e+00 : f32
    %add3A_4 = vector.broadcast %add3A : f32 to vector<10000x1xf32>
    %add3A_5 = arith.addf %slice3A, %add3A_4 : vector<10000x1xf32>
    %get3A_6 = arith.constant 0 : index
    %get3A_7 = arith.constant 0 : index
    %get3A_8 = arith.constant 0 : index
    %get3A_9 = vector.load %arg1[%get3A_6, %get3A_7, %get3A_8] : memref<2x10000x8xf32, #tpu.memory_space<vmem>>, vector<1x10000x8xf32>
    %get3A_10 = vector.shape_cast %get3A_9 : vector<1x10000x8xf32> to vector<10000x8xf32>
    %slice3A_11 = vector.extract_strided_slice %get3A_10 {offsets = [0, 0], sizes = [10000, 1], strides = [1, 1]} : vector<10000x8xf32> to vector<10000x1xf32>
    %add3A_12 = arith.constant 1.000000e+00 : f32
    %add3A_13 = vector.broadcast %add3A_12 : f32 to vector<10000x1xf32>
    %add3A_14 = arith.addf %slice3A_11, %add3A_13 : vector<10000x1xf32>
    %log3A = math.log %add3A_5 : vector<10000x1xf32>
    %mul3A = arith.constant -2.000000e-01 : f32
    %mul3A_15 = vector.broadcast %mul3A : f32 to vector<10000x1xf32>
    %mul3A_16 = arith.mulf %mul3A_15, %log3A : vector<10000x1xf32>
    %exp3A = math.exp %mul3A_16 : vector<10000x1xf32>
    %log3A_17 = math.log %add3A_5 : vector<10000x1xf32>
    %mul3A_18 = arith.constant -8.000000e-01 : f32
    %mul3A_19 = vector.broadcast %mul3A_18 : f32 to vector<10000x1xf32>
    %mul3A_20 = arith.mulf %mul3A_19, %log3A_17 : vector<10000x1xf32>
    %exp3A_21 = math.exp %mul3A_20 : vector<10000x1xf32>
    %log3A_22 = math.log %add3A_14 : vector<10000x1xf32>
    %mul3A_23 = arith.constant -2.000000e-01 : f32
    %mul3A_24 = vector.broadcast %mul3A_23 : f32 to vector<10000x1xf32>
    %mul3A_25 = arith.mulf %mul3A_24, %log3A_22 : vector<10000x1xf32>
    %exp3A_26 = math.exp %mul3A_25 : vector<10000x1xf32>
    %log3A_27 = math.log %add3A_14 : vector<10000x1xf32>
    %mul3A_28 = arith.constant -8.000000e-01 : f32
    %mul3A_29 = vector.broadcast %mul3A_28 : f32 to vector<10000x1xf32>
    %mul3A_30 = arith.mulf %mul3A_29, %log3A_27 : vector<10000x1xf32>
    %exp3A_31 = math.exp %mul3A_30 : vector<10000x1xf32>
    %broadcast_in_dim3A = vector.shape_cast %exp3A : vector<10000x1xf32> to vector<10000x1xf32>
    %broadcast_in_dim3A_32 = vector.broadcast %broadcast_in_dim3A : vector<10000x1xf32> to vector<10000x32xf32>
    %broadcast_in_dim3A_33 = vector.shape_cast %exp3A_21 : vector<10000x1xf32> to vector<10000x1xf32>
    %broadcast_in_dim3A_34 = vector.broadcast %broadcast_in_dim3A_33 : vector<10000x1xf32> to vector<10000x32xf32>
    %broadcast_in_dim3A_35 = vector.shape_cast %exp3A_26 : vector<10000x1xf32> to vector<10000x1xf32>
    %broadcast_in_dim3A_36 = vector.broadcast %broadcast_in_dim3A_35 : vector<10000x1xf32> to vector<10000x32xf32>
    %broadcast_in_dim3A_37 = vector.shape_cast %exp3A_31 : vector<10000x1xf32> to vector<10000x1xf32>
    %broadcast_in_dim3A_38 = vector.broadcast %broadcast_in_dim3A_37 : vector<10000x1xf32> to vector<10000x32xf32>
    %concatenate3A = tpu.concatenate %broadcast_in_dim3A_32, %broadcast_in_dim3A_34, %broadcast_in_dim3A_36, %broadcast_in_dim3A_38 in 1 : vector<10000x32xf32>, vector<10000x32xf32>, vector<10000x32xf32>, vector<10000x32xf32> -> vector<10000x128xf32>
    %swap3A = arith.constant 0 : index
    %swap3A_39 = arith.constant 0 : index
    %swap3A_40 = vector.load %arg3[%swap3A, %swap3A_39] : memref<10000x128xf32, #tpu.memory_space<vmem>>, vector<10000x128xf32>
    tpu.vector_store %arg3[%swap3A, %swap3A_39], %concatenate3A {strides = array<i32>} : memref<10000x128xf32, #tpu.memory_space<vmem>>, vector<10000x128xf32>,
    %get3A_41 = arith.constant 0 : index
    %get3A_42 = arith.constant 0 : index
    %get3A_43 = vector.load %arg0[%get3A_41, %get3A_42] : memref<10000x64xf32, #tpu.memory_space<vmem>>, vector<10000x64xf32>
    %mul3A_44 = vector.broadcast %exp3A_21 : vector<10000x1xf32> to vector<10000x64xf32>
    %mul3A_45 = arith.mulf %mul3A_44, %get3A_43 : vector<10000x64xf32>
    %swap3A_46 = arith.constant 0 : index
    %swap3A_47 = arith.constant 0 : index
    %swap3A_48 = vector.load %arg2[%swap3A_46, %swap3A_47] : memref<10000x64xf32, #tpu.memory_space<vmem>>, vector<10000x64xf32>
    tpu.vector_store %arg2[%swap3A_46, %swap3A_47], %mul3A_45 {strides = array<i32>} : memref<10000x64xf32, #tpu.memory_space<vmem>>, vector<10000x64xf32>,
    return
  }
}

module attributes {stable_mosaic.version = 14 : i64} {
  func.func @_tc2_body(%arg0: memref<2x10000x64xf32, #tpu.memory_space<vmem>>, %arg1: memref<10000x64xf32, #tpu.memory_space<vmem>>, %arg2: memref<10000x128xf32, #tpu.memory_space<vmem>>, %arg3: memref<64x64xf32, #tpu.memory_space<vmem>>, %arg4: memref<1x64xf32, #tpu.memory_space<vmem>>, %arg5: memref<10000x64xf32, #tpu.memory_space<vmem>>) attributes {dimension_semantics = [], scalar_prefetch = 0 : i64, scratch_operands = 0 : i64, tpu.core_type = #tpu.core_type<tc>} {
    %get3A = arith.constant 0 : index
    %get3A_0 = arith.constant 64 : index
    %get3A_1 = vector.load %arg2[%get3A, %get3A_0] : memref<10000x128xf32, #tpu.memory_space<vmem>>, vector<10000x1xf32>
    %get3A_2 = arith.constant 0 : index
    %get3A_3 = arith.constant 96 : index
    %get3A_4 = vector.load %arg2[%get3A_2, %get3A_3] : memref<10000x128xf32, #tpu.memory_space<vmem>>, vector<10000x1xf32>
    %get3A_5 = arith.constant 0 : index
    %get3A_6 = arith.constant 0 : index
    %get3A_7 = arith.constant 0 : index
    %get3A_8 = vector.load %arg0[%get3A_5, %get3A_6, %get3A_7] : memref<2x10000x64xf32, #tpu.memory_space<vmem>>, vector<1x10000x64xf32>
    %get3A_9 = vector.shape_cast %get3A_8 : vector<1x10000x64xf32> to vector<10000x64xf32>
    %get3A_10 = arith.constant 1 : index
    %get3A_11 = arith.constant 0 : index
    %get3A_12 = arith.constant 0 : index
    %get3A_13 = vector.load %arg0[%get3A_10, %get3A_11, %get3A_12] : memref<2x10000x64xf32, #tpu.memory_space<vmem>>, vector<1x10000x64xf32>
    %get3A_14 = vector.shape_cast %get3A_13 : vector<1x10000x64xf32> to vector<10000x64xf32>
    %add3A = arith.addf %get3A_9, %get3A_14 : vector<10000x64xf32>
    %get3A_15 = arith.constant 0 : index
    %get3A_16 = arith.constant 0 : index
    %get3A_17 = vector.load %arg1[%get3A_15, %get3A_16] : memref<10000x64xf32, #tpu.memory_space<vmem>>, vector<10000x64xf32>
    %add3A_18 = arith.addf %add3A, %get3A_17 : vector<10000x64xf32>
    %mul3A = vector.broadcast %get3A_1 : vector<10000x1xf32> to vector<10000x64xf32>
    %mul3A_19 = arith.mulf %mul3A, %add3A_18 : vector<10000x64xf32>
    %max3A = arith.constant 0.000000e+00 : f32
    %max3A_20 = vector.broadcast %max3A : f32 to vector<10000x64xf32>
    %max3A_21 = arith.maximumf %mul3A_19, %max3A_20 : vector<10000x64xf32>
    %get3A_22 = arith.constant 0 : index
    %get3A_23 = arith.constant 0 : index
    %get3A_24 = vector.load %arg3[%get3A_22, %get3A_23] : memref<64x64xf32, #tpu.memory_space<vmem>>, vector<64x64xf32>
    %dot_general3A = arith.constant dense<0.000000e+00> : vector<10000x64xf32>
    %dot_general3A_25 = tpu.matmul %max3A_21, %get3A_24, %dot_general3A {dimension_numbers = #tpu.dot_dimension_numbers<[1], [0], [0], [1], [0, 0, 1, 1], [], []>, transpose_lhs_hint = false} : vector<10000x64xf32>, vector<64x64xf32>, vector<10000x64xf32> -> vector<10000x64xf32>
    %get3A_26 = arith.constant 0 : index
    %get3A_27 = arith.constant 0 : index
    %get3A_28 = vector.load %arg4[%get3A_26, %get3A_27] : memref<1x64xf32, #tpu.memory_space<vmem>>, vector<1x64xf32>
    %add3A_29 = vector.broadcast %get3A_28 : vector<1x64xf32> to vector<10000x64xf32>
    %add3A_30 = arith.addf %dot_general3A_25, %add3A_29 : vector<10000x64xf32>
    %mul3A_31 = vector.broadcast %get3A_4 : vector<10000x1xf32> to vector<10000x64xf32>
    %mul3A_32 = arith.mulf %mul3A_31, %add3A_30 : vector<10000x64xf32>
    %swap3A = arith.constant 0 : index
    %swap3A_33 = arith.constant 0 : index
    %swap3A_34 = vector.load %arg5[%swap3A, %swap3A_33] : memref<10000x64xf32, #tpu.memory_space<vmem>>, vector<10000x64xf32>
    tpu.vector_store %arg5[%swap3A, %swap3A_33], %mul3A_32 {strides = array<i32>} : memref<10000x64xf32, #tpu.memory_space<vmem>>, vector<10000x64xf32>,
    return
  }
}

module attributes {stable_mosaic.version = 14 : i64} {
  func.func @_tc3_body(%arg0: memref<2x10000x64xf32, #tpu.memory_space<vmem>>, %arg1: memref<10000x64xf32, #tpu.memory_space<vmem>>, %arg2: memref<10000x128xf32, #tpu.memory_space<vmem>>, %arg3: memref<64x64xf32, #tpu.memory_space<vmem>>, %arg4: memref<1x64xf32, #tpu.memory_space<vmem>>, %arg5: memref<10000x64xf32, #tpu.memory_space<vmem>>, %arg6: memref<10000x64xf32, #tpu.memory_space<vmem>>) attributes {dimension_semantics = [], scalar_prefetch = 0 : i64, scratch_operands = 0 : i64, tpu.core_type = #tpu.core_type<tc>} {
    %get3A = arith.constant 0 : index
    %get3A_0 = arith.constant 0 : index
    %get3A_1 = vector.load %arg2[%get3A, %get3A_0] : memref<10000x128xf32, #tpu.memory_space<vmem>>, vector<10000x1xf32>
    %get3A_2 = arith.constant 0 : index
    %get3A_3 = arith.constant 32 : index
    %get3A_4 = vector.load %arg2[%get3A_2, %get3A_3] : memref<10000x128xf32, #tpu.memory_space<vmem>>, vector<10000x1xf32>
    %get3A_5 = arith.constant 0 : index
    %get3A_6 = arith.constant 0 : index
    %get3A_7 = arith.constant 0 : index
    %get3A_8 = vector.load %arg0[%get3A_5, %get3A_6, %get3A_7] : memref<2x10000x64xf32, #tpu.memory_space<vmem>>, vector<1x10000x64xf32>
    %get3A_9 = vector.shape_cast %get3A_8 : vector<1x10000x64xf32> to vector<10000x64xf32>
    %get3A_10 = arith.constant 1 : index
    %get3A_11 = arith.constant 0 : index
    %get3A_12 = arith.constant 0 : index
    %get3A_13 = vector.load %arg0[%get3A_10, %get3A_11, %get3A_12] : memref<2x10000x64xf32, #tpu.memory_space<vmem>>, vector<1x10000x64xf32>
    %get3A_14 = vector.shape_cast %get3A_13 : vector<1x10000x64xf32> to vector<10000x64xf32>
    %add3A = arith.addf %get3A_9, %get3A_14 : vector<10000x64xf32>
    %get3A_15 = arith.constant 0 : index
    %get3A_16 = arith.constant 0 : index
    %get3A_17 = vector.load %arg1[%get3A_15, %get3A_16] : memref<10000x64xf32, #tpu.memory_space<vmem>>, vector<10000x64xf32>
    %add3A_18 = arith.addf %add3A, %get3A_17 : vector<10000x64xf32>
    %mul3A = vector.broadcast %get3A_1 : vector<10000x1xf32> to vector<10000x64xf32>
    %mul3A_19 = arith.mulf %mul3A, %add3A_18 : vector<10000x64xf32>
    %swap3A = arith.constant 0 : index
    %swap3A_20 = arith.constant 0 : index
    %swap3A_21 = vector.load %arg5[%swap3A, %swap3A_20] : memref<10000x64xf32, #tpu.memory_space<vmem>>, vector<10000x64xf32>
    tpu.vector_store %arg5[%swap3A, %swap3A_20], %mul3A_19 {strides = array<i32>} : memref<10000x64xf32, #tpu.memory_space<vmem>>, vector<10000x64xf32>,
    %get3A_22 = arith.constant 0 : index
    %get3A_23 = arith.constant 0 : index
    %get3A_24 = vector.load %arg3[%get3A_22, %get3A_23] : memref<64x64xf32, #tpu.memory_space<vmem>>, vector<64x64xf32>
    %dot_general3A = arith.constant dense<0.000000e+00> : vector<10000x64xf32>
    %dot_general3A_25 = tpu.matmul %mul3A_19, %get3A_24, %dot_general3A {dimension_numbers = #tpu.dot_dimension_numbers<[1], [0], [0], [1], [0, 0, 1, 1], [], []>, transpose_lhs_hint = false} : vector<10000x64xf32>, vector<64x64xf32>, vector<10000x64xf32> -> vector<10000x64xf32>
    %get3A_26 = arith.constant 0 : index
    %get3A_27 = arith.constant 0 : index
    %get3A_28 = vector.load %arg4[%get3A_26, %get3A_27] : memref<1x64xf32, #tpu.memory_space<vmem>>, vector<1x64xf32>
    %add3A_29 = vector.broadcast %get3A_28 : vector<1x64xf32> to vector<10000x64xf32>
    %add3A_30 = arith.addf %dot_general3A_25, %add3A_29 : vector<10000x64xf32>
    %mul3A_31 = vector.broadcast %get3A_4 : vector<10000x1xf32> to vector<10000x64xf32>
    %mul3A_32 = arith.mulf %mul3A_31, %add3A_30 : vector<10000x64xf32>
    %swap3A_33 = arith.constant 0 : index
    %swap3A_34 = arith.constant 0 : index
    %swap3A_35 = vector.load %arg6[%swap3A_33, %swap3A_34] : memref<10000x64xf32, #tpu.memory_space<vmem>>, vector<10000x64xf32>
    tpu.vector_store %arg6[%swap3A_33, %swap3A_34], %mul3A_32 {strides = array<i32>} : memref<10000x64xf32, #tpu.memory_space<vmem>>, vector<10000x64xf32>,
    return
  }
}

module attributes {stable_mosaic.version = 14 : i64} {
  func.func @_tc4_body(%arg0: memref<2x10000x64xf32, #tpu.memory_space<vmem>>, %arg1: memref<10000x64xf32, #tpu.memory_space<vmem>>, %arg2: memref<10000x128xf32, #tpu.memory_space<vmem>>, %arg3: memref<10000x64xf32, #tpu.memory_space<vmem>>, %arg4: memref<10000x128xf32, #tpu.memory_space<vmem>>) attributes {dimension_semantics = [], scalar_prefetch = 0 : i64, scratch_operands = 0 : i64, tpu.core_type = #tpu.core_type<tc>} {
    %get3A = arith.constant 0 : index
    %get3A_0 = arith.constant 64 : index
    %get3A_1 = vector.load %arg2[%get3A, %get3A_0] : memref<10000x128xf32, #tpu.memory_space<vmem>>, vector<10000x1xf32>
    %get3A_2 = arith.constant 0 : index
    %get3A_3 = arith.constant 0 : index
    %get3A_4 = arith.constant 0 : index
    %get3A_5 = vector.load %arg0[%get3A_2, %get3A_3, %get3A_4] : memref<2x10000x64xf32, #tpu.memory_space<vmem>>, vector<1x10000x64xf32>
    %get3A_6 = vector.shape_cast %get3A_5 : vector<1x10000x64xf32> to vector<10000x64xf32>
    %get3A_7 = arith.constant 1 : index
    %get3A_8 = arith.constant 0 : index
    %get3A_9 = arith.constant 0 : index
    %get3A_10 = vector.load %arg0[%get3A_7, %get3A_8, %get3A_9] : memref<2x10000x64xf32, #tpu.memory_space<vmem>>, vector<1x10000x64xf32>
    %get3A_11 = vector.shape_cast %get3A_10 : vector<1x10000x64xf32> to vector<10000x64xf32>
    %add3A = arith.addf %get3A_6, %get3A_11 : vector<10000x64xf32>
    %get3A_12 = arith.constant 0 : index
    %get3A_13 = arith.constant 0 : index
    %get3A_14 = vector.load %arg1[%get3A_12, %get3A_13] : memref<10000x64xf32, #tpu.memory_space<vmem>>, vector<10000x64xf32>
    %add3A_15 = arith.addf %add3A, %get3A_14 : vector<10000x64xf32>
    %mul3A = vector.broadcast %get3A_1 : vector<10000x1xf32> to vector<10000x64xf32>
    %mul3A_16 = arith.mulf %mul3A, %add3A_15 : vector<10000x64xf32>
    %get3A_17 = arith.constant 0 : index
    %get3A_18 = arith.constant 0 : index
    %get3A_19 = vector.load %arg3[%get3A_17, %get3A_18] : memref<10000x64xf32, #tpu.memory_space<vmem>>, vector<10000x64xf32>
    %concatenate3A = tpu.concatenate %get3A_19, %mul3A_16 in 1 : vector<10000x64xf32>, vector<10000x64xf32> -> vector<10000x128xf32>
    %swap3A = arith.constant 0 : index
    %swap3A_20 = arith.constant 0 : index
    %swap3A_21 = vector.load %arg4[%swap3A, %swap3A_20] : memref<10000x128xf32, #tpu.memory_space<vmem>>, vector<10000x128xf32>
    tpu.vector_store %arg4[%swap3A, %swap3A_20], %concatenate3A {strides = array<i32>} : memref<10000x128xf32, #tpu.memory_space<vmem>>, vector<10000x128xf32>,
    return
  }
}

</mosaic_0001>

<sc_bundles>
// kernel: kernel.11.cloned.1.call-start
scs
__scs_entry_jumppad:
0x0: {  	(pc) =	sbr.rel $0x88, $3  }
0x1: {  	(tag) =	ssettag $0x0;
	lr =	simm.s32 $0x1  }
0x2: {  	[smem:$0x3F97] =	sst lr;
	_ =	strace $0xD0000000  }
0x3: {  	_ = 	snop  }
0x4: {  	_ = 	snop  }
0x5: {  	_ = 	snop  }
0x6: {  	_ = 	snop  }
0x7: {  	_ = 	snop  }
__scs_overlays_trampoline_lowered:
0x8: {  	[smem:$0x3FA6] =	sst s0  }
0x9: {  	[smem:$0x3FA7] =	sst s1  }
0xa: {  	[smem:$0x3FA8] =	sst s2  }
0xb: {  	[smem:$0x3FA9] =	sst s3  }
0xc: {  	[smem:$0x3FAA] =	sst s4  }
0xd: {  	[smem:$0x3FAB] =	sst s5  }
0xe: {  	[smem:$0x3FAC] =	sst s6  }
0xf: {  	[smem:$0x3FAD] =	sst s7  }
0x10: {  	[smem:$0x3FAE] =	sst s8  }
0x11: {  	[smem:$0x3FAF] =	sst s9;
	s0 =	simm.s32 @!p0 $0x0  }
0x12: {  	s1 =	sld [smem:$0x3F95];
	s0 =	simm.s32 @p0 $0x1  }
0x13: {  	[smem:$0x3FB0] =	sst s0;
	s0 =	simm.s32 @!p1 $0x0  }
0x14: {  	s2 =	sld [smem:$0x3F94];
	s0 =	simm.s32 @p1 $0x1  }
0x15: {  	[smem:$0x3FB1] =	sst s0;
	s0 =	simm.s32 @!p2 $0x0  }
0x16: {  	s3 =	sld [smem:$0x3FDB];
	s0 =	simm.s32 @p2 $0x1  }
0x17: {  	s4 =	simm.s32 $0x1BF5;
	[smem:$0x3FB3] =	sst s0  }
0x18: {  	s0 =	sld [smem:$0x3F96];
	_ =	swait.ge [sflag:s4], $0x0  }
0x19: {  	s7 =	sld [smem:$0x3F97]  }
0x1a: {  	s8 =	sadd.s32 $0xFFFFE003, lr  }
0x1b: {  	s9 =	sadd.s32 $0xFFFFFEF7, lr;
	s5 =	simm.s32 $0xFFFFFFFF;
	p2 =	slt.u32 s8, $0xFFFFF086  }
0x1c: {  	p1 =	slt.u32 s9, $0xF7A;
	s5 =	simm.s32 @!p2 $0x0  }
0x1d: {  	s5 =	simm.s32 @p1 $0x1;
	p0 =	seq.s32 s7, s2  }
0x1e: {  	s7 =	smul.u32 @!p0 $0xF7A, s2;
	p2 =	seq.s32 @!p0 s5, $0x0  }
0x1f: {  	s9 =	smul.u32 $0xF7A, s1;
	s8 =	simm.s32 @!p0 $0x1BF5;
	p2 =	por !p2, p0  }
0x20: {  	[sflag:s8] =	ssyncset.s32 @!p0 $0xFFFFF086;
	s6 =	sadd.s32 @!p0 s3, s7;
	s7 =	simm.s32 @!p0 $0x108  }
0x21: {  	s3 =	sadd.s32 s3, s9;
	s6 =	sadd.s32 @!p0 $0x88, s6;
	s7 =	simm.s32 @p2 $0x1082  }
0x22: {  	[simem:s7], [sflag:s8] =	dma.local @!p0 [hbm:s6], $0xF7A  }
0x23: {  	s9 =	sor.u32 $0xD0000000, s2;
	s6 =	simm.s32 $0x108;
	_ =	swait.ge @!p0 [sflag:s8], $0x0  }
0x24: {  	s3 =	sadd.s32 $0x88, s3;
	s6 =	simm.s32 @!p1 $0x1082;
	[sflag:s4] =	ssyncset.s32 $0xFFFFF086  }
0x25: {  	[simem:s6], [sflag:s4] =	dma.local [hbm:s3], $0xF7A  }
0x26: {  	[smem:$0x3F97] =	sst s1;
	(tag) =	ssettag s2;
	_ =	strace s9  }
0x27: {  	s1 =	sld [smem:$0x3FA7]  }
0x28: {  	s2 =	sld [smem:$0x3FA8]  }
0x29: {  	s4 =	sld [smem:$0x3FAA]  }
0x2a: {  	p0 =	seq.s32 s5, $0x0;
	s5 =	sld [smem:$0x3FAB]  }
0x2b: {  	s6 =	sld [smem:$0x3FAC]  }
0x2c: {  	s7 =	sld [smem:$0x3FAD]  }
0x2d: {  	s3 =	simm.s32 $0x108;
	s8 =	sld [smem:$0x3FAE]  }
0x2e: {  	s3 =	simm.s32 @!p0 $0x1082;
	s9 =	sld [smem:$0x3FAF]  }
0x2f: {  	lr =	sadd.s32 s0, s3;
	s0 =	sld [smem:$0x3FA6]  }
0x30: {  	s3 =	sld [smem:$0x3FA9]  }
0x31: {  	[smem:$0x3FB2] =	sst s10  }
0x32: {  	s10 =	sld [smem:$0x3FB0];
	_ =	sdelay $0x3  }
0x33: {  	p0 =	seq.s32 s10, $0x1;
	s10 =	sld [smem:$0x3FB2];
	_ =	sdelay $0x3  }
0x34: {  	[smem:$0x3FB2] =	sst s10  }
0x35: {  	s10 =	sld [smem:$0x3FB1];
	_ =	sdelay $0x3  }
0x36: {  	p1 =	seq.s32 s10, $0x1;
	s10 =	sld [smem:$0x3FB2];
	_ =	sdelay $0x3  }
0x37: {  	[smem:$0x3FB2] =	sst s10  }
0x38: {  	s10 =	sld [smem:$0x3FB3]  }
0x39: {  	_ = 	snop;
	(pc) =	sbr.ind lr, $3  }
0x3a: {  	_ = 	snop  }
0x3b: {  	_ = 	snop  }
0x3c: {  	p2 =	seq.s32 s10, $0x1;
	s10 =	sld [smem:$0x3FB2]  }
0x3d: {  	_ =	shalt  }
0x3e: {  	_ =	shalt  }
0x3f: {  	_ =	shalt  }
0x40: {  	_ =	shalt  }
0x41: {  	_ =	shalt  }
0x42: {  	_ =	shalt  }
0x43: {  	_ =	shalt  }
0x44: {  	_ =	shalt  }
0x45: {  	_ =	shalt  }
0x46: {  	_ =	shalt  }
0x47: {  	_ =	shalt  }
0x48: {  	_ =	shalt  }
0x49: {  	_ =	shalt  }
0x4a: {  	_ =	shalt  }
0x4b: {  	_ =	shalt  }
0x4c: {  	_ =	shalt  }
0x4d: {  	_ =	shalt  }
0x4e: {  	_ =	shalt  }
0x4f: {  	_ =	shalt  }
0x50: {  	_ =	shalt  }
0x51: {  	_ =	shalt  }
0x52: {  	_ =	shalt  }
0x53: {  	_ =	shalt  }
0x54: {  	_ =	shalt  }
0x55: {  	_ =	shalt  }
0x56: {  	_ =	shalt  }
0x57: {  	_ =	shalt  }
0x58: {  	_ =	shalt  }
0x59: {  	_ =	shalt  }
0x5a: {  	_ =	shalt  }
0x5b: {  	_ =	shalt  }
0x5c: {  	_ =	shalt  }
0x5d: {  	_ =	shalt  }
0x5e: {  	_ =	shalt  }
0x5f: {  	_ =	shalt  }
0x60: {  	_ =	shalt  }
0x61: {  	_ =	shalt  }
0x62: {  	_ =	shalt  }
0x63: {  	_ =	shalt  }
0x64: {  	_ =	shalt  }
0x65: {  	_ =	shalt  }
0x66: {  	_ =	shalt  }
0x67: {  	_ =	shalt  }
0x68: {  	_ =	shalt  }
0x69: {  	_ =	shalt  }
0x6a: {  	_ =	shalt  }
0x6b: {  	_ =	shalt  }
0x6c: {  	_ =	shalt  }
0x6d: {  	_ =	shalt  }
0x6e: {  	_ =	shalt  }
0x6f: {  	_ =	shalt  }
0x70: {  	_ =	shalt  }
0x71: {  	_ =	shalt  }
0x72: {  	_ =	shalt  }
0x73: {  	_ =	shalt  }
0x74: {  	_ =	shalt  }
0x75: {  	_ =	shalt  }
0x76: {  	_ =	shalt  }
0x77: {  	_ =	shalt  }
0x78: {  	_ =	shalt  }
0x79: {  	_ =	shalt  }
0x7a: {  	_ =	shalt  }
0x7b: {  	_ =	shalt  }
0x7c: {  	_ =	shalt  }
0x7d: {  	_ =	shalt  }
0x7e: {  	_ =	shalt  }
0x7f: {  	_ =	shalt  }
0x80: {  	_ =	shalt  }
0x81: {  	_ =	shalt  }
0x82: {  	_ =	shalt  }
0x83: {  	_ =	shalt  }
0x84: {  	_ =	shalt  }
0x85: {  	_ =	shalt  }
0x86: {  	_ =	shalt  }
0x87: {  	_ =	shalt  }
.Lfunc_end0:
.L_simem_size_0:
called_computation_lowered:
.L_overlay_start_0:
0x88: {  	s2 =	sld [smem:$0x3FD9]  }
0x89: {  	s3 =	sld [smem:$0x3FFE];
	_ =	sdelay $0x1  }
0x8a: {  	s1 =	srdreg.scid  }
0x8b: {  	s0 =	sand.u32 $0x1, s1  }
0x8c: {  	s17 =	sshll.u32 s0, $0xA;
	s2 =	sadd.s32 s3, s2  }
0x8d: {  	s2 =	sadd.s32 s2, s17  }
0x8e: {  	[smem:$0x3FBE] =	sst s2  }
0x8f: {  	_ = 	snop  }
0x90: {  	s2 =	sld [smem:$0x3FD0];
	(tm) =	ssettm $0x1  }
0x91: {  	s18 =	sld [smem:$0x3FFB];
	_ =	sdelay $0x3  }
0x92: {  	_ =	strace s18  }
0x93: {  	s3 =	sld [smem:$0x3FFC];
	_ =	sdelay $0x3  }
0x94: {  	_ =	strace s3  }
0x95: {  	s3 =	sld [smem:$0x3FFD];
	_ =	sdelay $0x3  }
0x96: {  	_ =	strace s3  }
0x97: {  	_ =	strace $0x8FFFFFFF  }
0x98: {  	s19 =	sld [smem:$0x3FDB];
	_ =	sdelay $0x1  }
0x99: {  	s4 =	simm.s32 $_scs_section_size  }
0x9a: {  	s5 =	simm.s32 $_size__tile_overlayer_lowered;
	s6 =	simm.s32 $_tile_overlayer_lowered  }
0x9b: {  	s22 =	simm.s32 $0x1BFF;
	s21 =	sshll.u32 s6, $0x1;
	s3 =	sadd.s32 s4, s19  }
0x9c: {  	s7 =	simm.s32 $0x0;
	s20 =	sshll.u32 s5, $0x1;
	s5 =	sadd.s32 s21, s3  }
0x9d: {  	[timem:s7], [sflag:s22] =	dma.local [hbm:s5], s20  }
0x9e: {  	_ =	swait.ge [sflag:s22], s20  }
0x9f: {  	s4 =	ssub.s32 $0x0, s20;
	[sflag:s22] =	ssyncset.done $0x0  }
0xa0: {  	[sflag:s22] =	ssyncadd.s32 s4;
	_ =	sdelay $0x1  }
0xa1: {  	s23 =	simm.s32 $0x1B8B  }
0xa2: {  	_ =	swait.ge [sflag:s23], $0x1  }
0xa3: {  	[sflag:s23] =	ssyncset.done $0x0  }
0xa4: {  	s25 =	simm.s32 $0x1B8E;
	s24 =	sld [smem:$0x3FFE];
	[sflag:s23] =	ssyncadd.s32 $0xFFFFFFFF  }
0xa5: {  	s26 =	simm.s32 $execute0_lowered;
	[smem:$0x3FD2] =	sst s25  }
0xa6: {  	s5 =	sshll.u32 s26, $0x1;
	_ =	strace $0x80000046;
	[dreg:$0x1] =	wrdreg $0xFFFFFFFF  }
0xa7: {  	s28 =	simm.s32 $_size_execute0_lowered;
	s3 =	sadd.s32 s3, s5;
	[dreg:$0x0] =	wrdreg $0x0  }
0xa8: {  	s5 =	sshll.u32 s28, $0x1;
	[dreg:$0x2] =	wrdreg s3  }
0xa9: {  	[dreg:$0x3] =	wrdreg s5  }
0xaa: {  	[dreg:$0x4] =	wrdreg $0xC0  }
0xab: {  	_ =	task [dreg:s7], $0x5FFFF  }
0xac: {  	[dreg:$0x1] =	wrdreg $0xFFFFFFFF  }
0xad: {  	[dreg:$0x0] =	wrdreg $0x60  }
0xae: {  	[dreg:$0x2] =	wrdreg s24  }
0xaf: {  	[dreg:$0x3] =	wrdreg s2  }
0xb0: {  	[dreg:$0x4] =	wrdreg $0x53E80  }
0xb1: {  	[dreg:$0x5] =	wrdreg $0x9  }
0xb2: {  	_ =	task.clear_ibuf [dreg:s7], $0x6FFFF;
	_ =	strace $0x90000046  }
0xb3: {  	s29 =	simm.s32 $0x9;
	_ =	strace $0x80000048  }
0xb4: {  	_ =	swait.ge [sflag:s29], $0x1  }
0xb5: {  	[sflag:s29] =	ssyncadd.s32 $0xFFFFFFFF  }
0xb6: {  	_ =	strace $0x90000048  }
0xb7: {  	_ =	sfence  }
0xb8: {  	s30 =	sld [smem:$0x0];
	_ =	sdelay $0x2  }
0xb9: {  	s31 =	sshll.u32 s1, $0xD;
	s1 =	sshrl.u32 s1, $0x2  }
0xba: {  	s3 =	sand.u32 $0x4000, s31;
	s1 =	sadd.s32 s1, s30  }
0xbb: {  	s0 =	sor.u32 s3, s0;
	s1 =	sshll.u32 s1, $0x11  }
0xbc: {  	s0 =	sor.u32 s1, s0  }
0xbd: {  	s0 =	sadd.s32 $0x8F2B, s0  }
0xbe: {  	[sflag:s0] =	ssyncadd.remote.s32 $0x1  }
0xbf: {  	_ =	sfence.sel $0xFFFF  }
0xc0: {  	[dreg:$0x0] =	wrdreg $0xFFFFFFFF;
	(pc) =	sbr.abs _section_cstart, $3  }
0xc1: {  	[dreg:$0x1] =	wrdreg $0xFFFFFFFF  }
0xc2: {  	_ =	task.clear_ibuf [dreg:s7], $0x2FFFF;
	_ =	strace $0x9FFFFFFF  }
0xc3: {  	(tm) =	ssettm $0x7FFFFFFF  }
tec
execute0_lowered:
.L_overlay_start_1:
0x0: {  	(tag) =	ssettag $0x1  }
0x1: {  	s8 =	rddreg [dreg:$0x0]  }
0x2: {  	s10 =	rddreg [dreg:$0x1]  }
0x3: {  	s2 =	rddreg [dreg:$0x2]  }
0x4: {  	s0 =	srdreg.scid;
	s1 =	rddreg [dreg:$0x3];
	s3 =	simm.s32 $0x0  }
0x5: {  	s16 =	simm.s32 $0x7D;
	s17 =	simm.s32 $0x80;
	s18 =	simm.s32 $0x100  }
0x6: {  	s19 =	simm.s32 $0x180;
	s20 =	simm.s32 $0x200;
	s21 =	simm.s32 $0x1  }
0x7: {  	s22 =	simm.s32 $0x2;
	s23 =	simm.s32 $0x3;
	s9 =	sand.u32 $0x1, s0  }
0x8: {  	s24 =	simm.s32 $0x4;
	s0 =	stileid.u32;
	s4 =	smul.u32 $0x50000, s9  }
0x9: {  	s25 =	simm.s32 $0x5;
	s26 =	simm.s32 $0x0;
	s5 =	smul.u32 $0x5000, s0  }
0xa: {  	[smem:$0x7FF] =	sst s3;
	s15 =	sadd.s32 $0x13800, s2;
	s6 =	smul.u32 $0x1380, s0  }
0xb: {  	_ =	strace $0x80000047;
	s7 =	ssub.s32 $0x2, s9;
	s30 =	sshll.u32 s0, $0x6  }
0xc: {  	s31 =	smul.u32 $0x2710, s9;
	p0 =	sne.s32 s0, $0xF;
	s13 =	sshrl.u32 s7, $0x1  }
0xd: {  	s4 =	sadd.s32 s5, s4;
	s5 =	sadd.s32 $0x16C00, s8;
	s13 =	ssub.s32 s7, s13  }
0xe: {  	s14 =	sadd.s32 s6, s2;
	s7 =	sor.u32 $0x1C06, s30;
	s4 =	sshrl.u32 s4, $0x3  }
0xf: {  	s10 =	sadd.s32 s10, s31;
	s11 =	sadd.s32 s4, s8;
	s4 =	sshrl.u32 s6, $0x3  }
0x10: {  	s12 =	sadd.s32 s4, s8;
	s8 =	sadd.s32 $0x19500, s8;
	s9 =	sadd.s32 $0x2C00, s11  }
0x11: {  	s11 =	smax.u32 s13, $0x1;
	s13 =	simm.s32 $0x6;
	s6 =	sadd.s32 $0x16E00, s12  }
0x12: {  	s12 =	sshrl.u32 s14, $0x3;
	s14 =	sshrl.u32 @!p0 s15, $0x3;
	s15 =	simm.s32 $0x5000  }
.LBB2_1:
0x13: {  	[spmem:s12], [sflag:s7] =	dma.local [hbm:s6], $0x270  }
0x14: {  	_ =	swait.ge [sflag:s13], $0x270  }
0x15: {  	[sflag:s13] =	ssyncset.done $0x0  }
0x16: {  	s28 =	simm.s32 @!p0 $0x6;
	[sflag:s13] =	ssyncadd.s32 $0xFFFFFD90  }
0x17: {  	[spmem:s14], [sflag:s7] =	dma.local @!p0 [hbm:s8], $0x10  }
0x18: {  	_ =	swait.ge @!p0 [sflag:s28], $0x10  }
0x19: {  	[sflag:s28] =	ssyncset.done @!p0 $0x0  }
0x1a: {  	[sflag:s28] =	ssyncadd.s32 @!p0 $0xFFFFFFF0  }
0x1b: {  	[tilespmem:s15], [sflag:$0x6] =	stream.linear.gather [hbm4b:s5+s3], $0x3E8, $0x38;
	[tilespmem:$0x6770] =	vst v63  }
0x1c: {  	_ =	swait.ge [sflag:s13], $0x3E8  }
0x1d: {  	[sflag:s13] =	ssyncset.done $0x0  }
0x1e: {  	[sflag:s13] =	ssyncadd.s32 $0xFFFFFC18  }
0x1f: {  	[tilespmem:s3], [sflag:$0x6] =	stream.linear.gather [hbm4b:s9+s3], $0x5000, $0x38;
	[tilespmem:$0x6770] =	vst v63  }
0x20: {  	_ =	swait.ge [sflag:s13], $0x5000  }
0x21: {  	[sflag:s13] =	ssyncset.done $0x0  }
0x22: {  	[sflag:s13] =	ssyncadd.s32 $0xFFFFB000  }
0x23: {  	[bflag:$0x0] =	sbarrier.arrive $0xFFFF  }
0x24: {  	[spmem:s2] =	stream.indirect.scatter.add.f32 [tilespmem:s15], [sflag:$0x1], $0x8, s3, s16, $0xb8;
	[tilespmem:$0x6770] =	vst v63  }
0x25: {  	_ = 	snop  }
0x26: {  	[spmem:s2] =	stream.indirect.scatter.add.f32 [tilespmem:s15], [sflag:$0x2], $0x8, s17, s16, $0xb8;
	[tilespmem:$0x6770] =	vst v63  }
0x27: {  	_ = 	snop  }
0x28: {  	[spmem:s2] =	stream.indirect.scatter.add.f32 [tilespmem:s15], [sflag:$0x3], $0x8, s18, s16, $0xb8;
	[tilespmem:$0x6770] =	vst v63  }
0x29: {  	_ = 	snop  }
0x2a: {  	[spmem:s2] =	stream.indirect.scatter.add.f32 [tilespmem:s15], [sflag:$0x4], $0x8, s19, s16, $0xb8;
	[tilespmem:$0x6770] =	vst v63  }
0x2b: {  	_ = 	snop  }
0x2c: {  	[spmem:s2] =	stream.indirect.scatter.add.f32 [tilespmem:s15], [sflag:$0x5], $0x8, s20, s16, $0xb8;
	[tilespmem:$0x6770] =	vst v63  }
0x2d: {  	_ =	swait.ge [sflag:s21], $0x3E8  }
0x2e: {  	[sflag:s21] =	ssyncset.done $0x0  }
0x2f: {  	s28 =	simm.s32 $0x280;
	[sflag:s21] =	ssyncadd.s32 $0xFFFFFC18  }
0x30: {  	[spmem:s2] =	stream.indirect.scatter.add.f32 [tilespmem:s15], [sflag:$0x1], $0x8, s28, s16, $0xb8;
	[tilespmem:$0x6770] =	vst v63  }
0x31: {  	_ =	swait.ge [sflag:s22], $0x3E8  }
0x32: {  	[sflag:s22] =	ssyncset.done $0x0  }
0x33: {  	s28 =	simm.s32 $0x300;
	[sflag:s22] =	ssyncadd.s32 $0xFFFFFC18  }
0x34: {  	[spmem:s2] =	stream.indirect.scatter.add.f32 [tilespmem:s15], [sflag:$0x2], $0x8, s28, s16, $0xb8;
	[tilespmem:$0x6770] =	vst v63  }
0x35: {  	_ =	swait.ge [sflag:s23], $0x3E8  }
0x36: {  	[sflag:s23] =	ssyncset.done $0x0  }
0x37: {  	s28 =	simm.s32 $0x380;
	[sflag:s23] =	ssyncadd.s32 $0xFFFFFC18  }
0x38: {  	[spmem:s2] =	stream.indirect.scatter.add.f32 [tilespmem:s15], [sflag:$0x3], $0x8, s28, s16, $0xb8;
	[tilespmem:$0x6770] =	vst v63  }
0x39: {  	_ =	swait.ge [sflag:s24], $0x3E8  }
0x3a: {  	[sflag:s24] =	ssyncset.done $0x0  }
0x3b: {  	s28 =	simm.s32 $0x400;
	[sflag:s24] =	ssyncadd.s32 $0xFFFFFC18  }
0x3c: {  	[spmem:s2] =	stream.indirect.scatter.add.f32 [tilespmem:s15], [sflag:$0x4], $0x8, s28, s16, $0xb8;
	[tilespmem:$0x6770] =	vst v63  }
0x3d: {  	_ =	swait.ge [sflag:s25], $0x3E8  }
0x3e: {  	[sflag:s25] =	ssyncset.done $0x0  }
0x3f: {  	s29 =	simm.s32 $0x480;
	s28 =	simm.s32 $0xFFFED400;
	[sflag:s25] =	ssyncadd.s32 $0xFFFFFC18  }
.LBB2_2:
0x40: {  	[spmem:s2] =	stream.indirect.scatter.add.f32 [tilespmem:s15], [sflag:$0x5], $0x8, s29, s16, $0xb8;
	[tilespmem:$0x6770] =	vst v63  }
0x41: {  	s29 =	smov.u32 s28  }
0x42: {  	p1 =	sne.s32 s28, $0xFFFFF600;
	s28 =	sadd.s32 $0xA00, s28;
	_ =	swait.ge [sflag:s21], $0x3E8  }
0x43: {  	s29 =	sshra.s32 s29, $0x2;
	[sflag:s21] =	ssyncset.done $0x0  }
0x44: {  	s30 =	sadd.s32 $0x5000, s29;
	[sflag:s21] =	ssyncadd.s32 $0xFFFFFC18  }
0x45: {  	[spmem:s2] =	stream.indirect.scatter.add.f32 [tilespmem:s15], [sflag:$0x1], $0x8, s30, s16, $0xb8;
	[tilespmem:$0x6770] =	vst v63  }
0x46: {  	_ =	swait.ge [sflag:s22], $0x3E8  }
0x47: {  	[sflag:s22] =	ssyncset.done $0x0  }
0x48: {  	s30 =	sadd.s32 $0x5080, s29;
	[sflag:s22] =	ssyncadd.s32 $0xFFFFFC18  }
0x49: {  	[spmem:s2] =	stream.indirect.scatter.add.f32 [tilespmem:s15], [sflag:$0x2], $0x8, s30, s16, $0xb8;
	[tilespmem:$0x6770] =	vst v63  }
0x4a: {  	_ =	swait.ge [sflag:s23], $0x3E8  }
0x4b: {  	[sflag:s23] =	ssyncset.done $0x0  }
0x4c: {  	s30 =	sadd.s32 $0x5100, s29;
	[sflag:s23] =	ssyncadd.s32 $0xFFFFFC18  }
0x4d: {  	[spmem:s2] =	stream.indirect.scatter.add.f32 [tilespmem:s15], [sflag:$0x3], $0x8, s30, s16, $0xb8;
	[tilespmem:$0x6770] =	vst v63  }
0x4e: {  	_ =	swait.ge [sflag:s24], $0x3E8  }
0x4f: {  	[sflag:s24] =	ssyncset.done $0x0  }
.Ltmp0:
0x50: {  	s30 =	sadd.s32 $0x5180, s29;
	[sflag:s24] =	ssyncadd.s32 $0xFFFFFC18;
	(pc) =	sbr.rel @p1 .LBB2_2-.Ltmp0, $4  }
0x51: {  	[spmem:s2] =	stream.indirect.scatter.add.f32 [tilespmem:s15], [sflag:$0x4], $0x8, s30, s16, $0xb8;
	[tilespmem:$0x6770] =	vst v63  }
0x52: {  	_ =	swait.ge [sflag:s25], $0x3E8  }
0x53: {  	[sflag:s25] =	ssyncset.done $0x0  }
0x54: {  	s29 =	sadd.s32 $0x5200, s29;
	[sflag:s25] =	ssyncadd.s32 $0xFFFFFC18  }
0x55: {  	[spmem:s2] =	stream.indirect.scatter.add.f32 [tilespmem:s15], [sflag:$0x5], $0x8, s29, s16, $0xb8;
	[tilespmem:$0x6770] =	vst v63  }
0x56: {  	_ =	swait.ge [sflag:s21], $0x3E8  }
0x57: {  	[sflag:s21] =	ssyncset.done $0x0  }
0x58: {  	[sflag:s21] =	ssyncadd.s32 $0xFFFFFC18  }
0x59: {  	_ =	swait.ge [sflag:s22], $0x3E8  }
0x5a: {  	[sflag:s22] =	ssyncset.done $0x0  }
0x5b: {  	[sflag:s22] =	ssyncadd.s32 $0xFFFFFC18  }
0x5c: {  	_ =	swait.ge [sflag:s23], $0x3E8  }
0x5d: {  	[sflag:s23] =	ssyncset.done $0x0  }
0x5e: {  	[sflag:s23] =	ssyncadd.s32 $0xFFFFFC18  }
0x5f: {  	_ =	swait.ge [sflag:s24], $0x3E8  }
0x60: {  	[sflag:s24] =	ssyncset.done $0x0  }
0x61: {  	[sflag:s24] =	ssyncadd.s32 $0xFFFFFC18  }
0x62: {  	_ =	swait.ge [sflag:s25], $0x3E8  }
0x63: {  	[sflag:s25] =	ssyncset.done $0x0  }
0x64: {  	[sflag:s25] =	ssyncadd.s32 $0xFFFFFC18  }
0x65: {  	s28 =	sadd.s32 s4, s10;
	[bflag:$0x0] =	sbarrier.arrive $0xFFFF  }
0x66: {  	[hbm:s28], [sflag:s7] =	dma.local [spmem:s12], $0x270  }
0x67: {  	_ =	swait.ge [sflag:s13], $0x270  }
0x68: {  	s26 =	sadd.s32 $0x1, s26;
	[sflag:s13] =	ssyncset.done $0x0  }
0x69: {  	p1 =	sne.s32 s26, s11;
	s28 =	sadd.s32 @!p0 $0x2700, s10;
	[sflag:s13] =	ssyncadd.s32 $0xFFFFFD90  }
0x6a: {  	[hbm:s28], [sflag:s7] =	dma.local @!p0 [spmem:s14], $0x10  }
.Ltmp1:
0x6b: {  	_ = 	snop;
	(pc) =	sbr.rel @p1 .LBB2_1-.Ltmp1, $4  }
0x6c: {  	s28 =	simm.s32 @!p0 $0x6  }
0x6d: {  	_ =	swait.ge @!p0 [sflag:s28], $0x10  }
0x6e: {  	[sflag:s28] =	ssyncset.done @!p0 $0x0  }
0x6f: {  	[sflag:s28] =	ssyncadd.s32 @!p0 $0xFFFFFFF0  }
0x70: {  	_ =	sfence.sel $0x180000  }
0x71: {  	[bflag:$0x0] =	sbarrier.arrive $0xFFFF  }
0x72: {  	p0 =	sne.s32 s0, $0x0;
	_ =	strace $0x90000047  }
0x73: {  	s0 =	sadd.s32 @!p0 $0x100000, s1;
	[bflag:$0x2] =	sbarrier.arrive $0xFFFF  }
0x74: {  	[sflag:s0] =	ssyncadd.tile.s32 @!p0 $0x1;
	_ =	shalt  }
.Lfunc_end2:
_tile_overlayer_lowered:
.L_overlay_start_2:
0x75: {  	(tag) =	ssettag $0x2  }
0x76: {  	s0 =	rddreg [dreg:$0x0];
	s2 =	stileid.u32  }
0x77: {  	s1 =	rddreg [dreg:$0x1];
	p0 =	sne.s32 s2, $0x0  }
0x78: {  	s3 =	rddreg [dreg:$0x2];
	[bflag:$0x3] =	sbarrier.arrive $0xFFFF;
	s2 =	simm.s32 @!p0 $0x1C06  }
0x79: {  	[timem:s3], [sflag:s2] =	dma.local @!p0 [hbm:s0], s1  }
0x7a: {  	s0 =	simm.s32 @!p0 $0x6  }
0x7b: {  	_ =	swait.ge @!p0 [sflag:s0], s1  }
0x7c: {  	s1 =	ssub.s32 @!p0 $0x0, s1;
	[sflag:s0] =	ssyncset.done @!p0 $0x0  }
0x7d: {  	[sflag:s0] =	ssyncadd.s32 @!p0 s1  }
0x7e: {  	[bflag:$0x3] =	sbarrier.arrive $0xFFFF  }
0x7f: {  	_ =	shalt  }

// kernel: kernel.14.cloned.1.call-start
scs
__scs_entry_jumppad:
0x0: {  	(pc) =	sbr.rel $0x88, $3  }
0x1: {  	(tag) =	ssettag $0x0;
	lr =	simm.s32 $0x1  }
0x2: {  	[smem:$0x3F97] =	sst lr;
	_ =	strace $0xD0000000  }
0x3: {  	_ = 	snop  }
0x4: {  	_ = 	snop  }
0x5: {  	_ = 	snop  }
0x6: {  	_ = 	snop  }
0x7: {  	_ = 	snop  }
__scs_overlays_trampoline_lowered:
0x8: {  	[smem:$0x3FA6] =	sst s0  }
0x9: {  	[smem:$0x3FA7] =	sst s1  }
0xa: {  	[smem:$0x3FA8] =	sst s2  }
0xb: {  	[smem:$0x3FA9] =	sst s3  }
0xc: {  	[smem:$0x3FAA] =	sst s4  }
0xd: {  	[smem:$0x3FAB] =	sst s5  }
0xe: {  	[smem:$0x3FAC] =	sst s6  }
0xf: {  	[smem:$0x3FAD] =	sst s7  }
0x10: {  	[smem:$0x3FAE] =	sst s8  }
0x11: {  	[smem:$0x3FAF] =	sst s9;
	s0 =	simm.s32 @!p0 $0x0  }
0x12: {  	s1 =	sld [smem:$0x3F95];
	s0 =	simm.s32 @p0 $0x1  }
0x13: {  	[smem:$0x3FB0] =	sst s0;
	s0 =	simm.s32 @!p1 $0x0  }
0x14: {  	s2 =	sld [smem:$0x3F94];
	s0 =	simm.s32 @p1 $0x1  }
0x15: {  	[smem:$0x3FB1] =	sst s0;
	s0 =	simm.s32 @!p2 $0x0  }
0x16: {  	s3 =	sld [smem:$0x3FDB];
	s0 =	simm.s32 @p2 $0x1  }
0x17: {  	s4 =	simm.s32 $0x1BF5;
	[smem:$0x3FB3] =	sst s0  }
0x18: {  	s0 =	sld [smem:$0x3F96];
	_ =	swait.ge [sflag:s4], $0x0  }
0x19: {  	s7 =	sld [smem:$0x3F97]  }
0x1a: {  	s8 =	sadd.s32 $0xFFFFE003, lr  }
0x1b: {  	s9 =	sadd.s32 $0xFFFFFEF7, lr;
	s5 =	simm.s32 $0xFFFFFFFF;
	p2 =	slt.u32 s8, $0xFFFFF086  }
0x1c: {  	p1 =	slt.u32 s9, $0xF7A;
	s5 =	simm.s32 @!p2 $0x0  }
0x1d: {  	s5 =	simm.s32 @p1 $0x1;
	p0 =	seq.s32 s7, s2  }
0x1e: {  	s7 =	smul.u32 @!p0 $0xF7A, s2;
	p2 =	seq.s32 @!p0 s5, $0x0  }
0x1f: {  	s9 =	smul.u32 $0xF7A, s1;
	s8 =	simm.s32 @!p0 $0x1BF5;
	p2 =	por !p2, p0  }
0x20: {  	[sflag:s8] =	ssyncset.s32 @!p0 $0xFFFFF086;
	s6 =	sadd.s32 @!p0 s3, s7;
	s7 =	simm.s32 @!p0 $0x108  }
0x21: {  	s3 =	sadd.s32 s3, s9;
	s6 =	sadd.s32 @!p0 $0x88, s6;
	s7 =	simm.s32 @p2 $0x1082  }
0x22: {  	[simem:s7], [sflag:s8] =	dma.local @!p0 [hbm:s6], $0xF7A  }
0x23: {  	s9 =	sor.u32 $0xD0000000, s2;
	s6 =	simm.s32 $0x108;
	_ =	swait.ge @!p0 [sflag:s8], $0x0  }
0x24: {  	s3 =	sadd.s32 $0x88, s3;
	s6 =	simm.s32 @!p1 $0x1082;
	[sflag:s4] =	ssyncset.s32 $0xFFFFF086  }
0x25: {  	[simem:s6], [sflag:s4] =	dma.local [hbm:s3], $0xF7A  }
0x26: {  	[smem:$0x3F97] =	sst s1;
	(tag) =	ssettag s2;
	_ =	strace s9  }
0x27: {  	s1 =	sld [smem:$0x3FA7]  }
0x28: {  	s2 =	sld [smem:$0x3FA8]  }
0x29: {  	s4 =	sld [smem:$0x3FAA]  }
0x2a: {  	p0 =	seq.s32 s5, $0x0;
	s5 =	sld [smem:$0x3FAB]  }
0x2b: {  	s6 =	sld [smem:$0x3FAC]  }
0x2c: {  	s7 =	sld [smem:$0x3FAD]  }
0x2d: {  	s3 =	simm.s32 $0x108;
	s8 =	sld [smem:$0x3FAE]  }
0x2e: {  	s3 =	simm.s32 @!p0 $0x1082;
	s9 =	sld [smem:$0x3FAF]  }
0x2f: {  	lr =	sadd.s32 s0, s3;
	s0 =	sld [smem:$0x3FA6]  }
0x30: {  	s3 =	sld [smem:$0x3FA9]  }
0x31: {  	[smem:$0x3FB2] =	sst s10  }
0x32: {  	s10 =	sld [smem:$0x3FB0];
	_ =	sdelay $0x3  }
0x33: {  	p0 =	seq.s32 s10, $0x1;
	s10 =	sld [smem:$0x3FB2];
	_ =	sdelay $0x3  }
0x34: {  	[smem:$0x3FB2] =	sst s10  }
0x35: {  	s10 =	sld [smem:$0x3FB1];
	_ =	sdelay $0x3  }
0x36: {  	p1 =	seq.s32 s10, $0x1;
	s10 =	sld [smem:$0x3FB2];
	_ =	sdelay $0x3  }
0x37: {  	[smem:$0x3FB2] =	sst s10  }
0x38: {  	s10 =	sld [smem:$0x3FB3]  }
0x39: {  	_ = 	snop;
	(pc) =	sbr.ind lr, $3  }
0x3a: {  	_ = 	snop  }
0x3b: {  	_ = 	snop  }
0x3c: {  	p2 =	seq.s32 s10, $0x1;
	s10 =	sld [smem:$0x3FB2]  }
0x3d: {  	_ =	shalt  }
0x3e: {  	_ =	shalt  }
0x3f: {  	_ =	shalt  }
0x40: {  	_ =	shalt  }
0x41: {  	_ =	shalt  }
0x42: {  	_ =	shalt  }
0x43: {  	_ =	shalt  }
0x44: {  	_ =	shalt  }
0x45: {  	_ =	shalt  }
0x46: {  	_ =	shalt  }
0x47: {  	_ =	shalt  }
0x48: {  	_ =	shalt  }
0x49: {  	_ =	shalt  }
0x4a: {  	_ =	shalt  }
0x4b: {  	_ =	shalt  }
0x4c: {  	_ =	shalt  }
0x4d: {  	_ =	shalt  }
0x4e: {  	_ =	shalt  }
0x4f: {  	_ =	shalt  }
0x50: {  	_ =	shalt  }
0x51: {  	_ =	shalt  }
0x52: {  	_ =	shalt  }
0x53: {  	_ =	shalt  }
0x54: {  	_ =	shalt  }
0x55: {  	_ =	shalt  }
0x56: {  	_ =	shalt  }
0x57: {  	_ =	shalt  }
0x58: {  	_ =	shalt  }
0x59: {  	_ =	shalt  }
0x5a: {  	_ =	shalt  }
0x5b: {  	_ =	shalt  }
0x5c: {  	_ =	shalt  }
0x5d: {  	_ =	shalt  }
0x5e: {  	_ =	shalt  }
0x5f: {  	_ =	shalt  }
0x60: {  	_ =	shalt  }
0x61: {  	_ =	shalt  }
0x62: {  	_ =	shalt  }
0x63: {  	_ =	shalt  }
0x64: {  	_ =	shalt  }
0x65: {  	_ =	shalt  }
0x66: {  	_ =	shalt  }
0x67: {  	_ =	shalt  }
0x68: {  	_ =	shalt  }
0x69: {  	_ =	shalt  }
0x6a: {  	_ =	shalt  }
0x6b: {  	_ =	shalt  }
0x6c: {  	_ =	shalt  }
0x6d: {  	_ =	shalt  }
0x6e: {  	_ =	shalt  }
0x6f: {  	_ =	shalt  }
0x70: {  	_ =	shalt  }
0x71: {  	_ =	shalt  }
0x72: {  	_ =	shalt  }
0x73: {  	_ =	shalt  }
0x74: {  	_ =	shalt  }
0x75: {  	_ =	shalt  }
0x76: {  	_ =	shalt  }
0x77: {  	_ =	shalt  }
0x78: {  	_ =	shalt  }
0x79: {  	_ =	shalt  }
0x7a: {  	_ =	shalt  }
0x7b: {  	_ =	shalt  }
0x7c: {  	_ =	shalt  }
0x7d: {  	_ =	shalt  }
0x7e: {  	_ =	shalt  }
0x7f: {  	_ =	shalt  }
0x80: {  	_ =	shalt  }
0x81: {  	_ =	shalt  }
0x82: {  	_ =	shalt  }
0x83: {  	_ =	shalt  }
0x84: {  	_ =	shalt  }
0x85: {  	_ =	shalt  }
0x86: {  	_ =	shalt  }
0x87: {  	_ =	shalt  }
.Lfunc_end0:
.L_simem_size_0:
called_computation.1_lowered:
.L_overlay_start_0:
0x88: {  	s2 =	sld [smem:$0x3FD9]  }
0x89: {  	s3 =	sld [smem:$0x3FFE];
	_ =	sdelay $0x1  }
0x8a: {  	s1 =	srdreg.scid  }
0x8b: {  	s0 =	sand.u32 $0x1, s1  }
0x8c: {  	s17 =	sshll.u32 s0, $0xA;
	s2 =	sadd.s32 s3, s2  }
0x8d: {  	s2 =	sadd.s32 s2, s17  }
0x8e: {  	[smem:$0x3FBE] =	sst s2  }
0x8f: {  	_ = 	snop  }
0x90: {  	s2 =	sld [smem:$0x3FD0];
	(tm) =	ssettm $0x1  }
0x91: {  	s18 =	sld [smem:$0x3FFB];
	_ =	sdelay $0x3  }
0x92: {  	_ =	strace s18  }
0x93: {  	s3 =	sld [smem:$0x3FFC];
	_ =	sdelay $0x3  }
0x94: {  	_ =	strace s3  }
0x95: {  	s3 =	sld [smem:$0x3FFD];
	_ =	sdelay $0x3  }
0x96: {  	_ =	strace s3  }
0x97: {  	_ =	strace $0x8FFFFFFF  }
0x98: {  	s19 =	sld [smem:$0x3FDB];
	_ =	sdelay $0x1  }
0x99: {  	s4 =	simm.s32 $_scs_section_size  }
0x9a: {  	s5 =	simm.s32 $_size__tile_overlayer_lowered;
	s6 =	simm.s32 $_tile_overlayer_lowered  }
0x9b: {  	s22 =	simm.s32 $0x1BFF;
	s21 =	sshll.u32 s6, $0x1;
	s3 =	sadd.s32 s4, s19  }
0x9c: {  	s7 =	simm.s32 $0x0;
	s20 =	sshll.u32 s5, $0x1;
	s5 =	sadd.s32 s21, s3  }
0x9d: {  	[timem:s7], [sflag:s22] =	dma.local [hbm:s5], s20  }
0x9e: {  	_ =	swait.ge [sflag:s22], s20  }
0x9f: {  	s4 =	ssub.s32 $0x0, s20;
	[sflag:s22] =	ssyncset.done $0x0  }
0xa0: {  	[sflag:s22] =	ssyncadd.s32 s4;
	_ =	sdelay $0x1  }
0xa1: {  	s23 =	simm.s32 $0x1B8B  }
0xa2: {  	_ =	swait.ge [sflag:s23], $0x1  }
0xa3: {  	[sflag:s23] =	ssyncset.done $0x0  }
0xa4: {  	s25 =	simm.s32 $0x1B8E;
	s24 =	sld [smem:$0x3FFE];
	[sflag:s23] =	ssyncadd.s32 $0xFFFFFFFF  }
0xa5: {  	s26 =	simm.s32 $execute0_lowered;
	[smem:$0x3FD2] =	sst s25  }
0xa6: {  	s5 =	sshll.u32 s26, $0x1;
	_ =	strace $0x80000049;
	[dreg:$0x1] =	wrdreg $0xFFFFFFFF  }
0xa7: {  	s28 =	simm.s32 $_size_execute0_lowered;
	s3 =	sadd.s32 s3, s5;
	[dreg:$0x0] =	wrdreg $0x0  }
0xa8: {  	s5 =	sshll.u32 s28, $0x1;
	[dreg:$0x2] =	wrdreg s3  }
0xa9: {  	[dreg:$0x3] =	wrdreg s5  }
0xaa: {  	[dreg:$0x4] =	wrdreg $0xC0  }
0xab: {  	_ =	task [dreg:s7], $0x5FFFF  }
0xac: {  	[dreg:$0x1] =	wrdreg $0xFFFFFFFF  }
0xad: {  	[dreg:$0x0] =	wrdreg $0x60  }
0xae: {  	[dreg:$0x2] =	wrdreg s24  }
0xaf: {  	[dreg:$0x3] =	wrdreg s2  }
0xb0: {  	[dreg:$0x4] =	wrdreg $0xEC400  }
0xb1: {  	[dreg:$0x5] =	wrdreg $0x9  }
0xb2: {  	_ =	task.clear_ibuf [dreg:s7], $0x6FFFF;
	_ =	strace $0x90000049  }
0xb3: {  	s29 =	simm.s32 $0x9;
	_ =	strace $0x8000004B  }
0xb4: {  	_ =	swait.ge [sflag:s29], $0x1  }
0xb5: {  	[sflag:s29] =	ssyncadd.s32 $0xFFFFFFFF  }
0xb6: {  	_ =	strace $0x9000004B  }
0xb7: {  	_ =	sfence  }
0xb8: {  	s30 =	sld [smem:$0x0];
	_ =	sdelay $0x2  }
0xb9: {  	s31 =	sshll.u32 s1, $0xD;
	s1 =	sshrl.u32 s1, $0x2  }
0xba: {  	s3 =	sand.u32 $0x4000, s31;
	s1 =	sadd.s32 s1, s30  }
0xbb: {  	s0 =	sor.u32 s3, s0;
	s1 =	sshll.u32 s1, $0x11  }
0xbc: {  	s0 =	sor.u32 s1, s0  }
0xbd: {  	s0 =	sadd.s32 $0x8F2B, s0  }
0xbe: {  	[sflag:s0] =	ssyncadd.remote.s32 $0x1  }
0xbf: {  	_ =	sfence.sel $0xFFFF  }
0xc0: {  	[dreg:$0x0] =	wrdreg $0xFFFFFFFF;
	(pc) =	sbr.abs _section_cstart, $3  }
0xc1: {  	[dreg:$0x1] =	wrdreg $0xFFFFFFFF  }
0xc2: {  	_ =	task.clear_ibuf [dreg:s7], $0x2FFFF;
	_ =	strace $0x9FFFFFFF  }
0xc3: {  	(tm) =	ssettm $0x7FFFFFFF  }
tec
execute0_lowered:
.L_overlay_start_1:
0x0: {  	(tag) =	ssettag $0x1  }
0x1: {  	s1 =	rddreg [dreg:$0x0]  }
0x2: {  	s0 =	srdreg.scid;
	s5 =	rddreg [dreg:$0x1]  }
0x3: {  	s12 =	stileid.u32;
	s2 =	rddreg [dreg:$0x2];
	s14 =	simm.s32 $0xB  }
0x4: {  	s17 =	simm.s32 $0x7D;
	s18 =	simm.s32 $0x5000;
	s20 =	simm.s32 $0x6F40  }
0x5: {  	s22 =	simm.s32 $0x8E80;
	s30 =	simm.s32 $0xCD00;
	s31 =	simm.s32 $0x3  }
0x6: {  	s21 =	simm.s32 $0x4;
	s28 =	simm.s32 $0x7;
	s19 =	simm.s32 $0x9  }
0x7: {  	s29 =	simm.s32 $0xA;
	s0 =	sand.u32 $0x1, s0;
	s7 =	smul.u32 $0x9C00, s12  }
0x8: {  	s23 =	sshll.u32 s12, $0x6;
	s15 =	sadd.s32 $0x9C000, s2;
	p0 =	sne.s32 s12, $0xF  }
0x9: {  	s3 =	sshll.u32 s0, $0x4;
	s8 =	ssub.s32 $0x2, s0;
	s0 =	smul.u32 $0x13880, s0  }
0xa: {  	s15 =	sshrl.u32 @!p0 s15, $0x3;
	s4 =	sor.u32 s12, s3;
	s3 =	simm.s32 $0x0  }
0xb: {  	s9 =	sshrl.u32 s7, $0x3;
	s10 =	sshrl.u32 s8, $0x1;
	s13 =	sadd.s32 s7, s2  }
0xc: {  	s7 =	sor.u32 $0x1C0B, s23;
	s23 =	simm.s32 $0x1;
	s6 =	smul.u32 $0x2800, s4  }
0xd: {  	[smem:$0x7FF] =	sst s3;
	s4 =	sadd.s32 $0x16C00, s1;
	s8 =	ssub.s32 s8, s10  }
0xe: {  	s11 =	sadd.s32 s5, s0;
	s13 =	sshrl.u32 s13, $0x3;
	s0 =	simm.s32 $0x6  }
0xf: {  	s5 =	simm.s32 $0x0;
	_ =	strace $0x8000004A;
	[dreg:$0x4] =	wrdreg s9  }
0x10: {  	s9 =	sadd.s32 s9, s1;
	s26 =	smax.u32 s8, $0x1;
	s6 =	sshrl.u32 s6, $0x3  }
.Ltmp0:
0x11: {  	s9 =	sadd.s32 $0x2A600, s9;
	[dreg:$0x9] =	wrdreg s26;
	(pc) =	sbr.rel .LBB2_1-.Ltmp0, $4  }
0x12: {  	s6 =	sadd.s32 s6, s1;
	[dreg:$0x5] =	wrdreg s9;
	s1 =	sadd.s32 $0x3DE00, s1  }
0x13: {  	s26 =	simm.s32 $0x2;
	[dreg:$0x6] =	wrdreg s1;
	s24 =	sadd.s32 $0xCC00, s6  }
0x14: {  	s25 =	sadd.s32 $0x2C00, s6;
	s1 =	simm.s32 $0x5;
	[dreg:$0x7] =	wrdreg s24  }
0x15: {  	[dreg:$0x8] =	wrdreg s25;
	s25 =	simm.s32 $0xADC0;
	s24 =	simm.s32 $0x8  }
.LBB2_4:
0x16: {  	_ =	swait.ge [sflag:s0], $0x1F40  }
0x17: {  	[sflag:s0] =	ssyncset.done $0x0  }
0x18: {  	[sflag:s0] =	ssyncadd.s32 $0xFFFFE0C0  }
0x19: {  	_ =	swait.ge [sflag:s28], $0x1F40  }
0x1a: {  	[sflag:s28] =	ssyncset.done $0x0  }
0x1b: {  	[sflag:s28] =	ssyncadd.s32 $0xFFFFE0C0  }
0x1c: {  	_ =	swait.ge [sflag:s24], $0x1F40  }
0x1d: {  	[sflag:s24] =	ssyncset.done $0x0  }
0x1e: {  	[sflag:s24] =	ssyncadd.s32 $0xFFFFE0C0  }
0x1f: {  	_ =	swait.ge [sflag:s19], $0x1F40  }
0x20: {  	[sflag:s19] =	ssyncset.done $0x0  }
0x21: {  	[sflag:s19] =	ssyncadd.s32 $0xFFFFE0C0  }
0x22: {  	_ =	swait.ge [sflag:s29], $0x1F40  }
0x23: {  	[sflag:s29] =	ssyncset.done $0x0  }
0x24: {  	[sflag:s29] =	ssyncadd.s32 $0xFFFFE0C0  }
0x25: {  	[bflag:$0x0] =	sbarrier.arrive $0xFFFF  }
0x26: {  	s6 =	rddreg [dreg:$0x4]  }
0x27: {  	s6 =	sadd.s32 s6, s11  }
0x28: {  	[hbm:s6], [sflag:s7] =	dma.local [spmem:s13], $0x1380  }
0x29: {  	_ =	swait.ge [sflag:s14], $0x1380  }
0x2a: {  	[sflag:s14] =	ssyncset.done $0x0  }
0x2b: {  	s6 =	sadd.s32 @!p0 $0x13800, s11;
	[sflag:s14] =	ssyncadd.s32 $0xFFFFEC80  }
0x2c: {  	[hbm:s6], [sflag:s7] =	dma.local @!p0 [spmem:s15], $0x80  }
0x2d: {  	s6 =	simm.s32 @!p0 $0xB  }
0x2e: {  	_ =	swait.ge @!p0 [sflag:s6], $0x80  }
0x2f: {  	s5 =	sadd.s32 $0x1, s5;
	s8 =	rddreg [dreg:$0x9]  }
0x30: {  	p1 =	sne.s32 s5, s8  }
.Ltmp1:
0x31: {  	_ = 	snop;
	(pc) =	sbr.rel @!p1 .LBB2_5-.Ltmp1, $3  }
0x32: {  	_ =	sdelay $0x1  }
0x33: {  	[sflag:s6] =	ssyncset.done @!p0 $0x0  }
0x34: {  	[sflag:s6] =	ssyncadd.s32 @!p0 $0xFFFFFF80  }
.LBB2_1:
0x35: {  	s6 =	rddreg [dreg:$0x5]  }
0x36: {  	[spmem:s13], [sflag:s7] =	dma.local [hbm:s6], $0x1380  }
0x37: {  	_ =	swait.ge [sflag:s14], $0x1380  }
0x38: {  	[sflag:s14] =	ssyncset.done $0x0  }
0x39: {  	s6 =	rddreg [dreg:$0x6];
	[sflag:s14] =	ssyncadd.s32 $0xFFFFEC80  }
0x3a: {  	[spmem:s15], [sflag:s7] =	dma.local @!p0 [hbm:s6], $0x80  }
0x3b: {  	s6 =	simm.s32 @!p0 $0xB  }
0x3c: {  	_ =	swait.ge @!p0 [sflag:s6], $0x80  }
0x3d: {  	[sflag:s6] =	ssyncset.done @!p0 $0x0  }
0x3e: {  	s9 =	rddreg [dreg:$0x7];
	[sflag:s6] =	ssyncadd.s32 @!p0 $0xFFFFFF80  }
0x3f: {  	[tilespmem:s3], [sflag:$0xB] =	stream.linear.gather [hbm4b:s9+s3], $0x2800, $0x38;
	[tilespmem:$0x18880] =	vst v63  }
0x40: {  	_ =	swait.ge [sflag:s14], $0x2800  }
0x41: {  	[sflag:s14] =	ssyncset.done $0x0  }
0x42: {  	s8 =	simm.s32 $0x2800;
	s10 =	rddreg [dreg:$0x8];
	[sflag:s14] =	ssyncadd.s32 $0xFFFFD800  }
0x43: {  	[tilespmem:s8], [sflag:$0xB] =	stream.linear.gather [hbm4b:s10+s3], $0x2800, $0x38;
	[tilespmem:$0x18880] =	vst v63  }
0x44: {  	_ =	swait.ge [sflag:s14], $0x2800  }
0x45: {  	[sflag:s14] =	ssyncset.done $0x0  }
0x46: {  	[sflag:s14] =	ssyncadd.s32 $0xFFFFD800  }
0x47: {  	[bflag:$0x0] =	sbarrier.arrive $0xFFFF  }
0x48: {  	[tilespmem:s18], [sflag:$0x1] =	stream.indirect.gather [hbm4b:s4+s17], $0x40, s3, s17, $0xb8;
	[tilespmem:$0x18880] =	vst v63  }
0x49: {  	s12 =	simm.s32 $0x80  }
0x4a: {  	[tilespmem:s20], [sflag:$0x2] =	stream.indirect.gather [hbm4b:s4+s17], $0x40, s12, s17, $0xb8;
	[tilespmem:$0x18880] =	vst v63  }
0x4b: {  	s16 =	simm.s32 $0x100  }
0x4c: {  	[tilespmem:s22], [sflag:$0x3] =	stream.indirect.gather [hbm4b:s4+s17], $0x40, s16, s17, $0xb8;
	[tilespmem:$0x18880] =	vst v63  }
0x4d: {  	_ =	swait.ge [sflag:s23], $0x1F40  }
0x4e: {  	[sflag:s23] =	ssyncset.done $0x0  }
0x4f: {  	[sflag:s23] =	ssyncadd.s32 $0xFFFFE0C0  }
0x50: {  	[spmem:s2] =	stream.indirect.scatter.add.f32 [tilespmem:s18], [sflag:$0x6], $0x40, s8, s17, $0xb8;
	[tilespmem:$0x18880] =	vst v63  }
0x51: {  	s9 =	simm.s32 $0x180  }
0x52: {  	[tilespmem:s25], [sflag:$0x4] =	stream.indirect.gather [hbm4b:s4+s17], $0x40, s9, s17, $0xb8;
	[tilespmem:$0x18880] =	vst v63  }
0x53: {  	_ =	swait.ge [sflag:s26], $0x1F40  }
0x54: {  	[sflag:s26] =	ssyncset.done $0x0  }
0x55: {  	s10 =	simm.s32 $0x2880;
	[sflag:s26] =	ssyncadd.s32 $0xFFFFE0C0  }
0x56: {  	[spmem:s2] =	stream.indirect.scatter.add.f32 [tilespmem:s20], [sflag:$0x7], $0x40, s10, s17, $0xb8;
	[tilespmem:$0x18880] =	vst v63  }
0x57: {  	s12 =	simm.s32 $0x200  }
0x58: {  	[tilespmem:s30], [sflag:$0x5] =	stream.indirect.gather [hbm4b:s4+s17], $0x40, s12, s17, $0xb8;
	[tilespmem:$0x18880] =	vst v63  }
0x59: {  	_ =	swait.ge [sflag:s31], $0x1F40  }
0x5a: {  	[sflag:s31] =	ssyncset.done $0x0  }
0x5b: {  	s16 =	simm.s32 $0x2900;
	[sflag:s31] =	ssyncadd.s32 $0xFFFFE0C0  }
0x5c: {  	[spmem:s2] =	stream.indirect.scatter.add.f32 [tilespmem:s22], [sflag:$0x8], $0x40, s16, s17, $0xb8;
	[tilespmem:$0x18880] =	vst v63  }
0x5d: {  	_ =	swait.ge [sflag:s0], $0x1F40  }
0x5e: {  	[sflag:s0] =	ssyncset.done $0x0  }
0x5f: {  	s8 =	simm.s32 $0x280;
	[sflag:s0] =	ssyncadd.s32 $0xFFFFE0C0  }
0x60: {  	[tilespmem:s18], [sflag:$0x1] =	stream.indirect.gather [hbm4b:s4+s17], $0x40, s8, s17, $0xb8;
	[tilespmem:$0x18880] =	vst v63  }
0x61: {  	_ =	swait.ge [sflag:s21], $0x1F40  }
0x62: {  	[sflag:s21] =	ssyncset.done $0x0  }
0x63: {  	s9 =	simm.s32 $0x2980;
	[sflag:s21] =	ssyncadd.s32 $0xFFFFE0C0  }
0x64: {  	[spmem:s2] =	stream.indirect.scatter.add.f32 [tilespmem:s25], [sflag:$0x9], $0x40, s9, s17, $0xb8;
	[tilespmem:$0x18880] =	vst v63  }
0x65: {  	_ =	swait.ge [sflag:s28], $0x1F40  }
0x66: {  	[sflag:s28] =	ssyncset.done $0x0  }
0x67: {  	s10 =	simm.s32 $0x300;
	[sflag:s28] =	ssyncadd.s32 $0xFFFFE0C0  }
0x68: {  	[tilespmem:s20], [sflag:$0x2] =	stream.indirect.gather [hbm4b:s4+s17], $0x40, s10, s17, $0xb8;
	[tilespmem:$0x18880] =	vst v63  }
0x69: {  	_ =	swait.ge [sflag:s1], $0x1F40  }
0x6a: {  	[sflag:s1] =	ssyncset.done $0x0  }
0x6b: {  	s12 =	simm.s32 $0x2A00;
	[sflag:s1] =	ssyncadd.s32 $0xFFFFE0C0  }
0x6c: {  	[spmem:s2] =	stream.indirect.scatter.add.f32 [tilespmem:s30], [sflag:$0xA], $0x40, s12, s17, $0xb8;
	[tilespmem:$0x18880] =	vst v63  }
0x6d: {  	_ =	swait.ge [sflag:s24], $0x1F40  }
0x6e: {  	[sflag:s24] =	ssyncset.done $0x0  }
0x6f: {  	s6 =	simm.s32 $0x0;
	s16 =	simm.s32 $0x380;
	[sflag:s24] =	ssyncadd.s32 $0xFFFFE0C0  }
0x70: {  	[tilespmem:s22], [sflag:$0x3] =	stream.indirect.gather [hbm4b:s4+s17], $0x40, s16, s17, $0xb8;
	[tilespmem:$0x18880] =	vst v63  }
.LBB2_2:
0x71: {  	_ =	swait.ge [sflag:s23], $0x1F40  }
0x72: {  	s8 =	sshra.s32 s6, $0x2;
	[sflag:s23] =	ssyncset.done $0x0  }
0x73: {  	s9 =	sadd.s32 $0x2A80, s8;
	[sflag:s23] =	ssyncadd.s32 $0xFFFFE0C0  }
0x74: {  	[spmem:s2] =	stream.indirect.scatter.add.f32 [tilespmem:s18], [sflag:$0x6], $0x40, s9, s17, $0xb8;
	[tilespmem:$0x18880] =	vst v63  }
0x75: {  	_ =	swait.ge [sflag:s19], $0x1F40  }
0x76: {  	[sflag:s19] =	ssyncset.done $0x0  }
0x77: {  	s12 =	sadd.s32 $0x400, s8;
	[sflag:s19] =	ssyncadd.s32 $0xFFFFE0C0  }
0x78: {  	[tilespmem:s25], [sflag:$0x4] =	stream.indirect.gather [hbm4b:s4+s17], $0x40, s12, s17, $0xb8;
	[tilespmem:$0x18880] =	vst v63  }
0x79: {  	_ =	swait.ge [sflag:s26], $0x1F40  }
0x7a: {  	[sflag:s26] =	ssyncset.done $0x0  }
0x7b: {  	s16 =	sadd.s32 $0x2B00, s8;
	[sflag:s26] =	ssyncadd.s32 $0xFFFFE0C0  }
0x7c: {  	[spmem:s2] =	stream.indirect.scatter.add.f32 [tilespmem:s20], [sflag:$0x7], $0x40, s16, s17, $0xb8;
	[tilespmem:$0x18880] =	vst v63  }
0x7d: {  	_ =	swait.ge [sflag:s29], $0x1F40  }
0x7e: {  	[sflag:s29] =	ssyncset.done $0x0  }
0x7f: {  	s10 =	sadd.s32 $0x480, s8;
	[sflag:s29] =	ssyncadd.s32 $0xFFFFE0C0  }
0x80: {  	[tilespmem:s30], [sflag:$0x5] =	stream.indirect.gather [hbm4b:s4+s17], $0x40, s10, s17, $0xb8;
	[tilespmem:$0x18880] =	vst v63  }
0x81: {  	_ =	swait.ge [sflag:s31], $0x1F40  }
0x82: {  	p1 =	seq.s32 s6, $0x8C00;
	[sflag:s31] =	ssyncset.done $0x0  }
0x83: {  	s9 =	simm.s32 @p1 $0x4;
	s12 =	sadd.s32 $0x2B80, s8;
	[sflag:s31] =	ssyncadd.s32 $0xFFFFE0C0  }
0x84: {  	[spmem:s2] =	stream.indirect.scatter.add.f32 [tilespmem:s22], [sflag:$0x8], $0x40, s12, s17, $0xb8;
	[tilespmem:$0x18880] =	vst v63  }
0x85: {  	_ =	swait.ge @p1 [sflag:s9], $0x1F40  }
0x86: {  	[sflag:s9] =	ssyncset.done @p1 $0x0  }
0x87: {  	[sflag:s9] =	ssyncadd.s32 @p1 $0xFFFFE0C0;
	s9 =	sshra.s32 @p1 s6, $0x2  }
0x88: {  	s10 =	simm.s32 @p1 $0x7D;
	s12 =	simm.s32 @p1 $0xADC0;
	s9 =	sadd.s32 @p1 $0x2C00, s9  }
0x89: {  	[spmem:s2] =	stream.indirect.scatter.add.f32 @p1 [tilespmem:s12], [sflag:$0x9], $0x40, s9, s10, $0xb8;
	[tilespmem:$0x18880] =	vst v63  }
0x8a: {  	s9 =	simm.s32 @!p1 $0x6  }
0x8b: {  	_ =	swait.ge @!p1 [sflag:s9], $0x1F40  }
0x8c: {  	[sflag:s9] =	ssyncset.done @!p1 $0x0  }
0x8d: {  	[sflag:s9] =	ssyncadd.s32 @!p1 $0xFFFFE0C0;
	s9 =	sshra.s32 @!p1 s6, $0x2  }
0x8e: {  	s16 =	simm.s32 @!p1 $0x5000;
	s12 =	simm.s32 @!p1 $0x7D;
	s10 =	sadd.s32 @!p1 $0x500, s9  }
0x8f: {  	[tilespmem:s16], [sflag:$0x1] =	stream.indirect.gather @!p1 [hbm4b:s4+s12], $0x40, s10, s12, $0xb8;
	[tilespmem:$0x18880] =	vst v63  }
0x90: {  	s10 =	simm.s32 @!p1 $0x4  }
0x91: {  	_ =	swait.ge @!p1 [sflag:s10], $0x1F40  }
0x92: {  	[sflag:s10] =	ssyncset.done @!p1 $0x0  }
0x93: {  	s16 =	simm.s32 @!p1 $0xADC0;
	[sflag:s10] =	ssyncadd.s32 @!p1 $0xFFFFE0C0;
	s10 =	sadd.s32 @!p1 $0x2C00, s9  }
0x94: {  	[spmem:s2] =	stream.indirect.scatter.add.f32 @!p1 [tilespmem:s16], [sflag:$0x9], $0x40, s10, s12, $0xb8;
	[tilespmem:$0x18880] =	vst v63  }
0x95: {  	s10 =	simm.s32 @!p1 $0x7  }
0x96: {  	_ =	swait.ge @!p1 [sflag:s10], $0x1F40  }
0x97: {  	[sflag:s10] =	ssyncset.done @!p1 $0x0  }
0x98: {  	s9 =	sadd.s32 @!p1 $0x580, s9;
	[sflag:s10] =	ssyncadd.s32 @!p1 $0xFFFFE0C0;
	s10 =	simm.s32 @!p1 $0x6F40  }
0x99: {  	[tilespmem:s10], [sflag:$0x2] =	stream.indirect.gather @!p1 [hbm4b:s4+s12], $0x40, s9, s12, $0xb8;
	[tilespmem:$0x18880] =	vst v63  }
.Ltmp2:
0x9a: {  	_ = 	snop;
	(pc) =	sbr.rel @p1 .LBB2_4-.Ltmp2, $4  }
0x9b: {  	_ =	swait.ge [sflag:s1], $0x1F40  }
0x9c: {  	[sflag:s1] =	ssyncset.done $0x0  }
0x9d: {  	s16 =	sadd.s32 $0x2C80, s8;
	[sflag:s1] =	ssyncadd.s32 $0xFFFFE0C0  }
0x9e: {  	[spmem:s2] =	stream.indirect.scatter.add.f32 [tilespmem:s30], [sflag:$0xA], $0x40, s16, s17, $0xb8;
	[tilespmem:$0x18880] =	vst v63  }
.Ltmp3:
0x9f: {  	(pc) =	sbr.rel .LBB2_2-.Ltmp3, $4  }
0xa0: {  	_ =	swait.ge [sflag:s24], $0x1F40  }
0xa1: {  	[sflag:s24] =	ssyncset.done $0x0  }
0xa2: {  	s8 =	sadd.s32 $0x600, s8;
	s6 =	sadd.s32 $0xA00, s6;
	[sflag:s24] =	ssyncadd.s32 $0xFFFFE0C0  }
0xa3: {  	[tilespmem:s22], [sflag:$0x3] =	stream.indirect.gather [hbm4b:s4+s17], $0x40, s8, s17, $0xb8;
	[tilespmem:$0x18880] =	vst v63  }
.LBB2_5:
0xa4: {  	_ =	sfence.sel $0x180000  }
0xa5: {  	[bflag:$0x0] =	sbarrier.arrive $0xFFFF  }
0xa6: {  	_ =	strace $0x9000004A  }
0xa7: {  	s0 =	stileid.u32;
	[bflag:$0x2] =	sbarrier.arrive $0xFFFF  }
0xa8: {  	p0 =	sne.s32 s0, $0x0;
	s0 =	rddreg [dreg:$0x3]  }
0xa9: {  	s0 =	sadd.s32 @!p0 $0x100000, s0  }
0xaa: {  	[sflag:s0] =	ssyncadd.tile.s32 @!p0 $0x1;
	_ =	shalt  }
.Lfunc_end2:
_tile_overlayer_lowered:
.L_overlay_start_2:
0xab: {  	(tag) =	ssettag $0x2  }
0xac: {  	s0 =	rddreg [dreg:$0x0];
	s2 =	stileid.u32  }
0xad: {  	s1 =	rddreg [dreg:$0x1];
	p0 =	sne.s32 s2, $0x0  }
0xae: {  	s3 =	rddreg [dreg:$0x2];
	[bflag:$0x3] =	sbarrier.arrive $0xFFFF;
	s2 =	simm.s32 @!p0 $0x1C0B  }
0xaf: {  	[timem:s3], [sflag:s2] =	dma.local @!p0 [hbm:s0], s1  }
0xb0: {  	s0 =	simm.s32 @!p0 $0xB  }
0xb1: {  	_ =	swait.ge @!p0 [sflag:s0], s1  }
0xb2: {  	s1 =	ssub.s32 @!p0 $0x0, s1;
	[sflag:s0] =	ssyncset.done @!p0 $0x0  }
0xb3: {  	[sflag:s0] =	ssyncadd.s32 @!p0 s1  }
0xb4: {  	[bflag:$0x3] =	sbarrier.arrive $0xFFFF  }
0xb5: {  	_ =	shalt  }

// kernel: kernel.17.cloned.1.call-start
scs
__scs_entry_jumppad:
0x0: {  	(pc) =	sbr.rel $0x88, $3  }
0x1: {  	(tag) =	ssettag $0x0;
	lr =	simm.s32 $0x1  }
0x2: {  	[smem:$0x3F97] =	sst lr;
	_ =	strace $0xD0000000  }
0x3: {  	_ = 	snop  }
0x4: {  	_ = 	snop  }
0x5: {  	_ = 	snop  }
0x6: {  	_ = 	snop  }
0x7: {  	_ = 	snop  }
__scs_overlays_trampoline_lowered:
0x8: {  	[smem:$0x3FA6] =	sst s0  }
0x9: {  	[smem:$0x3FA7] =	sst s1  }
0xa: {  	[smem:$0x3FA8] =	sst s2  }
0xb: {  	[smem:$0x3FA9] =	sst s3  }
0xc: {  	[smem:$0x3FAA] =	sst s4  }
0xd: {  	[smem:$0x3FAB] =	sst s5  }
0xe: {  	[smem:$0x3FAC] =	sst s6  }
0xf: {  	[smem:$0x3FAD] =	sst s7  }
0x10: {  	[smem:$0x3FAE] =	sst s8  }
0x11: {  	[smem:$0x3FAF] =	sst s9;
	s0 =	simm.s32 @!p0 $0x0  }
0x12: {  	s1 =	sld [smem:$0x3F95];
	s0 =	simm.s32 @p0 $0x1  }
0x13: {  	[smem:$0x3FB0] =	sst s0;
	s0 =	simm.s32 @!p1 $0x0  }
0x14: {  	s2 =	sld [smem:$0x3F94];
	s0 =	simm.s32 @p1 $0x1  }
0x15: {  	[smem:$0x3FB1] =	sst s0;
	s0 =	simm.s32 @!p2 $0x0  }
0x16: {  	s3 =	sld [smem:$0x3FDB];
	s0 =	simm.s32 @p2 $0x1  }
0x17: {  	s4 =	simm.s32 $0x1BF5;
	[smem:$0x3FB3] =	sst s0  }
0x18: {  	s0 =	sld [smem:$0x3F96];
	_ =	swait.ge [sflag:s4], $0x0  }
0x19: {  	s7 =	sld [smem:$0x3F97]  }
0x1a: {  	s8 =	sadd.s32 $0xFFFFE003, lr  }
0x1b: {  	s9 =	sadd.s32 $0xFFFFFEF7, lr;
	s5 =	simm.s32 $0xFFFFFFFF;
	p2 =	slt.u32 s8, $0xFFFFF086  }
0x1c: {  	p1 =	slt.u32 s9, $0xF7A;
	s5 =	simm.s32 @!p2 $0x0  }
0x1d: {  	s5 =	simm.s32 @p1 $0x1;
	p0 =	seq.s32 s7, s2  }
0x1e: {  	s7 =	smul.u32 @!p0 $0xF7A, s2;
	p2 =	seq.s32 @!p0 s5, $0x0  }
0x1f: {  	s9 =	smul.u32 $0xF7A, s1;
	s8 =	simm.s32 @!p0 $0x1BF5;
	p2 =	por !p2, p0  }
0x20: {  	[sflag:s8] =	ssyncset.s32 @!p0 $0xFFFFF086;
	s6 =	sadd.s32 @!p0 s3, s7;
	s7 =	simm.s32 @!p0 $0x108  }
0x21: {  	s3 =	sadd.s32 s3, s9;
	s6 =	sadd.s32 @!p0 $0x88, s6;
	s7 =	simm.s32 @p2 $0x1082  }
0x22: {  	[simem:s7], [sflag:s8] =	dma.local @!p0 [hbm:s6], $0xF7A  }
0x23: {  	s9 =	sor.u32 $0xD0000000, s2;
	s6 =	simm.s32 $0x108;
	_ =	swait.ge @!p0 [sflag:s8], $0x0  }
0x24: {  	s3 =	sadd.s32 $0x88, s3;
	s6 =	simm.s32 @!p1 $0x1082;
	[sflag:s4] =	ssyncset.s32 $0xFFFFF086  }
0x25: {  	[simem:s6], [sflag:s4] =	dma.local [hbm:s3], $0xF7A  }
0x26: {  	[smem:$0x3F97] =	sst s1;
	(tag) =	ssettag s2;
	_ =	strace s9  }
0x27: {  	s1 =	sld [smem:$0x3FA7]  }
0x28: {  	s2 =	sld [smem:$0x3FA8]  }
0x29: {  	s4 =	sld [smem:$0x3FAA]  }
0x2a: {  	p0 =	seq.s32 s5, $0x0;
	s5 =	sld [smem:$0x3FAB]  }
0x2b: {  	s6 =	sld [smem:$0x3FAC]  }
0x2c: {  	s7 =	sld [smem:$0x3FAD]  }
0x2d: {  	s3 =	simm.s32 $0x108;
	s8 =	sld [smem:$0x3FAE]  }
0x2e: {  	s3 =	simm.s32 @!p0 $0x1082;
	s9 =	sld [smem:$0x3FAF]  }
0x2f: {  	lr =	sadd.s32 s0, s3;
	s0 =	sld [smem:$0x3FA6]  }
0x30: {  	s3 =	sld [smem:$0x3FA9]  }
0x31: {  	[smem:$0x3FB2] =	sst s10  }
0x32: {  	s10 =	sld [smem:$0x3FB0];
	_ =	sdelay $0x3  }
0x33: {  	p0 =	seq.s32 s10, $0x1;
	s10 =	sld [smem:$0x3FB2];
	_ =	sdelay $0x3  }
0x34: {  	[smem:$0x3FB2] =	sst s10  }
0x35: {  	s10 =	sld [smem:$0x3FB1];
	_ =	sdelay $0x3  }
0x36: {  	p1 =	seq.s32 s10, $0x1;
	s10 =	sld [smem:$0x3FB2];
	_ =	sdelay $0x3  }
0x37: {  	[smem:$0x3FB2] =	sst s10  }
0x38: {  	s10 =	sld [smem:$0x3FB3]  }
0x39: {  	_ = 	snop;
	(pc) =	sbr.ind lr, $3  }
0x3a: {  	_ = 	snop  }
0x3b: {  	_ = 	snop  }
0x3c: {  	p2 =	seq.s32 s10, $0x1;
	s10 =	sld [smem:$0x3FB2]  }
0x3d: {  	_ =	shalt  }
0x3e: {  	_ =	shalt  }
0x3f: {  	_ =	shalt  }
0x40: {  	_ =	shalt  }
0x41: {  	_ =	shalt  }
0x42: {  	_ =	shalt  }
0x43: {  	_ =	shalt  }
0x44: {  	_ =	shalt  }
0x45: {  	_ =	shalt  }
0x46: {  	_ =	shalt  }
0x47: {  	_ =	shalt  }
0x48: {  	_ =	shalt  }
0x49: {  	_ =	shalt  }
0x4a: {  	_ =	shalt  }
0x4b: {  	_ =	shalt  }
0x4c: {  	_ =	shalt  }
0x4d: {  	_ =	shalt  }
0x4e: {  	_ =	shalt  }
0x4f: {  	_ =	shalt  }
0x50: {  	_ =	shalt  }
0x51: {  	_ =	shalt  }
0x52: {  	_ =	shalt  }
0x53: {  	_ =	shalt  }
0x54: {  	_ =	shalt  }
0x55: {  	_ =	shalt  }
0x56: {  	_ =	shalt  }
0x57: {  	_ =	shalt  }
0x58: {  	_ =	shalt  }
0x59: {  	_ =	shalt  }
0x5a: {  	_ =	shalt  }
0x5b: {  	_ =	shalt  }
0x5c: {  	_ =	shalt  }
0x5d: {  	_ =	shalt  }
0x5e: {  	_ =	shalt  }
0x5f: {  	_ =	shalt  }
0x60: {  	_ =	shalt  }
0x61: {  	_ =	shalt  }
0x62: {  	_ =	shalt  }
0x63: {  	_ =	shalt  }
0x64: {  	_ =	shalt  }
0x65: {  	_ =	shalt  }
0x66: {  	_ =	shalt  }
0x67: {  	_ =	shalt  }
0x68: {  	_ =	shalt  }
0x69: {  	_ =	shalt  }
0x6a: {  	_ =	shalt  }
0x6b: {  	_ =	shalt  }
0x6c: {  	_ =	shalt  }
0x6d: {  	_ =	shalt  }
0x6e: {  	_ =	shalt  }
0x6f: {  	_ =	shalt  }
0x70: {  	_ =	shalt  }
0x71: {  	_ =	shalt  }
0x72: {  	_ =	shalt  }
0x73: {  	_ =	shalt  }
0x74: {  	_ =	shalt  }
0x75: {  	_ =	shalt  }
0x76: {  	_ =	shalt  }
0x77: {  	_ =	shalt  }
0x78: {  	_ =	shalt  }
0x79: {  	_ =	shalt  }
0x7a: {  	_ =	shalt  }
0x7b: {  	_ =	shalt  }
0x7c: {  	_ =	shalt  }
0x7d: {  	_ =	shalt  }
0x7e: {  	_ =	shalt  }
0x7f: {  	_ =	shalt  }
0x80: {  	_ =	shalt  }
0x81: {  	_ =	shalt  }
0x82: {  	_ =	shalt  }
0x83: {  	_ =	shalt  }
0x84: {  	_ =	shalt  }
0x85: {  	_ =	shalt  }
0x86: {  	_ =	shalt  }
0x87: {  	_ =	shalt  }
.Lfunc_end0:
.L_simem_size_0:
called_computation.2_lowered:
.L_overlay_start_0:
0x88: {  	s2 =	sld [smem:$0x3FD9]  }
0x89: {  	s3 =	sld [smem:$0x3FFE];
	_ =	sdelay $0x1  }
0x8a: {  	s1 =	srdreg.scid  }
0x8b: {  	s0 =	sand.u32 $0x1, s1  }
0x8c: {  	s17 =	sshll.u32 s0, $0xA;
	s2 =	sadd.s32 s3, s2  }
0x8d: {  	s2 =	sadd.s32 s2, s17  }
0x8e: {  	[smem:$0x3FBE] =	sst s2  }
0x8f: {  	_ = 	snop  }
0x90: {  	s2 =	sld [smem:$0x3FD0];
	(tm) =	ssettm $0x1  }
0x91: {  	s18 =	sld [smem:$0x3FFB];
	_ =	sdelay $0x3  }
0x92: {  	_ =	strace s18  }
0x93: {  	s3 =	sld [smem:$0x3FFC];
	_ =	sdelay $0x3  }
0x94: {  	_ =	strace s3  }
0x95: {  	s3 =	sld [smem:$0x3FFD];
	_ =	sdelay $0x3  }
0x96: {  	_ =	strace s3  }
0x97: {  	_ =	strace $0x8FFFFFFF  }
0x98: {  	s19 =	sld [smem:$0x3FDB];
	_ =	sdelay $0x1  }
0x99: {  	s4 =	simm.s32 $_scs_section_size  }
0x9a: {  	s5 =	simm.s32 $_size__tile_overlayer_lowered;
	s6 =	simm.s32 $_tile_overlayer_lowered  }
0x9b: {  	s22 =	simm.s32 $0x1BFF;
	s21 =	sshll.u32 s6, $0x1;
	s3 =	sadd.s32 s4, s19  }
0x9c: {  	s7 =	simm.s32 $0x0;
	s20 =	sshll.u32 s5, $0x1;
	s5 =	sadd.s32 s21, s3  }
0x9d: {  	[timem:s7], [sflag:s22] =	dma.local [hbm:s5], s20  }
0x9e: {  	_ =	swait.ge [sflag:s22], s20  }
0x9f: {  	s4 =	ssub.s32 $0x0, s20;
	[sflag:s22] =	ssyncset.done $0x0  }
0xa0: {  	[sflag:s22] =	ssyncadd.s32 s4;
	_ =	sdelay $0x1  }
0xa1: {  	s23 =	simm.s32 $0x1B8B  }
0xa2: {  	_ =	swait.ge [sflag:s23], $0x1  }
0xa3: {  	[sflag:s23] =	ssyncset.done $0x0  }
0xa4: {  	s25 =	simm.s32 $0x1B8E;
	s24 =	sld [smem:$0x3FFE];
	[sflag:s23] =	ssyncadd.s32 $0xFFFFFFFF  }
0xa5: {  	s26 =	simm.s32 $execute0_lowered;
	[smem:$0x3FD2] =	sst s25  }
0xa6: {  	s5 =	sshll.u32 s26, $0x1;
	_ =	strace $0x8000004C;
	[dreg:$0x1] =	wrdreg $0xFFFFFFFF  }
0xa7: {  	s28 =	simm.s32 $_size_execute0_lowered;
	s3 =	sadd.s32 s3, s5;
	[dreg:$0x0] =	wrdreg $0x0  }
0xa8: {  	s5 =	sshll.u32 s28, $0x1;
	[dreg:$0x2] =	wrdreg s3  }
0xa9: {  	[dreg:$0x3] =	wrdreg s5  }
0xaa: {  	[dreg:$0x4] =	wrdreg $0xC0  }
0xab: {  	_ =	task [dreg:s7], $0x5FFFF  }
0xac: {  	[dreg:$0x1] =	wrdreg $0xFFFFFFFF  }
0xad: {  	[dreg:$0x0] =	wrdreg $0x60  }
0xae: {  	[dreg:$0x2] =	wrdreg s24  }
0xaf: {  	[dreg:$0x3] =	wrdreg s2  }
0xb0: {  	[dreg:$0x4] =	wrdreg $0xEC400  }
0xb1: {  	[dreg:$0x5] =	wrdreg $0x9  }
0xb2: {  	_ =	task.clear_ibuf [dreg:s7], $0x6FFFF;
	_ =	strace $0x9000004C  }
0xb3: {  	s29 =	simm.s32 $0x9;
	_ =	strace $0x8000004E  }
0xb4: {  	_ =	swait.ge [sflag:s29], $0x1  }
0xb5: {  	[sflag:s29] =	ssyncadd.s32 $0xFFFFFFFF  }
0xb6: {  	_ =	strace $0x9000004E  }
0xb7: {  	_ =	sfence  }
0xb8: {  	s30 =	sld [smem:$0x0];
	_ =	sdelay $0x2  }
0xb9: {  	s31 =	sshll.u32 s1, $0xD;
	s1 =	sshrl.u32 s1, $0x2  }
0xba: {  	s3 =	sand.u32 $0x4000, s31;
	s1 =	sadd.s32 s1, s30  }
0xbb: {  	s0 =	sor.u32 s3, s0;
	s1 =	sshll.u32 s1, $0x11  }
0xbc: {  	s0 =	sor.u32 s1, s0  }
0xbd: {  	s0 =	sadd.s32 $0x8F2B, s0  }
0xbe: {  	[sflag:s0] =	ssyncadd.remote.s32 $0x1  }
0xbf: {  	_ =	sfence.sel $0xFFFF  }
0xc0: {  	[dreg:$0x0] =	wrdreg $0xFFFFFFFF;
	(pc) =	sbr.abs _section_cstart, $3  }
0xc1: {  	[dreg:$0x1] =	wrdreg $0xFFFFFFFF  }
0xc2: {  	_ =	task.clear_ibuf [dreg:s7], $0x2FFFF;
	_ =	strace $0x9FFFFFFF  }
0xc3: {  	(tm) =	ssettm $0x7FFFFFFF  }
tec
execute0_lowered:
.L_overlay_start_1:
0x0: {  	(tag) =	ssettag $0x1  }
0x1: {  	s1 =	rddreg [dreg:$0x0]  }
0x2: {  	s0 =	srdreg.scid;
	s5 =	rddreg [dreg:$0x1]  }
0x3: {  	s12 =	stileid.u32;
	s2 =	rddreg [dreg:$0x2];
	s14 =	simm.s32 $0xB  }
0x4: {  	s17 =	simm.s32 $0x7D;
	s18 =	simm.s32 $0x5000;
	s20 =	simm.s32 $0x6F40  }
0x5: {  	s22 =	simm.s32 $0x8E80;
	s30 =	simm.s32 $0xCD00;
	s31 =	simm.s32 $0x3  }
0x6: {  	s21 =	simm.s32 $0x4;
	s28 =	simm.s32 $0x7;
	s19 =	simm.s32 $0x9  }
0x7: {  	s29 =	simm.s32 $0xA;
	s0 =	sand.u32 $0x1, s0;
	s7 =	smul.u32 $0x9C00, s12  }
0x8: {  	s23 =	sshll.u32 s12, $0x6;
	s15 =	sadd.s32 $0x9C000, s2;
	p0 =	sne.s32 s12, $0xF  }
0x9: {  	s3 =	sshll.u32 s0, $0x4;
	s8 =	ssub.s32 $0x2, s0;
	s0 =	smul.u32 $0x13880, s0  }
0xa: {  	s15 =	sshrl.u32 @!p0 s15, $0x3;
	s4 =	sor.u32 s12, s3;
	s3 =	simm.s32 $0x0  }
0xb: {  	s9 =	sshrl.u32 s7, $0x3;
	s10 =	sshrl.u32 s8, $0x1;
	s13 =	sadd.s32 s7, s2  }
0xc: {  	s7 =	sor.u32 $0x1C0B, s23;
	s23 =	simm.s32 $0x1;
	s6 =	smul.u32 $0x2800, s4  }
0xd: {  	[smem:$0x7FF] =	sst s3;
	s4 =	sadd.s32 $0x16C00, s1;
	s8 =	ssub.s32 s8, s10  }
0xe: {  	s11 =	sadd.s32 s5, s0;
	s13 =	sshrl.u32 s13, $0x3;
	s0 =	simm.s32 $0x6  }
0xf: {  	s5 =	simm.s32 $0x0;
	_ =	strace $0x8000004D;
	[dreg:$0x4] =	wrdreg s9  }
0x10: {  	s9 =	sadd.s32 s9, s1;
	s26 =	smax.u32 s8, $0x1;
	s6 =	sshrl.u32 s6, $0x3  }
.Ltmp0:
0x11: {  	s9 =	sadd.s32 $0x2A600, s9;
	[dreg:$0x9] =	wrdreg s26;
	(pc) =	sbr.rel .LBB2_1-.Ltmp0, $4  }
0x12: {  	s6 =	sadd.s32 s6, s1;
	[dreg:$0x5] =	wrdreg s9;
	s1 =	sadd.s32 $0x3DE00, s1  }
0x13: {  	s26 =	simm.s32 $0x2;
	[dreg:$0x6] =	wrdreg s1;
	s24 =	sadd.s32 $0x2C00, s6  }
0x14: {  	s25 =	sadd.s32 $0xCC00, s6;
	s1 =	simm.s32 $0x5;
	[dreg:$0x7] =	wrdreg s24  }
0x15: {  	[dreg:$0x8] =	wrdreg s25;
	s25 =	simm.s32 $0xADC0;
	s24 =	simm.s32 $0x8  }
.LBB2_4:
0x16: {  	_ =	swait.ge [sflag:s0], $0x1F40  }
0x17: {  	[sflag:s0] =	ssyncset.done $0x0  }
0x18: {  	[sflag:s0] =	ssyncadd.s32 $0xFFFFE0C0  }
0x19: {  	_ =	swait.ge [sflag:s28], $0x1F40  }
0x1a: {  	[sflag:s28] =	ssyncset.done $0x0  }
0x1b: {  	[sflag:s28] =	ssyncadd.s32 $0xFFFFE0C0  }
0x1c: {  	_ =	swait.ge [sflag:s24], $0x1F40  }
0x1d: {  	[sflag:s24] =	ssyncset.done $0x0  }
0x1e: {  	[sflag:s24] =	ssyncadd.s32 $0xFFFFE0C0  }
0x1f: {  	_ =	swait.ge [sflag:s19], $0x1F40  }
0x20: {  	[sflag:s19] =	ssyncset.done $0x0  }
0x21: {  	[sflag:s19] =	ssyncadd.s32 $0xFFFFE0C0  }
0x22: {  	_ =	swait.ge [sflag:s29], $0x1F40  }
0x23: {  	[sflag:s29] =	ssyncset.done $0x0  }
0x24: {  	[sflag:s29] =	ssyncadd.s32 $0xFFFFE0C0  }
0x25: {  	[bflag:$0x0] =	sbarrier.arrive $0xFFFF  }
0x26: {  	s6 =	rddreg [dreg:$0x4]  }
0x27: {  	s6 =	sadd.s32 s6, s11  }
0x28: {  	[hbm:s6], [sflag:s7] =	dma.local [spmem:s13], $0x1380  }
0x29: {  	_ =	swait.ge [sflag:s14], $0x1380  }
0x2a: {  	[sflag:s14] =	ssyncset.done $0x0  }
0x2b: {  	s6 =	sadd.s32 @!p0 $0x13800, s11;
	[sflag:s14] =	ssyncadd.s32 $0xFFFFEC80  }
0x2c: {  	[hbm:s6], [sflag:s7] =	dma.local @!p0 [spmem:s15], $0x80  }
0x2d: {  	s6 =	simm.s32 @!p0 $0xB  }
0x2e: {  	_ =	swait.ge @!p0 [sflag:s6], $0x80  }
0x2f: {  	s5 =	sadd.s32 $0x1, s5;
	s8 =	rddreg [dreg:$0x9]  }
0x30: {  	p1 =	sne.s32 s5, s8  }
.Ltmp1:
0x31: {  	_ = 	snop;
	(pc) =	sbr.rel @!p1 .LBB2_5-.Ltmp1, $3  }
0x32: {  	_ =	sdelay $0x1  }
0x33: {  	[sflag:s6] =	ssyncset.done @!p0 $0x0  }
0x34: {  	[sflag:s6] =	ssyncadd.s32 @!p0 $0xFFFFFF80  }
.LBB2_1:
0x35: {  	s6 =	rddreg [dreg:$0x5]  }
0x36: {  	[spmem:s13], [sflag:s7] =	dma.local [hbm:s6], $0x1380  }
0x37: {  	_ =	swait.ge [sflag:s14], $0x1380  }
0x38: {  	[sflag:s14] =	ssyncset.done $0x0  }
0x39: {  	s6 =	rddreg [dreg:$0x6];
	[sflag:s14] =	ssyncadd.s32 $0xFFFFEC80  }
0x3a: {  	[spmem:s15], [sflag:s7] =	dma.local @!p0 [hbm:s6], $0x80  }
0x3b: {  	s6 =	simm.s32 @!p0 $0xB  }
0x3c: {  	_ =	swait.ge @!p0 [sflag:s6], $0x80  }
0x3d: {  	[sflag:s6] =	ssyncset.done @!p0 $0x0  }
0x3e: {  	s9 =	rddreg [dreg:$0x7];
	[sflag:s6] =	ssyncadd.s32 @!p0 $0xFFFFFF80  }
0x3f: {  	[tilespmem:s3], [sflag:$0xB] =	stream.linear.gather [hbm4b:s9+s3], $0x2800, $0x38;
	[tilespmem:$0x18880] =	vst v63  }
0x40: {  	_ =	swait.ge [sflag:s14], $0x2800  }
0x41: {  	[sflag:s14] =	ssyncset.done $0x0  }
0x42: {  	s8 =	simm.s32 $0x2800;
	s10 =	rddreg [dreg:$0x8];
	[sflag:s14] =	ssyncadd.s32 $0xFFFFD800  }
0x43: {  	[tilespmem:s8], [sflag:$0xB] =	stream.linear.gather [hbm4b:s10+s3], $0x2800, $0x38;
	[tilespmem:$0x18880] =	vst v63  }
0x44: {  	_ =	swait.ge [sflag:s14], $0x2800  }
0x45: {  	[sflag:s14] =	ssyncset.done $0x0  }
0x46: {  	[sflag:s14] =	ssyncadd.s32 $0xFFFFD800  }
0x47: {  	[bflag:$0x0] =	sbarrier.arrive $0xFFFF  }
0x48: {  	[tilespmem:s18], [sflag:$0x1] =	stream.indirect.gather [hbm4b:s4+s17], $0x40, s3, s17, $0xb8;
	[tilespmem:$0x18880] =	vst v63  }
0x49: {  	s12 =	simm.s32 $0x80  }
0x4a: {  	[tilespmem:s20], [sflag:$0x2] =	stream.indirect.gather [hbm4b:s4+s17], $0x40, s12, s17, $0xb8;
	[tilespmem:$0x18880] =	vst v63  }
0x4b: {  	s16 =	simm.s32 $0x100  }
0x4c: {  	[tilespmem:s22], [sflag:$0x3] =	stream.indirect.gather [hbm4b:s4+s17], $0x40, s16, s17, $0xb8;
	[tilespmem:$0x18880] =	vst v63  }
0x4d: {  	_ =	swait.ge [sflag:s23], $0x1F40  }
0x4e: {  	[sflag:s23] =	ssyncset.done $0x0  }
0x4f: {  	[sflag:s23] =	ssyncadd.s32 $0xFFFFE0C0  }
0x50: {  	[spmem:s2] =	stream.indirect.scatter.add.f32 [tilespmem:s18], [sflag:$0x6], $0x40, s8, s17, $0xb8;
	[tilespmem:$0x18880] =	vst v63  }
0x51: {  	s9 =	simm.s32 $0x180  }
0x52: {  	[tilespmem:s25], [sflag:$0x4] =	stream.indirect.gather [hbm4b:s4+s17], $0x40, s9, s17, $0xb8;
	[tilespmem:$0x18880] =	vst v63  }
0x53: {  	_ =	swait.ge [sflag:s26], $0x1F40  }
0x54: {  	[sflag:s26] =	ssyncset.done $0x0  }
0x55: {  	s10 =	simm.s32 $0x2880;
	[sflag:s26] =	ssyncadd.s32 $0xFFFFE0C0  }
0x56: {  	[spmem:s2] =	stream.indirect.scatter.add.f32 [tilespmem:s20], [sflag:$0x7], $0x40, s10, s17, $0xb8;
	[tilespmem:$0x18880] =	vst v63  }
0x57: {  	s12 =	simm.s32 $0x200  }
0x58: {  	[tilespmem:s30], [sflag:$0x5] =	stream.indirect.gather [hbm4b:s4+s17], $0x40, s12, s17, $0xb8;
	[tilespmem:$0x18880] =	vst v63  }
0x59: {  	_ =	swait.ge [sflag:s31], $0x1F40  }
0x5a: {  	[sflag:s31] =	ssyncset.done $0x0  }
0x5b: {  	s16 =	simm.s32 $0x2900;
	[sflag:s31] =	ssyncadd.s32 $0xFFFFE0C0  }
0x5c: {  	[spmem:s2] =	stream.indirect.scatter.add.f32 [tilespmem:s22], [sflag:$0x8], $0x40, s16, s17, $0xb8;
	[tilespmem:$0x18880] =	vst v63  }
0x5d: {  	_ =	swait.ge [sflag:s0], $0x1F40  }
0x5e: {  	[sflag:s0] =	ssyncset.done $0x0  }
0x5f: {  	s8 =	simm.s32 $0x280;
	[sflag:s0] =	ssyncadd.s32 $0xFFFFE0C0  }
0x60: {  	[tilespmem:s18], [sflag:$0x1] =	stream.indirect.gather [hbm4b:s4+s17], $0x40, s8, s17, $0xb8;
	[tilespmem:$0x18880] =	vst v63  }
0x61: {  	_ =	swait.ge [sflag:s21], $0x1F40  }
0x62: {  	[sflag:s21] =	ssyncset.done $0x0  }
0x63: {  	s9 =	simm.s32 $0x2980;
	[sflag:s21] =	ssyncadd.s32 $0xFFFFE0C0  }
0x64: {  	[spmem:s2] =	stream.indirect.scatter.add.f32 [tilespmem:s25], [sflag:$0x9], $0x40, s9, s17, $0xb8;
	[tilespmem:$0x18880] =	vst v63  }
0x65: {  	_ =	swait.ge [sflag:s28], $0x1F40  }
0x66: {  	[sflag:s28] =	ssyncset.done $0x0  }
0x67: {  	s10 =	simm.s32 $0x300;
	[sflag:s28] =	ssyncadd.s32 $0xFFFFE0C0  }
0x68: {  	[tilespmem:s20], [sflag:$0x2] =	stream.indirect.gather [hbm4b:s4+s17], $0x40, s10, s17, $0xb8;
	[tilespmem:$0x18880] =	vst v63  }
0x69: {  	_ =	swait.ge [sflag:s1], $0x1F40  }
0x6a: {  	[sflag:s1] =	ssyncset.done $0x0  }
0x6b: {  	s12 =	simm.s32 $0x2A00;
	[sflag:s1] =	ssyncadd.s32 $0xFFFFE0C0  }
0x6c: {  	[spmem:s2] =	stream.indirect.scatter.add.f32 [tilespmem:s30], [sflag:$0xA], $0x40, s12, s17, $0xb8;
	[tilespmem:$0x18880] =	vst v63  }
0x6d: {  	_ =	swait.ge [sflag:s24], $0x1F40  }
0x6e: {  	[sflag:s24] =	ssyncset.done $0x0  }
0x6f: {  	s6 =	simm.s32 $0x0;
	s16 =	simm.s32 $0x380;
	[sflag:s24] =	ssyncadd.s32 $0xFFFFE0C0  }
0x70: {  	[tilespmem:s22], [sflag:$0x3] =	stream.indirect.gather [hbm4b:s4+s17], $0x40, s16, s17, $0xb8;
	[tilespmem:$0x18880] =	vst v63  }
.LBB2_2:
0x71: {  	_ =	swait.ge [sflag:s23], $0x1F40  }
0x72: {  	s8 =	sshra.s32 s6, $0x2;
	[sflag:s23] =	ssyncset.done $0x0  }
0x73: {  	s9 =	sadd.s32 $0x2A80, s8;
	[sflag:s23] =	ssyncadd.s32 $0xFFFFE0C0  }
0x74: {  	[spmem:s2] =	stream.indirect.scatter.add.f32 [tilespmem:s18], [sflag:$0x6], $0x40, s9, s17, $0xb8;
	[tilespmem:$0x18880] =	vst v63  }
0x75: {  	_ =	swait.ge [sflag:s19], $0x1F40  }
0x76: {  	[sflag:s19] =	ssyncset.done $0x0  }
0x77: {  	s12 =	sadd.s32 $0x400, s8;
	[sflag:s19] =	ssyncadd.s32 $0xFFFFE0C0  }
0x78: {  	[tilespmem:s25], [sflag:$0x4] =	stream.indirect.gather [hbm4b:s4+s17], $0x40, s12, s17, $0xb8;
	[tilespmem:$0x18880] =	vst v63  }
0x79: {  	_ =	swait.ge [sflag:s26], $0x1F40  }
0x7a: {  	[sflag:s26] =	ssyncset.done $0x0  }
0x7b: {  	s16 =	sadd.s32 $0x2B00, s8;
	[sflag:s26] =	ssyncadd.s32 $0xFFFFE0C0  }
0x7c: {  	[spmem:s2] =	stream.indirect.scatter.add.f32 [tilespmem:s20], [sflag:$0x7], $0x40, s16, s17, $0xb8;
	[tilespmem:$0x18880] =	vst v63  }
0x7d: {  	_ =	swait.ge [sflag:s29], $0x1F40  }
0x7e: {  	[sflag:s29] =	ssyncset.done $0x0  }
0x7f: {  	s10 =	sadd.s32 $0x480, s8;
	[sflag:s29] =	ssyncadd.s32 $0xFFFFE0C0  }
0x80: {  	[tilespmem:s30], [sflag:$0x5] =	stream.indirect.gather [hbm4b:s4+s17], $0x40, s10, s17, $0xb8;
	[tilespmem:$0x18880] =	vst v63  }
0x81: {  	_ =	swait.ge [sflag:s31], $0x1F40  }
0x82: {  	p1 =	seq.s32 s6, $0x8C00;
	[sflag:s31] =	ssyncset.done $0x0  }
0x83: {  	s9 =	simm.s32 @p1 $0x4;
	s12 =	sadd.s32 $0x2B80, s8;
	[sflag:s31] =	ssyncadd.s32 $0xFFFFE0C0  }
0x84: {  	[spmem:s2] =	stream.indirect.scatter.add.f32 [tilespmem:s22], [sflag:$0x8], $0x40, s12, s17, $0xb8;
	[tilespmem:$0x18880] =	vst v63  }
0x85: {  	_ =	swait.ge @p1 [sflag:s9], $0x1F40  }
0x86: {  	[sflag:s9] =	ssyncset.done @p1 $0x0  }
0x87: {  	[sflag:s9] =	ssyncadd.s32 @p1 $0xFFFFE0C0;
	s9 =	sshra.s32 @p1 s6, $0x2  }
0x88: {  	s10 =	simm.s32 @p1 $0x7D;
	s12 =	simm.s32 @p1 $0xADC0;
	s9 =	sadd.s32 @p1 $0x2C00, s9  }
0x89: {  	[spmem:s2] =	stream.indirect.scatter.add.f32 @p1 [tilespmem:s12], [sflag:$0x9], $0x40, s9, s10, $0xb8;
	[tilespmem:$0x18880] =	vst v63  }
0x8a: {  	s9 =	simm.s32 @!p1 $0x6  }
0x8b: {  	_ =	swait.ge @!p1 [sflag:s9], $0x1F40  }
0x8c: {  	[sflag:s9] =	ssyncset.done @!p1 $0x0  }
0x8d: {  	[sflag:s9] =	ssyncadd.s32 @!p1 $0xFFFFE0C0;
	s9 =	sshra.s32 @!p1 s6, $0x2  }
0x8e: {  	s16 =	simm.s32 @!p1 $0x5000;
	s12 =	simm.s32 @!p1 $0x7D;
	s10 =	sadd.s32 @!p1 $0x500, s9  }
0x8f: {  	[tilespmem:s16], [sflag:$0x1] =	stream.indirect.gather @!p1 [hbm4b:s4+s12], $0x40, s10, s12, $0xb8;
	[tilespmem:$0x18880] =	vst v63  }
0x90: {  	s10 =	simm.s32 @!p1 $0x4  }
0x91: {  	_ =	swait.ge @!p1 [sflag:s10], $0x1F40  }
0x92: {  	[sflag:s10] =	ssyncset.done @!p1 $0x0  }
0x93: {  	s16 =	simm.s32 @!p1 $0xADC0;
	[sflag:s10] =	ssyncadd.s32 @!p1 $0xFFFFE0C0;
	s10 =	sadd.s32 @!p1 $0x2C00, s9  }
0x94: {  	[spmem:s2] =	stream.indirect.scatter.add.f32 @!p1 [tilespmem:s16], [sflag:$0x9], $0x40, s10, s12, $0xb8;
	[tilespmem:$0x18880] =	vst v63  }
0x95: {  	s10 =	simm.s32 @!p1 $0x7  }
0x96: {  	_ =	swait.ge @!p1 [sflag:s10], $0x1F40  }
0x97: {  	[sflag:s10] =	ssyncset.done @!p1 $0x0  }
0x98: {  	s9 =	sadd.s32 @!p1 $0x580, s9;
	[sflag:s10] =	ssyncadd.s32 @!p1 $0xFFFFE0C0;
	s10 =	simm.s32 @!p1 $0x6F40  }
0x99: {  	[tilespmem:s10], [sflag:$0x2] =	stream.indirect.gather @!p1 [hbm4b:s4+s12], $0x40, s9, s12, $0xb8;
	[tilespmem:$0x18880] =	vst v63  }
.Ltmp2:
0x9a: {  	_ = 	snop;
	(pc) =	sbr.rel @p1 .LBB2_4-.Ltmp2, $4  }
0x9b: {  	_ =	swait.ge [sflag:s1], $0x1F40  }
0x9c: {  	[sflag:s1] =	ssyncset.done $0x0  }
0x9d: {  	s16 =	sadd.s32 $0x2C80, s8;
	[sflag:s1] =	ssyncadd.s32 $0xFFFFE0C0  }
0x9e: {  	[spmem:s2] =	stream.indirect.scatter.add.f32 [tilespmem:s30], [sflag:$0xA], $0x40, s16, s17, $0xb8;
	[tilespmem:$0x18880] =	vst v63  }
.Ltmp3:
0x9f: {  	(pc) =	sbr.rel .LBB2_2-.Ltmp3, $4  }
0xa0: {  	_ =	swait.ge [sflag:s24], $0x1F40  }
0xa1: {  	[sflag:s24] =	ssyncset.done $0x0  }
0xa2: {  	s8 =	sadd.s32 $0x600, s8;
	s6 =	sadd.s32 $0xA00, s6;
	[sflag:s24] =	ssyncadd.s32 $0xFFFFE0C0  }
0xa3: {  	[tilespmem:s22], [sflag:$0x3] =	stream.indirect.gather [hbm4b:s4+s17], $0x40, s8, s17, $0xb8;
	[tilespmem:$0x18880] =	vst v63  }
.LBB2_5:
0xa4: {  	_ =	sfence.sel $0x180000  }
0xa5: {  	[bflag:$0x0] =	sbarrier.arrive $0xFFFF  }
0xa6: {  	_ =	strace $0x9000004D  }
0xa7: {  	s0 =	stileid.u32;
	[bflag:$0x2] =	sbarrier.arrive $0xFFFF  }
0xa8: {  	p0 =	sne.s32 s0, $0x0;
	s0 =	rddreg [dreg:$0x3]  }
0xa9: {  	s0 =	sadd.s32 @!p0 $0x100000, s0  }
0xaa: {  	[sflag:s0] =	ssyncadd.tile.s32 @!p0 $0x1;
	_ =	shalt  }
.Lfunc_end2:
_tile_overlayer_lowered:
.L_overlay_start_2:
0xab: {  	(tag) =	ssettag $0x2  }
0xac: {  	s0 =	rddreg [dreg:$0x0];
	s2 =	stileid.u32  }
0xad: {  	s1 =	rddreg [dreg:$0x1];
	p0 =	sne.s32 s2, $0x0  }
0xae: {  	s3 =	rddreg [dreg:$0x2];
	[bflag:$0x3] =	sbarrier.arrive $0xFFFF;
	s2 =	simm.s32 @!p0 $0x1C0B  }
0xaf: {  	[timem:s3], [sflag:s2] =	dma.local @!p0 [hbm:s0], s1  }
0xb0: {  	s0 =	simm.s32 @!p0 $0xB  }
0xb1: {  	_ =	swait.ge @!p0 [sflag:s0], s1  }
0xb2: {  	s1 =	ssub.s32 @!p0 $0x0, s1;
	[sflag:s0] =	ssyncset.done @!p0 $0x0  }
0xb3: {  	[sflag:s0] =	ssyncadd.s32 @!p0 s1  }
0xb4: {  	[bflag:$0x3] =	sbarrier.arrive $0xFFFF  }
0xb5: {  	_ =	shalt  }

// kernel: kernel.20.cloned.1.call-start
scs
__scs_entry_jumppad:
0x0: {  	(pc) =	sbr.rel $0x88, $3  }
0x1: {  	(tag) =	ssettag $0x0;
	lr =	simm.s32 $0x1  }
0x2: {  	[smem:$0x3F97] =	sst lr;
	_ =	strace $0xD0000000  }
0x3: {  	_ = 	snop  }
0x4: {  	_ = 	snop  }
0x5: {  	_ = 	snop  }
0x6: {  	_ = 	snop  }
0x7: {  	_ = 	snop  }
__scs_overlays_trampoline_lowered:
0x8: {  	[smem:$0x3FA6] =	sst s0  }
0x9: {  	[smem:$0x3FA7] =	sst s1  }
0xa: {  	[smem:$0x3FA8] =	sst s2  }
0xb: {  	[smem:$0x3FA9] =	sst s3  }
0xc: {  	[smem:$0x3FAA] =	sst s4  }
0xd: {  	[smem:$0x3FAB] =	sst s5  }
0xe: {  	[smem:$0x3FAC] =	sst s6  }
0xf: {  	[smem:$0x3FAD] =	sst s7  }
0x10: {  	[smem:$0x3FAE] =	sst s8  }
0x11: {  	[smem:$0x3FAF] =	sst s9;
	s0 =	simm.s32 @!p0 $0x0  }
0x12: {  	s1 =	sld [smem:$0x3F95];
	s0 =	simm.s32 @p0 $0x1  }
0x13: {  	[smem:$0x3FB0] =	sst s0;
	s0 =	simm.s32 @!p1 $0x0  }
0x14: {  	s2 =	sld [smem:$0x3F94];
	s0 =	simm.s32 @p1 $0x1  }
0x15: {  	[smem:$0x3FB1] =	sst s0;
	s0 =	simm.s32 @!p2 $0x0  }
0x16: {  	s3 =	sld [smem:$0x3FDB];
	s0 =	simm.s32 @p2 $0x1  }
0x17: {  	s4 =	simm.s32 $0x1BF5;
	[smem:$0x3FB3] =	sst s0  }
0x18: {  	s0 =	sld [smem:$0x3F96];
	_ =	swait.ge [sflag:s4], $0x0  }
0x19: {  	s7 =	sld [smem:$0x3F97]  }
0x1a: {  	s8 =	sadd.s32 $0xFFFFE003, lr  }
0x1b: {  	s9 =	sadd.s32 $0xFFFFFEF7, lr;
	s5 =	simm.s32 $0xFFFFFFFF;
	p2 =	slt.u32 s8, $0xFFFFF086  }
0x1c: {  	p1 =	slt.u32 s9, $0xF7A;
	s5 =	simm.s32 @!p2 $0x0  }
0x1d: {  	s5 =	simm.s32 @p1 $0x1;
	p0 =	seq.s32 s7, s2  }
0x1e: {  	s7 =	smul.u32 @!p0 $0xF7A, s2;
	p2 =	seq.s32 @!p0 s5, $0x0  }
0x1f: {  	s9 =	smul.u32 $0xF7A, s1;
	s8 =	simm.s32 @!p0 $0x1BF5;
	p2 =	por !p2, p0  }
0x20: {  	[sflag:s8] =	ssyncset.s32 @!p0 $0xFFFFF086;
	s6 =	sadd.s32 @!p0 s3, s7;
	s7 =	simm.s32 @!p0 $0x108  }
0x21: {  	s3 =	sadd.s32 s3, s9;
	s6 =	sadd.s32 @!p0 $0x88, s6;
	s7 =	simm.s32 @p2 $0x1082  }
0x22: {  	[simem:s7], [sflag:s8] =	dma.local @!p0 [hbm:s6], $0xF7A  }
0x23: {  	s9 =	sor.u32 $0xD0000000, s2;
	s6 =	simm.s32 $0x108;
	_ =	swait.ge @!p0 [sflag:s8], $0x0  }
0x24: {  	s3 =	sadd.s32 $0x88, s3;
	s6 =	simm.s32 @!p1 $0x1082;
	[sflag:s4] =	ssyncset.s32 $0xFFFFF086  }
0x25: {  	[simem:s6], [sflag:s4] =	dma.local [hbm:s3], $0xF7A  }
0x26: {  	[smem:$0x3F97] =	sst s1;
	(tag) =	ssettag s2;
	_ =	strace s9  }
0x27: {  	s1 =	sld [smem:$0x3FA7]  }
0x28: {  	s2 =	sld [smem:$0x3FA8]  }
0x29: {  	s4 =	sld [smem:$0x3FAA]  }
0x2a: {  	p0 =	seq.s32 s5, $0x0;
	s5 =	sld [smem:$0x3FAB]  }
0x2b: {  	s6 =	sld [smem:$0x3FAC]  }
0x2c: {  	s7 =	sld [smem:$0x3FAD]  }
0x2d: {  	s3 =	simm.s32 $0x108;
	s8 =	sld [smem:$0x3FAE]  }
0x2e: {  	s3 =	simm.s32 @!p0 $0x1082;
	s9 =	sld [smem:$0x3FAF]  }
0x2f: {  	lr =	sadd.s32 s0, s3;
	s0 =	sld [smem:$0x3FA6]  }
0x30: {  	s3 =	sld [smem:$0x3FA9]  }
0x31: {  	[smem:$0x3FB2] =	sst s10  }
0x32: {  	s10 =	sld [smem:$0x3FB0];
	_ =	sdelay $0x3  }
0x33: {  	p0 =	seq.s32 s10, $0x1;
	s10 =	sld [smem:$0x3FB2];
	_ =	sdelay $0x3  }
0x34: {  	[smem:$0x3FB2] =	sst s10  }
0x35: {  	s10 =	sld [smem:$0x3FB1];
	_ =	sdelay $0x3  }
0x36: {  	p1 =	seq.s32 s10, $0x1;
	s10 =	sld [smem:$0x3FB2];
	_ =	sdelay $0x3  }
0x37: {  	[smem:$0x3FB2] =	sst s10  }
0x38: {  	s10 =	sld [smem:$0x3FB3]  }
0x39: {  	_ = 	snop;
	(pc) =	sbr.ind lr, $3  }
0x3a: {  	_ = 	snop  }
0x3b: {  	_ = 	snop  }
0x3c: {  	p2 =	seq.s32 s10, $0x1;
	s10 =	sld [smem:$0x3FB2]  }
0x3d: {  	_ =	shalt  }
0x3e: {  	_ =	shalt  }
0x3f: {  	_ =	shalt  }
0x40: {  	_ =	shalt  }
0x41: {  	_ =	shalt  }
0x42: {  	_ =	shalt  }
0x43: {  	_ =	shalt  }
0x44: {  	_ =	shalt  }
0x45: {  	_ =	shalt  }
0x46: {  	_ =	shalt  }
0x47: {  	_ =	shalt  }
0x48: {  	_ =	shalt  }
0x49: {  	_ =	shalt  }
0x4a: {  	_ =	shalt  }
0x4b: {  	_ =	shalt  }
0x4c: {  	_ =	shalt  }
0x4d: {  	_ =	shalt  }
0x4e: {  	_ =	shalt  }
0x4f: {  	_ =	shalt  }
0x50: {  	_ =	shalt  }
0x51: {  	_ =	shalt  }
0x52: {  	_ =	shalt  }
0x53: {  	_ =	shalt  }
0x54: {  	_ =	shalt  }
0x55: {  	_ =	shalt  }
0x56: {  	_ =	shalt  }
0x57: {  	_ =	shalt  }
0x58: {  	_ =	shalt  }
0x59: {  	_ =	shalt  }
0x5a: {  	_ =	shalt  }
0x5b: {  	_ =	shalt  }
0x5c: {  	_ =	shalt  }
0x5d: {  	_ =	shalt  }
0x5e: {  	_ =	shalt  }
0x5f: {  	_ =	shalt  }
0x60: {  	_ =	shalt  }
0x61: {  	_ =	shalt  }
0x62: {  	_ =	shalt  }
0x63: {  	_ =	shalt  }
0x64: {  	_ =	shalt  }
0x65: {  	_ =	shalt  }
0x66: {  	_ =	shalt  }
0x67: {  	_ =	shalt  }
0x68: {  	_ =	shalt  }
0x69: {  	_ =	shalt  }
0x6a: {  	_ =	shalt  }
0x6b: {  	_ =	shalt  }
0x6c: {  	_ =	shalt  }
0x6d: {  	_ =	shalt  }
0x6e: {  	_ =	shalt  }
0x6f: {  	_ =	shalt  }
0x70: {  	_ =	shalt  }
0x71: {  	_ =	shalt  }
0x72: {  	_ =	shalt  }
0x73: {  	_ =	shalt  }
0x74: {  	_ =	shalt  }
0x75: {  	_ =	shalt  }
0x76: {  	_ =	shalt  }
0x77: {  	_ =	shalt  }
0x78: {  	_ =	shalt  }
0x79: {  	_ =	shalt  }
0x7a: {  	_ =	shalt  }
0x7b: {  	_ =	shalt  }
0x7c: {  	_ =	shalt  }
0x7d: {  	_ =	shalt  }
0x7e: {  	_ =	shalt  }
0x7f: {  	_ =	shalt  }
0x80: {  	_ =	shalt  }
0x81: {  	_ =	shalt  }
0x82: {  	_ =	shalt  }
0x83: {  	_ =	shalt  }
0x84: {  	_ =	shalt  }
0x85: {  	_ =	shalt  }
0x86: {  	_ =	shalt  }
0x87: {  	_ =	shalt  }
.Lfunc_end0:
.L_simem_size_0:
called_computation.3_lowered:
.L_overlay_start_0:
0x88: {  	s2 =	sld [smem:$0x3FD9]  }
0x89: {  	s3 =	sld [smem:$0x3FFE];
	_ =	sdelay $0x1  }
0x8a: {  	s1 =	srdreg.scid  }
0x8b: {  	s0 =	sand.u32 $0x1, s1  }
0x8c: {  	s17 =	sshll.u32 s0, $0xA;
	s2 =	sadd.s32 s3, s2  }
0x8d: {  	s2 =	sadd.s32 s2, s17  }
0x8e: {  	[smem:$0x3FBE] =	sst s2  }
0x8f: {  	_ = 	snop  }
0x90: {  	s2 =	sld [smem:$0x3FD0];
	(tm) =	ssettm $0x1  }
0x91: {  	s18 =	sld [smem:$0x3FFB];
	_ =	sdelay $0x3  }
0x92: {  	_ =	strace s18  }
0x93: {  	s3 =	sld [smem:$0x3FFC];
	_ =	sdelay $0x3  }
0x94: {  	_ =	strace s3  }
0x95: {  	s3 =	sld [smem:$0x3FFD];
	_ =	sdelay $0x3  }
0x96: {  	_ =	strace s3  }
0x97: {  	_ =	strace $0x8FFFFFFF  }
0x98: {  	s19 =	sld [smem:$0x3FDB];
	_ =	sdelay $0x1  }
0x99: {  	s4 =	simm.s32 $_scs_section_size  }
0x9a: {  	s5 =	simm.s32 $_size__tile_overlayer_lowered;
	s6 =	simm.s32 $_tile_overlayer_lowered  }
0x9b: {  	s22 =	simm.s32 $0x1BFF;
	s21 =	sshll.u32 s6, $0x1;
	s3 =	sadd.s32 s4, s19  }
0x9c: {  	s7 =	simm.s32 $0x0;
	s20 =	sshll.u32 s5, $0x1;
	s5 =	sadd.s32 s21, s3  }
0x9d: {  	[timem:s7], [sflag:s22] =	dma.local [hbm:s5], s20  }
0x9e: {  	_ =	swait.ge [sflag:s22], s20  }
0x9f: {  	s4 =	ssub.s32 $0x0, s20;
	[sflag:s22] =	ssyncset.done $0x0  }
0xa0: {  	[sflag:s22] =	ssyncadd.s32 s4;
	_ =	sdelay $0x1  }
0xa1: {  	s23 =	simm.s32 $0x1B8B  }
0xa2: {  	_ =	swait.ge [sflag:s23], $0x1  }
0xa3: {  	[sflag:s23] =	ssyncset.done $0x0  }
0xa4: {  	s25 =	simm.s32 $0x1B8E;
	s24 =	sld [smem:$0x3FFE];
	[sflag:s23] =	ssyncadd.s32 $0xFFFFFFFF  }
0xa5: {  	s26 =	simm.s32 $execute0_lowered;
	[smem:$0x3FD2] =	sst s25  }
0xa6: {  	s5 =	sshll.u32 s26, $0x1;
	_ =	strace $0x8000004F;
	[dreg:$0x1] =	wrdreg $0xFFFFFFFF  }
0xa7: {  	s28 =	simm.s32 $_size_execute0_lowered;
	s3 =	sadd.s32 s3, s5;
	[dreg:$0x0] =	wrdreg $0x0  }
0xa8: {  	s5 =	sshll.u32 s28, $0x1;
	[dreg:$0x2] =	wrdreg s3  }
0xa9: {  	[dreg:$0x3] =	wrdreg s5  }
0xaa: {  	[dreg:$0x4] =	wrdreg $0xC0  }
0xab: {  	_ =	task [dreg:s7], $0x5FFFF  }
0xac: {  	[dreg:$0x1] =	wrdreg $0xFFFFFFFF  }
0xad: {  	[dreg:$0x0] =	wrdreg $0x60  }
0xae: {  	[dreg:$0x2] =	wrdreg s24  }
0xaf: {  	[dreg:$0x3] =	wrdreg s2  }
0xb0: {  	[dreg:$0x4] =	wrdreg $0xEC400  }
0xb1: {  	[dreg:$0x5] =	wrdreg $0x9  }
0xb2: {  	_ =	task.clear_ibuf [dreg:s7], $0x6FFFF;
	_ =	strace $0x9000004F  }
0xb3: {  	s29 =	simm.s32 $0x9;
	_ =	strace $0x80000051  }
0xb4: {  	_ =	swait.ge [sflag:s29], $0x1  }
0xb5: {  	[sflag:s29] =	ssyncadd.s32 $0xFFFFFFFF  }
0xb6: {  	_ =	strace $0x90000051  }
0xb7: {  	_ =	sfence  }
0xb8: {  	s30 =	sld [smem:$0x0];
	_ =	sdelay $0x2  }
0xb9: {  	s31 =	sshll.u32 s1, $0xD;
	s1 =	sshrl.u32 s1, $0x2  }
0xba: {  	s3 =	sand.u32 $0x4000, s31;
	s1 =	sadd.s32 s1, s30  }
0xbb: {  	s0 =	sor.u32 s3, s0;
	s1 =	sshll.u32 s1, $0x11  }
0xbc: {  	s0 =	sor.u32 s1, s0  }
0xbd: {  	s0 =	sadd.s32 $0x8F2B, s0  }
0xbe: {  	[sflag:s0] =	ssyncadd.remote.s32 $0x1  }
0xbf: {  	_ =	sfence.sel $0xFFFF  }
0xc0: {  	[dreg:$0x0] =	wrdreg $0xFFFFFFFF;
	(pc) =	sbr.abs _section_cstart, $3  }
0xc1: {  	[dreg:$0x1] =	wrdreg $0xFFFFFFFF  }
0xc2: {  	_ =	task.clear_ibuf [dreg:s7], $0x2FFFF;
	_ =	strace $0x9FFFFFFF  }
0xc3: {  	(tm) =	ssettm $0x7FFFFFFF  }
tec
execute0_lowered:
.L_overlay_start_1:
0x0: {  	(tag) =	ssettag $0x1  }
0x1: {  	s1 =	rddreg [dreg:$0x0]  }
0x2: {  	s0 =	srdreg.scid;
	s5 =	rddreg [dreg:$0x1]  }
0x3: {  	s12 =	stileid.u32;
	s2 =	rddreg [dreg:$0x2];
	s14 =	simm.s32 $0xB  }
0x4: {  	s17 =	simm.s32 $0x7D;
	s18 =	simm.s32 $0x5000;
	s20 =	simm.s32 $0x6F40  }
0x5: {  	s22 =	simm.s32 $0x8E80;
	s30 =	simm.s32 $0xCD00;
	s31 =	simm.s32 $0x3  }
0x6: {  	s21 =	simm.s32 $0x4;
	s28 =	simm.s32 $0x7;
	s19 =	simm.s32 $0x9  }
0x7: {  	s29 =	simm.s32 $0xA;
	s0 =	sand.u32 $0x1, s0;
	s7 =	smul.u32 $0x9C00, s12  }
0x8: {  	s23 =	sshll.u32 s12, $0x6;
	s15 =	sadd.s32 $0x9C000, s2;
	p0 =	sne.s32 s12, $0xF  }
0x9: {  	s3 =	sshll.u32 s0, $0x4;
	s8 =	ssub.s32 $0x2, s0;
	s0 =	smul.u32 $0x13880, s0  }
0xa: {  	s15 =	sshrl.u32 @!p0 s15, $0x3;
	s4 =	sor.u32 s12, s3;
	s3 =	simm.s32 $0x0  }
0xb: {  	s9 =	sshrl.u32 s7, $0x3;
	s10 =	sshrl.u32 s8, $0x1;
	s13 =	sadd.s32 s7, s2  }
0xc: {  	s7 =	sor.u32 $0x1C0B, s23;
	s23 =	simm.s32 $0x1;
	s6 =	smul.u32 $0x2800, s4  }
0xd: {  	[smem:$0x7FF] =	sst s3;
	s4 =	sadd.s32 $0x16C00, s1;
	s8 =	ssub.s32 s8, s10  }
0xe: {  	s11 =	sadd.s32 s5, s0;
	s13 =	sshrl.u32 s13, $0x3;
	s0 =	simm.s32 $0x6  }
0xf: {  	s5 =	simm.s32 $0x0;
	_ =	strace $0x80000050;
	[dreg:$0x4] =	wrdreg s9  }
0x10: {  	s9 =	sadd.s32 s9, s1;
	s26 =	smax.u32 s8, $0x1;
	s6 =	sshrl.u32 s6, $0x3  }
.Ltmp0:
0x11: {  	s9 =	sadd.s32 $0x2A600, s9;
	[dreg:$0x9] =	wrdreg s26;
	(pc) =	sbr.rel .LBB2_1-.Ltmp0, $4  }
0x12: {  	s6 =	sadd.s32 s6, s1;
	[dreg:$0x5] =	wrdreg s9;
	s1 =	sadd.s32 $0x3DE00, s1  }
0x13: {  	s26 =	simm.s32 $0x2;
	[dreg:$0x6] =	wrdreg s1;
	s24 =	sadd.s32 $0xCC00, s6  }
0x14: {  	s25 =	sadd.s32 $0x2C00, s6;
	s1 =	simm.s32 $0x5;
	[dreg:$0x7] =	wrdreg s24  }
0x15: {  	[dreg:$0x8] =	wrdreg s25;
	s25 =	simm.s32 $0xADC0;
	s24 =	simm.s32 $0x8  }
.LBB2_4:
0x16: {  	_ =	swait.ge [sflag:s0], $0x1F40  }
0x17: {  	[sflag:s0] =	ssyncset.done $0x0  }
0x18: {  	[sflag:s0] =	ssyncadd.s32 $0xFFFFE0C0  }
0x19: {  	_ =	swait.ge [sflag:s28], $0x1F40  }
0x1a: {  	[sflag:s28] =	ssyncset.done $0x0  }
0x1b: {  	[sflag:s28] =	ssyncadd.s32 $0xFFFFE0C0  }
0x1c: {  	_ =	swait.ge [sflag:s24], $0x1F40  }
0x1d: {  	[sflag:s24] =	ssyncset.done $0x0  }
0x1e: {  	[sflag:s24] =	ssyncadd.s32 $0xFFFFE0C0  }
0x1f: {  	_ =	swait.ge [sflag:s19], $0x1F40  }
0x20: {  	[sflag:s19] =	ssyncset.done $0x0  }
0x21: {  	[sflag:s19] =	ssyncadd.s32 $0xFFFFE0C0  }
0x22: {  	_ =	swait.ge [sflag:s29], $0x1F40  }
0x23: {  	[sflag:s29] =	ssyncset.done $0x0  }
0x24: {  	[sflag:s29] =	ssyncadd.s32 $0xFFFFE0C0  }
0x25: {  	[bflag:$0x0] =	sbarrier.arrive $0xFFFF  }
0x26: {  	s6 =	rddreg [dreg:$0x4]  }
0x27: {  	s6 =	sadd.s32 s6, s11  }
0x28: {  	[hbm:s6], [sflag:s7] =	dma.local [spmem:s13], $0x1380  }
0x29: {  	_ =	swait.ge [sflag:s14], $0x1380  }
0x2a: {  	[sflag:s14] =	ssyncset.done $0x0  }
0x2b: {  	s6 =	sadd.s32 @!p0 $0x13800, s11;
	[sflag:s14] =	ssyncadd.s32 $0xFFFFEC80  }
0x2c: {  	[hbm:s6], [sflag:s7] =	dma.local @!p0 [spmem:s15], $0x80  }
0x2d: {  	s6 =	simm.s32 @!p0 $0xB  }
0x2e: {  	_ =	swait.ge @!p0 [sflag:s6], $0x80  }
0x2f: {  	s5 =	sadd.s32 $0x1, s5;
	s8 =	rddreg [dreg:$0x9]  }
0x30: {  	p1 =	sne.s32 s5, s8  }
.Ltmp1:
0x31: {  	_ = 	snop;
	(pc) =	sbr.rel @!p1 .LBB2_5-.Ltmp1, $3  }
0x32: {  	_ =	sdelay $0x1  }
0x33: {  	[sflag:s6] =	ssyncset.done @!p0 $0x0  }
0x34: {  	[sflag:s6] =	ssyncadd.s32 @!p0 $0xFFFFFF80  }
.LBB2_1:
0x35: {  	s6 =	rddreg [dreg:$0x5]  }
0x36: {  	[spmem:s13], [sflag:s7] =	dma.local [hbm:s6], $0x1380  }
0x37: {  	_ =	swait.ge [sflag:s14], $0x1380  }
0x38: {  	[sflag:s14] =	ssyncset.done $0x0  }
0x39: {  	s6 =	rddreg [dreg:$0x6];
	[sflag:s14] =	ssyncadd.s32 $0xFFFFEC80  }
0x3a: {  	[spmem:s15], [sflag:s7] =	dma.local @!p0 [hbm:s6], $0x80  }
0x3b: {  	s6 =	simm.s32 @!p0 $0xB  }
0x3c: {  	_ =	swait.ge @!p0 [sflag:s6], $0x80  }
0x3d: {  	[sflag:s6] =	ssyncset.done @!p0 $0x0  }
0x3e: {  	s9 =	rddreg [dreg:$0x7];
	[sflag:s6] =	ssyncadd.s32 @!p0 $0xFFFFFF80  }
0x3f: {  	[tilespmem:s3], [sflag:$0xB] =	stream.linear.gather [hbm4b:s9+s3], $0x2800, $0x38;
	[tilespmem:$0x18880] =	vst v63  }
0x40: {  	_ =	swait.ge [sflag:s14], $0x2800  }
0x41: {  	[sflag:s14] =	ssyncset.done $0x0  }
0x42: {  	s8 =	simm.s32 $0x2800;
	s10 =	rddreg [dreg:$0x8];
	[sflag:s14] =	ssyncadd.s32 $0xFFFFD800  }
0x43: {  	[tilespmem:s8], [sflag:$0xB] =	stream.linear.gather [hbm4b:s10+s3], $0x2800, $0x38;
	[tilespmem:$0x18880] =	vst v63  }
0x44: {  	_ =	swait.ge [sflag:s14], $0x2800  }
0x45: {  	[sflag:s14] =	ssyncset.done $0x0  }
0x46: {  	[sflag:s14] =	ssyncadd.s32 $0xFFFFD800  }
0x47: {  	[bflag:$0x0] =	sbarrier.arrive $0xFFFF  }
0x48: {  	[tilespmem:s18], [sflag:$0x1] =	stream.indirect.gather [hbm4b:s4+s17], $0x40, s3, s17, $0xb8;
	[tilespmem:$0x18880] =	vst v63  }
0x49: {  	s12 =	simm.s32 $0x80  }
0x4a: {  	[tilespmem:s20], [sflag:$0x2] =	stream.indirect.gather [hbm4b:s4+s17], $0x40, s12, s17, $0xb8;
	[tilespmem:$0x18880] =	vst v63  }
0x4b: {  	s16 =	simm.s32 $0x100  }
0x4c: {  	[tilespmem:s22], [sflag:$0x3] =	stream.indirect.gather [hbm4b:s4+s17], $0x40, s16, s17, $0xb8;
	[tilespmem:$0x18880] =	vst v63  }
0x4d: {  	_ =	swait.ge [sflag:s23], $0x1F40  }
0x4e: {  	[sflag:s23] =	ssyncset.done $0x0  }
0x4f: {  	[sflag:s23] =	ssyncadd.s32 $0xFFFFE0C0  }
0x50: {  	[spmem:s2] =	stream.indirect.scatter.add.f32 [tilespmem:s18], [sflag:$0x6], $0x40, s8, s17, $0xb8;
	[tilespmem:$0x18880] =	vst v63  }
0x51: {  	s9 =	simm.s32 $0x180  }
0x52: {  	[tilespmem:s25], [sflag:$0x4] =	stream.indirect.gather [hbm4b:s4+s17], $0x40, s9, s17, $0xb8;
	[tilespmem:$0x18880] =	vst v63  }
0x53: {  	_ =	swait.ge [sflag:s26], $0x1F40  }
0x54: {  	[sflag:s26] =	ssyncset.done $0x0  }
0x55: {  	s10 =	simm.s32 $0x2880;
	[sflag:s26] =	ssyncadd.s32 $0xFFFFE0C0  }
0x56: {  	[spmem:s2] =	stream.indirect.scatter.add.f32 [tilespmem:s20], [sflag:$0x7], $0x40, s10, s17, $0xb8;
	[tilespmem:$0x18880] =	vst v63  }
0x57: {  	s12 =	simm.s32 $0x200  }
0x58: {  	[tilespmem:s30], [sflag:$0x5] =	stream.indirect.gather [hbm4b:s4+s17], $0x40, s12, s17, $0xb8;
	[tilespmem:$0x18880] =	vst v63  }
0x59: {  	_ =	swait.ge [sflag:s31], $0x1F40  }
0x5a: {  	[sflag:s31] =	ssyncset.done $0x0  }
0x5b: {  	s16 =	simm.s32 $0x2900;
	[sflag:s31] =	ssyncadd.s32 $0xFFFFE0C0  }
0x5c: {  	[spmem:s2] =	stream.indirect.scatter.add.f32 [tilespmem:s22], [sflag:$0x8], $0x40, s16, s17, $0xb8;
	[tilespmem:$0x18880] =	vst v63  }
0x5d: {  	_ =	swait.ge [sflag:s0], $0x1F40  }
0x5e: {  	[sflag:s0] =	ssyncset.done $0x0  }
0x5f: {  	s8 =	simm.s32 $0x280;
	[sflag:s0] =	ssyncadd.s32 $0xFFFFE0C0  }
0x60: {  	[tilespmem:s18], [sflag:$0x1] =	stream.indirect.gather [hbm4b:s4+s17], $0x40, s8, s17, $0xb8;
	[tilespmem:$0x18880] =	vst v63  }
0x61: {  	_ =	swait.ge [sflag:s21], $0x1F40  }
0x62: {  	[sflag:s21] =	ssyncset.done $0x0  }
0x63: {  	s9 =	simm.s32 $0x2980;
	[sflag:s21] =	ssyncadd.s32 $0xFFFFE0C0  }
0x64: {  	[spmem:s2] =	stream.indirect.scatter.add.f32 [tilespmem:s25], [sflag:$0x9], $0x40, s9, s17, $0xb8;
	[tilespmem:$0x18880] =	vst v63  }
0x65: {  	_ =	swait.ge [sflag:s28], $0x1F40  }
0x66: {  	[sflag:s28] =	ssyncset.done $0x0  }
0x67: {  	s10 =	simm.s32 $0x300;
	[sflag:s28] =	ssyncadd.s32 $0xFFFFE0C0  }
0x68: {  	[tilespmem:s20], [sflag:$0x2] =	stream.indirect.gather [hbm4b:s4+s17], $0x40, s10, s17, $0xb8;
	[tilespmem:$0x18880] =	vst v63  }
0x69: {  	_ =	swait.ge [sflag:s1], $0x1F40  }
0x6a: {  	[sflag:s1] =	ssyncset.done $0x0  }
0x6b: {  	s12 =	simm.s32 $0x2A00;
	[sflag:s1] =	ssyncadd.s32 $0xFFFFE0C0  }
0x6c: {  	[spmem:s2] =	stream.indirect.scatter.add.f32 [tilespmem:s30], [sflag:$0xA], $0x40, s12, s17, $0xb8;
	[tilespmem:$0x18880] =	vst v63  }
0x6d: {  	_ =	swait.ge [sflag:s24], $0x1F40  }
0x6e: {  	[sflag:s24] =	ssyncset.done $0x0  }
0x6f: {  	s6 =	simm.s32 $0x0;
	s16 =	simm.s32 $0x380;
	[sflag:s24] =	ssyncadd.s32 $0xFFFFE0C0  }
0x70: {  	[tilespmem:s22], [sflag:$0x3] =	stream.indirect.gather [hbm4b:s4+s17], $0x40, s16, s17, $0xb8;
	[tilespmem:$0x18880] =	vst v63  }
.LBB2_2:
0x71: {  	_ =	swait.ge [sflag:s23], $0x1F40  }
0x72: {  	s8 =	sshra.s32 s6, $0x2;
	[sflag:s23] =	ssyncset.done $0x0  }
0x73: {  	s9 =	sadd.s32 $0x2A80, s8;
	[sflag:s23] =	ssyncadd.s32 $0xFFFFE0C0  }
0x74: {  	[spmem:s2] =	stream.indirect.scatter.add.f32 [tilespmem:s18], [sflag:$0x6], $0x40, s9, s17, $0xb8;
	[tilespmem:$0x18880] =	vst v63  }
0x75: {  	_ =	swait.ge [sflag:s19], $0x1F40  }
0x76: {  	[sflag:s19] =	ssyncset.done $0x0  }
0x77: {  	s12 =	sadd.s32 $0x400, s8;
	[sflag:s19] =	ssyncadd.s32 $0xFFFFE0C0  }
0x78: {  	[tilespmem:s25], [sflag:$0x4] =	stream.indirect.gather [hbm4b:s4+s17], $0x40, s12, s17, $0xb8;
	[tilespmem:$0x18880] =	vst v63  }
0x79: {  	_ =	swait.ge [sflag:s26], $0x1F40  }
0x7a: {  	[sflag:s26] =	ssyncset.done $0x0  }
0x7b: {  	s16 =	sadd.s32 $0x2B00, s8;
	[sflag:s26] =	ssyncadd.s32 $0xFFFFE0C0  }
0x7c: {  	[spmem:s2] =	stream.indirect.scatter.add.f32 [tilespmem:s20], [sflag:$0x7], $0x40, s16, s17, $0xb8;
	[tilespmem:$0x18880] =	vst v63  }
0x7d: {  	_ =	swait.ge [sflag:s29], $0x1F40  }
0x7e: {  	[sflag:s29] =	ssyncset.done $0x0  }
0x7f: {  	s10 =	sadd.s32 $0x480, s8;
	[sflag:s29] =	ssyncadd.s32 $0xFFFFE0C0  }
0x80: {  	[tilespmem:s30], [sflag:$0x5] =	stream.indirect.gather [hbm4b:s4+s17], $0x40, s10, s17, $0xb8;
	[tilespmem:$0x18880] =	vst v63  }
0x81: {  	_ =	swait.ge [sflag:s31], $0x1F40  }
0x82: {  	p1 =	seq.s32 s6, $0x8C00;
	[sflag:s31] =	ssyncset.done $0x0  }
0x83: {  	s9 =	simm.s32 @p1 $0x4;
	s12 =	sadd.s32 $0x2B80, s8;
	[sflag:s31] =	ssyncadd.s32 $0xFFFFE0C0  }
0x84: {  	[spmem:s2] =	stream.indirect.scatter.add.f32 [tilespmem:s22], [sflag:$0x8], $0x40, s12, s17, $0xb8;
	[tilespmem:$0x18880] =	vst v63  }
0x85: {  	_ =	swait.ge @p1 [sflag:s9], $0x1F40  }
0x86: {  	[sflag:s9] =	ssyncset.done @p1 $0x0  }
0x87: {  	[sflag:s9] =	ssyncadd.s32 @p1 $0xFFFFE0C0;
	s9 =	sshra.s32 @p1 s6, $0x2  }
0x88: {  	s10 =	simm.s32 @p1 $0x7D;
	s12 =	simm.s32 @p1 $0xADC0;
	s9 =	sadd.s32 @p1 $0x2C00, s9  }
0x89: {  	[spmem:s2] =	stream.indirect.scatter.add.f32 @p1 [tilespmem:s12], [sflag:$0x9], $0x40, s9, s10, $0xb8;
	[tilespmem:$0x18880] =	vst v63  }
0x8a: {  	s9 =	simm.s32 @!p1 $0x6  }
0x8b: {  	_ =	swait.ge @!p1 [sflag:s9], $0x1F40  }
0x8c: {  	[sflag:s9] =	ssyncset.done @!p1 $0x0  }
0x8d: {  	[sflag:s9] =	ssyncadd.s32 @!p1 $0xFFFFE0C0;
	s9 =	sshra.s32 @!p1 s6, $0x2  }
0x8e: {  	s16 =	simm.s32 @!p1 $0x5000;
	s12 =	simm.s32 @!p1 $0x7D;
	s10 =	sadd.s32 @!p1 $0x500, s9  }
0x8f: {  	[tilespmem:s16], [sflag:$0x1] =	stream.indirect.gather @!p1 [hbm4b:s4+s12], $0x40, s10, s12, $0xb8;
	[tilespmem:$0x18880] =	vst v63  }
0x90: {  	s10 =	simm.s32 @!p1 $0x4  }
0x91: {  	_ =	swait.ge @!p1 [sflag:s10], $0x1F40  }
0x92: {  	[sflag:s10] =	ssyncset.done @!p1 $0x0  }
0x93: {  	s16 =	simm.s32 @!p1 $0xADC0;
	[sflag:s10] =	ssyncadd.s32 @!p1 $0xFFFFE0C0;
	s10 =	sadd.s32 @!p1 $0x2C00, s9  }
0x94: {  	[spmem:s2] =	stream.indirect.scatter.add.f32 @!p1 [tilespmem:s16], [sflag:$0x9], $0x40, s10, s12, $0xb8;
	[tilespmem:$0x18880] =	vst v63  }
0x95: {  	s10 =	simm.s32 @!p1 $0x7  }
0x96: {  	_ =	swait.ge @!p1 [sflag:s10], $0x1F40  }
0x97: {  	[sflag:s10] =	ssyncset.done @!p1 $0x0  }
0x98: {  	s9 =	sadd.s32 @!p1 $0x580, s9;
	[sflag:s10] =	ssyncadd.s32 @!p1 $0xFFFFE0C0;
	s10 =	simm.s32 @!p1 $0x6F40  }
0x99: {  	[tilespmem:s10], [sflag:$0x2] =	stream.indirect.gather @!p1 [hbm4b:s4+s12], $0x40, s9, s12, $0xb8;
	[tilespmem:$0x18880] =	vst v63  }
.Ltmp2:
0x9a: {  	_ = 	snop;
	(pc) =	sbr.rel @p1 .LBB2_4-.Ltmp2, $4  }
0x9b: {  	_ =	swait.ge [sflag:s1], $0x1F40  }
0x9c: {  	[sflag:s1] =	ssyncset.done $0x0  }
0x9d: {  	s16 =	sadd.s32 $0x2C80, s8;
	[sflag:s1] =	ssyncadd.s32 $0xFFFFE0C0  }
0x9e: {  	[spmem:s2] =	stream.indirect.scatter.add.f32 [tilespmem:s30], [sflag:$0xA], $0x40, s16, s17, $0xb8;
	[tilespmem:$0x18880] =	vst v63  }
.Ltmp3:
0x9f: {  	(pc) =	sbr.rel .LBB2_2-.Ltmp3, $4  }
0xa0: {  	_ =	swait.ge [sflag:s24], $0x1F40  }
0xa1: {  	[sflag:s24] =	ssyncset.done $0x0  }
0xa2: {  	s8 =	sadd.s32 $0x600, s8;
	s6 =	sadd.s32 $0xA00, s6;
	[sflag:s24] =	ssyncadd.s32 $0xFFFFE0C0  }
0xa3: {  	[tilespmem:s22], [sflag:$0x3] =	stream.indirect.gather [hbm4b:s4+s17], $0x40, s8, s17, $0xb8;
	[tilespmem:$0x18880] =	vst v63  }
.LBB2_5:
0xa4: {  	_ =	sfence.sel $0x180000  }
0xa5: {  	[bflag:$0x0] =	sbarrier.arrive $0xFFFF  }
0xa6: {  	_ =	strace $0x90000050  }
0xa7: {  	s0 =	stileid.u32;
	[bflag:$0x2] =	sbarrier.arrive $0xFFFF  }
0xa8: {  	p0 =	sne.s32 s0, $0x0;
	s0 =	rddreg [dreg:$0x3]  }
0xa9: {  	s0 =	sadd.s32 @!p0 $0x100000, s0  }
0xaa: {  	[sflag:s0] =	ssyncadd.tile.s32 @!p0 $0x1;
	_ =	shalt  }
.Lfunc_end2:
_tile_overlayer_lowered:
.L_overlay_start_2:
0xab: {  	(tag) =	ssettag $0x2  }
0xac: {  	s0 =	rddreg [dreg:$0x0];
	s2 =	stileid.u32  }
0xad: {  	s1 =	rddreg [dreg:$0x1];
	p0 =	sne.s32 s2, $0x0  }
0xae: {  	s3 =	rddreg [dreg:$0x2];
	[bflag:$0x3] =	sbarrier.arrive $0xFFFF;
	s2 =	simm.s32 @!p0 $0x1C0B  }
0xaf: {  	[timem:s3], [sflag:s2] =	dma.local @!p0 [hbm:s0], s1  }
0xb0: {  	s0 =	simm.s32 @!p0 $0xB  }
0xb1: {  	_ =	swait.ge @!p0 [sflag:s0], s1  }
0xb2: {  	s1 =	ssub.s32 @!p0 $0x0, s1;
	[sflag:s0] =	ssyncset.done @!p0 $0x0  }
0xb3: {  	[sflag:s0] =	ssyncadd.s32 @!p0 s1  }
0xb4: {  	[bflag:$0x3] =	sbarrier.arrive $0xFFFF  }
0xb5: {  	_ =	shalt  }

</sc_bundles>
